<compile_context>
chip_gen: v7x
topology: tpu7x:2x2x1
jax: 0.10.2.dev20260603
libtpu: 0.0.44.dev20260713+nightly
codegen_flags: <defaults>
</compile_context>

<pallas_src>
import jax
import jax.numpy as jnp
from jax import lax
from jax.experimental import pallas as pl
from jax.experimental.pallas import tpu as pltpu
from jax.experimental.pallas import tpu_sc as plsc

K_TOP = 32
N_KEYS = 100000
D = 128
NQ = 4096

QBLK = 4096
KBLK = 512
SUB = KBLK // 128
N_KEYS_PAD = ((N_KEYS + KBLK - 1) // KBLK) * KBLK
NBLK = N_KEYS_PAD // 128

CAND_CAP = 48
SURV_CAP = 48
PAD_BLK = NBLK - 1
NEG = -1e30


def _mm_body(q_ref, k_ref, s3_ref, bm_ref):
    ki = pl.program_id(1)
    qn = q_ref[...]
    for b in range(SUB):
        kb = k_ref[b * 128:(b + 1) * 128, :]
        s = lax.dot_general(
            qn, kb, dimension_numbers=(((1,), (1,)), ((), ())),
            preferred_element_type=jnp.float32)
        col = ki * KBLK + b * 128 + lax.broadcasted_iota(jnp.int32, s.shape, 1)
        s = jnp.where(col < N_KEYS, s, NEG)
        s3_ref[b] = s
        st = lax.dot_general(
            kb, qn, dimension_numbers=(((1,), (1,)), ((), ())),
            preferred_element_type=jnp.float32)
        key = ki * KBLK + b * 128 + lax.broadcasted_iota(jnp.int32, st.shape, 0)
        st = jnp.where(key < N_KEYS, st, NEG)
        bm_ref[0, b] = jnp.max(st, axis=0)


def _mm(qn, knp):
    grid = (NQ // QBLK, N_KEYS_PAD // KBLK)
    return pl.pallas_call(
        _mm_body,
        grid=grid,
        in_specs=[
            pl.BlockSpec((QBLK, D), lambda qi, ki: (qi, 0)),
            pl.BlockSpec((KBLK, D), lambda qi, ki: (ki, 0)),
        ],
        out_specs=[
            pl.BlockSpec((SUB, QBLK, D), lambda qi, ki: (ki, qi, 0)),
            pl.BlockSpec((1, SUB, QBLK), lambda qi, ki: (ki, 0, qi)),
        ],
        out_shape=[
            jax.ShapeDtypeStruct((NBLK, NQ, D), jnp.float32),
            jax.ShapeDtypeStruct((NBLK // SUB, SUB, NQ), jnp.float32),
        ],
    )(qn, knp)


TBLK = 256


def _thr_body(bm_ref, t_ref, scr_ref):
    scr_ref[...] = bm_ref[...]

    def body(i, carry):
        b = scr_ref[...]
        m = jnp.max(b, axis=0, keepdims=True)
        scr_ref[...] = jnp.where(b == m, -jnp.inf, b)
        return carry

    lax.fori_loop(0, K_TOP - 1, body, 0)
    t = jnp.max(scr_ref[...], axis=0, keepdims=True)
    t_ref[...] = t - (jnp.abs(t) * 2e-6 + 1e-30)


def _thresholds(bmT):
    return pl.pallas_call(
        _thr_body,
        grid=(NQ // TBLK,),
        in_specs=[pl.BlockSpec((NBLK, TBLK), lambda i: (0, i))],
        out_specs=pl.BlockSpec((1, TBLK), lambda i: (0, i)),
        out_shape=jax.ShapeDtypeStruct((1, NQ), jnp.float32),
        scratch_shapes=[pltpu.VMEM((NBLK, TBLK), jnp.float32)],
    )(bmT)


def _splat(x, dtype=jnp.int32):
    return jnp.full((16,), x, dtype)


def _scalar(vec):
    return lax.reduce_max(vec, axes=(0,))


RB = 8
CSTRIDE = 64
SSTRIDE = 64


def _sc_body(s3_hbm, bm_hbm, t_hbm, val_hbm, sc_o, ix_o, gv_o,
             tch, bmv8, cand8, cnt8, gidx8, gblk8, sval8, sidx8,
             srow8, irow8, vrows8, sem):
    c = lax.axis_index("c")
    s = lax.axis_index("s")
    wid = s * 2 + c
    rows_per = NQ // 32
    base = wid * rows_per
    pltpu.sync_copy(t_hbm.at[pl.ds(base, rows_per)], tch)
    lane = lax.iota(jnp.int32, 16)

    def batch_body(bi, carry0):
        r0 = base + bi * RB
        pltpu.sync_copy(bm_hbm.at[pl.ds(r0, RB)], bmv8)

        def pass1(lr, carry):
            r = r0 + lr
            thr = plsc.load_gather(tch, [_splat(bi * RB + lr)])
            for v in range(CAND_CAP // 16):
                cand8[lr, pl.ds(v * 16, 16)] = _splat(PAD_BLK)

            def cbody(v, off):
                vals = bmv8[lr, pl.ds(v * 16, 16)]
                m = vals >= thr
                ids = lane + v * 16
                plsc.store_compressed(
                    cand8.at[lr, pl.ds(jnp.minimum(off, CAND_CAP), 16)],
                    ids, mask=m)
                cnt = plsc.all_reduce_population_count(m)
                return off + _scalar(cnt)

            cnt_c = lax.fori_loop(0, NBLK // 16, cbody, jnp.int32(0))
            plsc.store_scatter(cnt8, [_splat(lr)],
                               jnp.minimum(_splat(cnt_c), CAND_CAP),
                               mask=lane == 0)
            for v in range(CAND_CAP // 16):
                ids = cand8[lr, pl.ds(v * 16, 16)]
                gidx8[lr, pl.ds(v * 16, 16)] = ids * NQ + r
            return carry

        lax.fori_loop(0, RB, pass1, 0)

        cps = [pltpu.async_copy(s3_hbm.at[gidx8.at[lr]], gblk8.at[lr], sem)
               for lr in range(RB)]
        for cp in cps:
            cp.wait()

        def pass2(lr, carry):
            thr = plsc.load_gather(tch, [_splat(bi * RB + lr)])
            n_blk = _scalar(plsc.load_gather(cnt8, [_splat(lr)]))
            for v in range(SURV_CAP // 16):
                sval8[lr, pl.ds(v * 16, 16)] = jnp.full((16,), NEG,
                                                        jnp.float32)
                sidx8[lr, pl.ds(v * 16, 16)] = _splat(1 << 30)

            def fbody(vb, soff):
                blk = plsc.load_gather(cand8.at[lr], [_splat(vb)])
                gbase = blk * 128 + lane
                for l in range(8):
                    vals = gblk8[lr, vb, pl.ds(l * 16, 16)]
                    m = vals >= thr
                    at = pl.ds(jnp.minimum(soff, SURV_CAP), 16)
                    plsc.store_compressed(sval8.at[lr, at], vals, mask=m)
                    plsc.store_compressed(sidx8.at[lr, at], gbase + l * 16,
                                          mask=m)
                    cnt = plsc.all_reduce_population_count(m)
                    soff = soff + _scalar(cnt)
                return soff

            n_surv = lax.fori_loop(0, n_blk, fbody, jnp.int32(0))

            def rbody(i, carry2):
                bval = plsc.load_gather(sval8.at[lr], [_splat(i)])
                bidx = plsc.load_gather(sidx8.at[lr], [_splat(i)])
                rank = _splat(0)
                for v in range(SURV_CAP // 16):
                    sv = sval8[lr, pl.ds(v * 16, 16)]
                    si = sidx8[lr, pl.ds(v * 16, 16)]
                    beats = (sv > bval) | ((sv == bval) & (si < bidx))
                    rank = rank + plsc.all_reduce_population_count(beats)
                emit = (lane == 0) & (rank < K_TOP)
                plsc.store_scatter(srow8, [_splat(lr), rank], bval, mask=emit)
                plsc.store_scatter(irow8, [_splat(lr), rank], bidx, mask=emit)
                return carry2

            lax.fori_loop(0, jnp.minimum(n_surv, SURV_CAP), rbody, 0)
            return carry

        lax.fori_loop(0, RB, pass2, 0)

        cps = [pltpu.async_copy(val_hbm.at[irow8.at[lr]], vrows8.at[lr], sem)
               for lr in range(RB)]
        for cp in cps:
            cp.wait()
        pltpu.sync_copy(srow8, sc_o.at[pl.ds(r0, RB)])
        pltpu.sync_copy(irow8, ix_o.at[pl.ds(r0, RB)])
        pltpu.sync_copy(vrows8, gv_o.at[pl.ds(r0, RB)])
        return carry0

    lax.fori_loop(0, rows_per // RB, batch_body, 0)


def _sc_select(s3v, bm, t, values):
    mesh = plsc.VectorSubcoreMesh(core_axis_name="c", subcore_axis_name="s")
    f = pl.kernel(
        _sc_body,
        mesh=mesh,
        compiler_params=pltpu.CompilerParams(needs_layout_passes=False),
        out_type=[
            jax.ShapeDtypeStruct((NQ, K_TOP), jnp.float32),
            jax.ShapeDtypeStruct((NQ, K_TOP), jnp.int32),
            jax.ShapeDtypeStruct((NQ, K_TOP, D), jnp.float32),
        ],
        scratch_types=[
            pltpu.VMEM((NQ // 32,), jnp.float32),
            pltpu.VMEM((RB, NBLK), jnp.float32),
            pltpu.VMEM((RB, CSTRIDE), jnp.int32),
            pltpu.VMEM((16,), jnp.int32),
            pltpu.VMEM((RB, CAND_CAP), jnp.int32),
            pltpu.VMEM((RB, CAND_CAP, D), jnp.float32),
            pltpu.VMEM((RB, SSTRIDE), jnp.float32),
            pltpu.VMEM((RB, SSTRIDE), jnp.int32),
            pltpu.VMEM((RB, K_TOP), jnp.float32),
            pltpu.VMEM((RB, K_TOP), jnp.int32),
            pltpu.VMEM((RB, K_TOP, D), jnp.float32),
            pltpu.SemaphoreType.DMA,
        ],
    )
    return f(s3v, bm, t, values)


def kernel(query, key_memories, value_memories):
    qn = query / (jnp.linalg.norm(query, axis=-1, keepdims=True) + 1e-8)
    kn = key_memories / (
        jnp.linalg.norm(key_memories, axis=-1, keepdims=True) + 1e-8)
    knp = jnp.pad(kn, ((0, N_KEYS_PAD - N_KEYS), (0, 0)))
    s3, bmT3 = _mm(qn, knp)
    bmT = bmT3.reshape(NBLK, NQ)
    t = _thresholds(bmT).reshape(NQ)
    bm = bmT.T
    scores, indices, gathered = _sc_select(
        s3.reshape(NBLK * NQ, D), bm, t, value_memories)
    return (scores, indices, gathered)

# --- scband reference (transcript-rebuilt; emitter-appended) ---
"""Pipeline reference for scband-knnmemory-72421738545472 (READ-ONLY COPY).

The authoritative reference and input builder live on the scoring server;
editing this copy changes nothing except your own understanding.
"""

import jax, jax.numpy as jnp
import numpy as np

K_TOPK = 32

def setup_inputs(seed: int = 0) -> dict:
    key = jax.random.key(seed)
    k1, k2, k3 = jax.random.split(key, 3)
    query = jax.random.normal(k1, (4096, 128), dtype=jnp.float32)
    key_memories = jax.random.normal(k2, (100000, 128), dtype=jnp.float32)
    value_memories = jax.random.normal(k3, (100000, 128), dtype=jnp.float32)
    return {"query": query, "key_memories": key_memories, "value_memories": value_memories}

def _normalize(x):
    return x / (jnp.linalg.norm(x, axis=-1, keepdims=True) + 1e-08)

def reference(query, key_memories, value_memories):
    # find_knn
    q = _normalize(query)
    keys = _normalize(key_memories)
    similarities = jnp.matmul(q, keys.T)
    k = min(K_TOPK, key_memories.shape[0])
    scores, indices = jax.lax.top_k(similarities, k)
    # get_values: gather rows of value_memories
    gathered_values = jnp.take(value_memories, indices, axis=0)
    return (scores, indices, gathered_values)

if __name__ == "__main__":
    import jax
    _d = setup_inputs()
    print(jax.jit(kernel)(*tuple(_d.values())))

</pallas_src>

<mosaic_0001>
#map = affine_map<(d0, d1) -> (0, 0)>
#map1 = affine_map<(d0, d1) -> (0)>
#map2 = affine_map<(d0, d1) -> (0, 0, 0)>
module attributes {stable_mosaic.version = 14 : i64} {
  func.func @_sc_body(%arg0: i32, %arg1: i32, %arg2: memref<3211264x128xf32, #tpu.memory_space<hbm>>, %arg3: memref<4096x784xf32, #tpu.memory_space<hbm>>, %arg4: memref<4096xf32, #tpu.memory_space<hbm>>, %arg5: memref<100000x128xf32, #tpu.memory_space<hbm>>, %arg6: memref<4096x32xf32, #tpu.memory_space<hbm>>, %arg7: memref<4096x32xi32, #tpu.memory_space<hbm>>, %arg8: memref<4096x32x128xf32, #tpu.memory_space<hbm>>, %arg9: memref<128xf32, #tpu.memory_space<vmem>>, %arg10: memref<8x784xf32, #tpu.memory_space<vmem>>, %arg11: memref<8x64xi32, #tpu.memory_space<vmem>>, %arg12: memref<16xi32, #tpu.memory_space<vmem>>, %arg13: memref<8x48xi32, #tpu.memory_space<vmem>>, %arg14: memref<8x48x128xf32, #tpu.memory_space<vmem>>, %arg15: memref<8x64xf32, #tpu.memory_space<vmem>>, %arg16: memref<8x64xi32, #tpu.memory_space<vmem>>, %arg17: memref<8x32xf32, #tpu.memory_space<vmem>>, %arg18: memref<8x32xi32, #tpu.memory_space<vmem>>, %arg19: memref<8x32x128xf32, #tpu.memory_space<vmem>>, %arg20: memref<!tpu.dma_semaphore, #tpu.memory_space<semaphore_mem>>) attributes {dimension_semantics = [#tpu.dimension_semantics<core_parallel>, #tpu.dimension_semantics<subcore_parallel>], iteration_bounds = array<i64: 2, 16>, scalar_prefetch = 0 : i64, scratch_operands = 12 : i64, tpu.core_type = #tpu.core_type<sc_vector_subcore>, window_params = [{transform_indices = #map}, {transform_indices = #map}, {transform_indices = #map1}, {transform_indices = #map}, {transform_indices = #map}, {transform_indices = #map}, {transform_indices = #map2}]} {
    %mul3A = arith.constant 2 : i32
    %mul3A_0 = arith.muli %arg1, %mul3A : i32
    %add3A = arith.addi %mul3A_0, %arg0 : i32
    %mul3A_1 = arith.constant 128 : i32
    %mul3A_2 = arith.muli %add3A, %mul3A_1 : i32
    "tpu.region"() ({
      %run_scoped3A = tpu.sem_alloc : memref<!tpu.dma_semaphore, #tpu.memory_space<semaphore_mem>>
      %dma_start3A = tpu.memref_slice %arg4[%mul3A_2] : memref<4096xf32, #tpu.memory_space<hbm>> -> memref<128xf32, #tpu.memory_space<hbm>>
      %dma_start3A_8 = tpu.memref_slice %arg4[%mul3A_2] : memref<4096xf32, #tpu.memory_space<hbm>> -> memref<128xf32, #tpu.memory_space<hbm>>
      tpu.enqueue_dma source(%dma_start3A_8 : memref<128xf32, #tpu.memory_space<hbm>>) target(%arg9 : memref<128xf32, #tpu.memory_space<vmem>>) target_semaphore(%run_scoped3A : memref<!tpu.dma_semaphore, #tpu.memory_space<semaphore_mem>>)
      %dma_wait3A = tpu.memref_slice %arg4[%mul3A_2] : memref<4096xf32, #tpu.memory_space<hbm>> -> memref<128xf32, #tpu.memory_space<hbm>>
      %dma_wait3A_9 = tpu.memref_slice %arg4[%mul3A_2] : memref<4096xf32, #tpu.memory_space<hbm>> -> memref<128xf32, #tpu.memory_space<hbm>>
      tpu.wait_dma2 semaphore(%run_scoped3A : memref<!tpu.dma_semaphore, #tpu.memory_space<semaphore_mem>>) src(%dma_wait3A_9 : memref<128xf32, #tpu.memory_space<hbm>>) dst(%arg9 : memref<128xf32, #tpu.memory_space<vmem>>)
      tpu.yield
    }) : () -> ()
    %iota3A = tpu.iota {dimensions = array<i32: 0>} : vector<16xi32>
    %scan3A = arith.constant 0 : i32
    %scan3A_3 = arith.constant 0 : i32
    %scan3A_4 = arith.constant 16 : i32
    %scan3A_5 = arith.addi %scan3A_3, %scan3A_4 : i32
    %scan3A_6 = arith.constant 1 : i32
    scf.for %scan3A_8 = %scan3A_3 to %scan3A_5 step %scan3A_6  : i32 {
      %mul3A_9 = arith.constant 8 : i32
      %mul3A_10 = arith.muli %scan3A_8, %mul3A_9 : i32
      %add3A_11 = arith.addi %mul3A_2, %mul3A_10 : i32
      "tpu.region"() ({
        %run_scoped3A = tpu.sem_alloc : memref<!tpu.dma_semaphore, #tpu.memory_space<semaphore_mem>>
        %dma_start3A_406 = arith.constant 0 : i32
        %dma_start3A_407 = tpu.memref_slice %arg3[%add3A_11, %dma_start3A_406] : memref<4096x784xf32, #tpu.memory_space<hbm>> -> memref<8x784xf32, #tpu.memory_space<hbm>>
        %dma_start3A_408 = arith.constant 0 : i32
        %dma_start3A_409 = tpu.memref_slice %arg3[%add3A_11, %dma_start3A_408] : memref<4096x784xf32, #tpu.memory_space<hbm>> -> memref<8x784xf32, #tpu.memory_space<hbm>>
        tpu.enqueue_dma source(%dma_start3A_409 : memref<8x784xf32, #tpu.memory_space<hbm>>) target(%arg10 : memref<8x784xf32, #tpu.memory_space<vmem>>) target_semaphore(%run_scoped3A : memref<!tpu.dma_semaphore, #tpu.memory_space<semaphore_mem>>)
        %dma_wait3A_410 = arith.constant 0 : i32
        %dma_wait3A_411 = tpu.memref_slice %arg3[%add3A_11, %dma_wait3A_410] : memref<4096x784xf32, #tpu.memory_space<hbm>> -> memref<8x784xf32, #tpu.memory_space<hbm>>
        %dma_wait3A_412 = arith.constant 0 : i32
        %dma_wait3A_413 = tpu.memref_slice %arg3[%add3A_11, %dma_wait3A_412] : memref<4096x784xf32, #tpu.memory_space<hbm>> -> memref<8x784xf32, #tpu.memory_space<hbm>>
        tpu.wait_dma2 semaphore(%run_scoped3A : memref<!tpu.dma_semaphore, #tpu.memory_space<semaphore_mem>>) src(%dma_wait3A_413 : memref<8x784xf32, #tpu.memory_space<hbm>>) dst(%arg10 : memref<8x784xf32, #tpu.memory_space<vmem>>)
        tpu.yield
      }) : () -> ()
      %scan3A_12 = arith.constant 0 : i32
      %scan3A_13 = arith.constant 0 : i32
      %scan3A_14 = arith.constant 8 : i32
      %scan3A_15 = arith.addi %scan3A_13, %scan3A_14 : i32
      %scan3A_16 = arith.constant 1 : i32
      scf.for %scan3A_406 = %scan3A_13 to %scan3A_15 step %scan3A_16  : i32 {
        %add3A_407 = arith.addi %add3A_11, %scan3A_406 : i32
        %mul3A_408 = arith.constant 8 : i32
        %mul3A_409 = arith.muli %scan3A_8, %mul3A_408 : i32
        %add3A_410 = arith.addi %mul3A_409, %scan3A_406 : i32
        %broadcast_in_dim3A = vector.broadcast %add3A_410 : i32 to vector<16xi32>
        %gather3A = tpu.vector_load_idx %arg9[%broadcast_in_dim3A] : memref<128xf32, #tpu.memory_space<vmem>>[vector<16xi32>], vector<16xf32>,
        %broadcast_in_dim3A_411 = arith.constant 783 : i32
        %broadcast_in_dim3A_412 = vector.broadcast %broadcast_in_dim3A_411 : i32 to vector<16xi32>
        %swap3A = arith.index_cast %scan3A_406 : i32 to index
        %swap3A_413 = arith.constant 0 : index
        %swap3A_414 = tpu.vector_load %arg11[%swap3A, %swap3A_413] {strides = array<i32>} : memref<8x64xi32, #tpu.memory_space<vmem>>, vector<16xi32>,
        tpu.vector_store %arg11[%swap3A, %swap3A_413], %broadcast_in_dim3A_412 {strides = array<i32>} : memref<8x64xi32, #tpu.memory_space<vmem>>, vector<16xi32>,
        %broadcast_in_dim3A_415 = arith.constant 783 : i32
        %broadcast_in_dim3A_416 = vector.broadcast %broadcast_in_dim3A_415 : i32 to vector<16xi32>
        %swap3A_417 = arith.index_cast %scan3A_406 : i32 to index
        %swap3A_418 = arith.constant 16 : index
        %swap3A_419 = tpu.vector_load %arg11[%swap3A_417, %swap3A_418] {strides = array<i32>} : memref<8x64xi32, #tpu.memory_space<vmem>>, vector<16xi32>,
        tpu.vector_store %arg11[%swap3A_417, %swap3A_418], %broadcast_in_dim3A_416 {strides = array<i32>} : memref<8x64xi32, #tpu.memory_space<vmem>>, vector<16xi32>,
        %broadcast_in_dim3A_420 = arith.constant 783 : i32
        %broadcast_in_dim3A_421 = vector.broadcast %broadcast_in_dim3A_420 : i32 to vector<16xi32>
        %swap3A_422 = arith.index_cast %scan3A_406 : i32 to index
        %swap3A_423 = arith.constant 32 : index
        %swap3A_424 = tpu.vector_load %arg11[%swap3A_422, %swap3A_423] {strides = array<i32>} : memref<8x64xi32, #tpu.memory_space<vmem>>, vector<16xi32>,
        tpu.vector_store %arg11[%swap3A_422, %swap3A_423], %broadcast_in_dim3A_421 {strides = array<i32>} : memref<8x64xi32, #tpu.memory_space<vmem>>, vector<16xi32>,
        %scan3A_425 = arith.constant 0 : i32
        %scan3A_426 = arith.constant 0 : i32
        %scan3A_427 = arith.constant 49 : i32
        %scan3A_428 = arith.addi %scan3A_426, %scan3A_427 : i32
        %scan3A_429 = arith.constant 1 : i32
        %scan3A_430 = scf.for %scan3A_470 = %scan3A_426 to %scan3A_428 step %scan3A_429 iter_args(%scan3A_471 = %scan3A_425) -> (i32)  : i32 {
          %mul3A_472 = arith.constant 16 : i32
          %mul3A_473 = arith.muli %scan3A_470, %mul3A_472 : i32
          %get3A_474 = arith.index_cast %scan3A_406 : i32 to index
          %get3A_475 = arith.index_cast %mul3A_473 : i32 to index
          %get3A_476 = tpu.vector_load %arg10[%get3A_474, %get3A_475] {strides = array<i32>} : memref<8x784xf32, #tpu.memory_space<vmem>>, vector<16xf32>,
          %ge3A = arith.cmpf oge, %get3A_476, %gather3A : vector<16xf32>
          %mul3A_477 = arith.constant 16 : i32
          %mul3A_478 = arith.muli %scan3A_470, %mul3A_477 : i32
          %add3A_479 = vector.broadcast %mul3A_478 : i32 to vector<16xi32>
          %add3A_480 = arith.addi %iota3A, %add3A_479 : vector<16xi32>
          %min3A_481 = arith.constant 48 : i32
          %min3A_482 = arith.minsi %scan3A_471, %min3A_481 : i32
          %swap3A_483 = arith.index_cast %scan3A_406 : i32 to index
          %swap3A_484 = arith.index_cast %min3A_482 : i32 to index
          %swap3A_485 = tpu.vector_load %arg11[%swap3A_483, %swap3A_484] masked %ge3A {strides = array<i32>} : memref<8x64xi32, #tpu.memory_space<vmem>>, vector<16xi32>, vector<16xi1>
          tpu.vector_store %arg11[%swap3A_483, %swap3A_484], %add3A_480 masked %ge3A {strides = array<i32>} : memref<8x64xi32, #tpu.memory_space<vmem>>, vector<16xi32>, vector<16xi1>
          %all_reduce_population_count3A = tpu.all_reduce %ge3A {dim = 0 : i64, kind = #tpu.reduction_kind<sum>} : vector<16xi1> -> vector<16xi32>
          %reduce_max3A = arith.constant true
          %reduce_max3A_486 = vector.broadcast %reduce_max3A : i1 to vector<16xi1>
          %reduce_max3A_487 = arith.constant -2147483648 : i32
          %reduce_max3A_488 = vector.broadcast %reduce_max3A_487 : i32 to vector<16xi32>
          %reduce_max3A_489 = arith.xori %all_reduce_population_count3A, %reduce_max3A_488 : vector<16xi32>
          %reduce_max3A_490 = tpu.scan <max>, %reduce_max3A_489 masked %reduce_max3A_486 : vector<16xi32>, vector<16xi1> -> vector<16xi32>
          %reduce_max3A_491 = arith.xori %reduce_max3A_490, %reduce_max3A_488 : vector<16xi32>
          %reduce_max3A_492 = vector.extract %reduce_max3A_491[15] : i32 from vector<16xi32>
          %add3A_493 = arith.addi %scan3A_471, %reduce_max3A_492 : i32
          scf.yield %add3A_493 : i32
        }
        %scan3A_431 = arith.constant 49 : i32
        %broadcast_in_dim3A_432 = vector.broadcast %scan3A_406 : i32 to vector<16xi32>
        %broadcast_in_dim3A_433 = vector.broadcast %scan3A_430 : i32 to vector<16xi32>
        %min3A = arith.constant 48 : i32
        %min3A_434 = vector.broadcast %min3A : i32 to vector<16xi32>
        %min3A_435 = arith.minsi %broadcast_in_dim3A_433, %min3A_434 : vector<16xi32>
        %eq3A = arith.constant 0 : i32
        %eq3A_436 = vector.broadcast %eq3A : i32 to vector<16xi32>
        %eq3A_437 = arith.cmpi eq, %iota3A, %eq3A_436 : vector<16xi32>
        tpu.vector_store_idx %arg12[%broadcast_in_dim3A_432], %min3A_435 masked %eq3A_437 : memref<16xi32, #tpu.memory_space<vmem>>[vector<16xi32>], vector<16xi32>, vector<16xi1>
        %get3A = arith.index_cast %scan3A_406 : i32 to index
        %get3A_438 = arith.constant 0 : index
        %get3A_439 = tpu.vector_load %arg11[%get3A, %get3A_438] {strides = array<i32>} : memref<8x64xi32, #tpu.memory_space<vmem>>, vector<16xi32>,
        %mul3A_440 = arith.constant 4096 : i32
        %mul3A_441 = vector.broadcast %mul3A_440 : i32 to vector<16xi32>
        %mul3A_442 = arith.muli %get3A_439, %mul3A_441 : vector<16xi32>
        %add3A_443 = vector.broadcast %add3A_407 : i32 to vector<16xi32>
        %add3A_444 = arith.addi %mul3A_442, %add3A_443 : vector<16xi32>
        %swap3A_445 = arith.index_cast %scan3A_406 : i32 to index
        %swap3A_446 = arith.constant 0 : index
        %swap3A_447 = tpu.vector_load %arg13[%swap3A_445, %swap3A_446] {strides = array<i32>} : memref<8x48xi32, #tpu.memory_space<vmem>>, vector<16xi32>,
        tpu.vector_store %arg13[%swap3A_445, %swap3A_446], %add3A_444 {strides = array<i32>} : memref<8x48xi32, #tpu.memory_space<vmem>>, vector<16xi32>,
        %get3A_448 = arith.index_cast %scan3A_406 : i32 to index
        %get3A_449 = arith.constant 16 : index
        %get3A_450 = tpu.vector_load %arg11[%get3A_448, %get3A_449] {strides = array<i32>} : memref<8x64xi32, #tpu.memory_space<vmem>>, vector<16xi32>,
        %mul3A_451 = arith.constant 4096 : i32
        %mul3A_452 = vector.broadcast %mul3A_451 : i32 to vector<16xi32>
        %mul3A_453 = arith.muli %get3A_450, %mul3A_452 : vector<16xi32>
        %add3A_454 = vector.broadcast %add3A_407 : i32 to vector<16xi32>
        %add3A_455 = arith.addi %mul3A_453, %add3A_454 : vector<16xi32>
        %swap3A_456 = arith.index_cast %scan3A_406 : i32 to index
        %swap3A_457 = arith.constant 16 : index
        %swap3A_458 = tpu.vector_load %arg13[%swap3A_456, %swap3A_457] {strides = array<i32>} : memref<8x48xi32, #tpu.memory_space<vmem>>, vector<16xi32>,
        tpu.vector_store %arg13[%swap3A_456, %swap3A_457], %add3A_455 {strides = array<i32>} : memref<8x48xi32, #tpu.memory_space<vmem>>, vector<16xi32>,
        %get3A_459 = arith.index_cast %scan3A_406 : i32 to index
        %get3A_460 = arith.constant 32 : index
        %get3A_461 = tpu.vector_load %arg11[%get3A_459, %get3A_460] {strides = array<i32>} : memref<8x64xi32, #tpu.memory_space<vmem>>, vector<16xi32>,
        %mul3A_462 = arith.constant 4096 : i32
        %mul3A_463 = vector.broadcast %mul3A_462 : i32 to vector<16xi32>
        %mul3A_464 = arith.muli %get3A_461, %mul3A_463 : vector<16xi32>
        %add3A_465 = vector.broadcast %add3A_407 : i32 to vector<16xi32>
        %add3A_466 = arith.addi %mul3A_464, %add3A_465 : vector<16xi32>
        %swap3A_467 = arith.index_cast %scan3A_406 : i32 to index
        %swap3A_468 = arith.constant 32 : index
        %swap3A_469 = tpu.vector_load %arg13[%swap3A_467, %swap3A_468] {strides = array<i32>} : memref<8x48xi32, #tpu.memory_space<vmem>>, vector<16xi32>,
        tpu.vector_store %arg13[%swap3A_467, %swap3A_468], %add3A_466 {strides = array<i32>} : memref<8x48xi32, #tpu.memory_space<vmem>>, vector<16xi32>,
      }
      %scan3A_17 = arith.constant 8 : i32
      %dma_start3A = arith.constant 0 : i32
      %dma_start3A_18 = arith.constant 0 : i32
      %dma_start3A_19 = arith.constant 0 : i32
      %dma_start3A_20 = arith.constant 0 : i32
      %dma_start3A_21 = tpu.memref_slice %arg14[%dma_start3A_18, %dma_start3A_19, %dma_start3A_20] : memref<8x48x128xf32, #tpu.memory_space<vmem>> -> memref<1x48x128xf32, #tpu.memory_space<vmem>>
      %dma_start3A_22 = tpu.memref_squeeze %dma_start3A_21 : memref<1x48x128xf32, #tpu.memory_space<vmem>> -> memref<48x128xf32, #tpu.memory_space<vmem>>
      %dma_start3A_23 = arith.constant 0 : i32
      %dma_start3A_24 = tpu.memref_slice %arg13[%dma_start3A, %dma_start3A_23] : memref<8x48xi32, #tpu.memory_space<vmem>> -> memref<1x48xi32, #tpu.memory_space<vmem>>
      %dma_start3A_25 = tpu.memref_squeeze %dma_start3A_24 : memref<1x48xi32, #tpu.memory_space<vmem>> -> memref<48xi32, #tpu.memory_space<vmem>>
      %dma_start3A_26 = arith.constant 0 : i32
      %dma_start3A_27 = arith.constant 0 : i32
      %dma_start3A_28 = tpu.memref_slice %arg2[%dma_start3A_26, %dma_start3A_27] : memref<3211264x128xf32, #tpu.memory_space<hbm>> -> memref<3211264x128xf32, #tpu.memory_space<hbm>>
      tpu.enqueue_indirect_dma source(%dma_start3A_28 : memref<3211264x128xf32, #tpu.memory_space<hbm>>) target(%dma_start3A_22 : memref<48x128xf32, #tpu.memory_space<vmem>>) offsets(%dma_start3A_25 : memref<48xi32, #tpu.memory_space<vmem>>) semaphore(%arg20 : memref<!tpu.dma_semaphore, #tpu.memory_space<semaphore_mem>>)
      %dma_start3A_29 = arith.constant 1 : i32
      %dma_start3A_30 = arith.constant 1 : i32
      %dma_start3A_31 = arith.constant 0 : i32
      %dma_start3A_32 = arith.constant 0 : i32
      %dma_start3A_33 = tpu.memref_slice %arg14[%dma_start3A_30, %dma_start3A_31, %dma_start3A_32] : memref<8x48x128xf32, #tpu.memory_space<vmem>> -> memref<1x48x128xf32, #tpu.memory_space<vmem>>
      %dma_start3A_34 = tpu.memref_squeeze %dma_start3A_33 : memref<1x48x128xf32, #tpu.memory_space<vmem>> -> memref<48x128xf32, #tpu.memory_space<vmem>>
      %dma_start3A_35 = arith.constant 0 : i32
      %dma_start3A_36 = tpu.memref_slice %arg13[%dma_start3A_29, %dma_start3A_35] : memref<8x48xi32, #tpu.memory_space<vmem>> -> memref<1x48xi32, #tpu.memory_space<vmem>>
      %dma_start3A_37 = tpu.memref_squeeze %dma_start3A_36 : memref<1x48xi32, #tpu.memory_space<vmem>> -> memref<48xi32, #tpu.memory_space<vmem>>
      %dma_start3A_38 = arith.constant 0 : i32
      %dma_start3A_39 = arith.constant 0 : i32
      %dma_start3A_40 = tpu.memref_slice %arg2[%dma_start3A_38, %dma_start3A_39] : memref<3211264x128xf32, #tpu.memory_space<hbm>> -> memref<3211264x128xf32, #tpu.memory_space<hbm>>
      tpu.enqueue_indirect_dma source(%dma_start3A_40 : memref<3211264x128xf32, #tpu.memory_space<hbm>>) target(%dma_start3A_34 : memref<48x128xf32, #tpu.memory_space<vmem>>) offsets(%dma_start3A_37 : memref<48xi32, #tpu.memory_space<vmem>>) semaphore(%arg20 : memref<!tpu.dma_semaphore, #tpu.memory_space<semaphore_mem>>)
      %dma_start3A_41 = arith.constant 2 : i32
      %dma_start3A_42 = arith.constant 2 : i32
      %dma_start3A_43 = arith.constant 0 : i32
      %dma_start3A_44 = arith.constant 0 : i32
      %dma_start3A_45 = tpu.memref_slice %arg14[%dma_start3A_42, %dma_start3A_43, %dma_start3A_44] : memref<8x48x128xf32, #tpu.memory_space<vmem>> -> memref<1x48x128xf32, #tpu.memory_space<vmem>>
      %dma_start3A_46 = tpu.memref_squeeze %dma_start3A_45 : memref<1x48x128xf32, #tpu.memory_space<vmem>> -> memref<48x128xf32, #tpu.memory_space<vmem>>
      %dma_start3A_47 = arith.constant 0 : i32
      %dma_start3A_48 = tpu.memref_slice %arg13[%dma_start3A_41, %dma_start3A_47] : memref<8x48xi32, #tpu.memory_space<vmem>> -> memref<1x48xi32, #tpu.memory_space<vmem>>
      %dma_start3A_49 = tpu.memref_squeeze %dma_start3A_48 : memref<1x48xi32, #tpu.memory_space<vmem>> -> memref<48xi32, #tpu.memory_space<vmem>>
      %dma_start3A_50 = arith.constant 0 : i32
      %dma_start3A_51 = arith.constant 0 : i32
      %dma_start3A_52 = tpu.memref_slice %arg2[%dma_start3A_50, %dma_start3A_51] : memref<3211264x128xf32, #tpu.memory_space<hbm>> -> memref<3211264x128xf32, #tpu.memory_space<hbm>>
      tpu.enqueue_indirect_dma source(%dma_start3A_52 : memref<3211264x128xf32, #tpu.memory_space<hbm>>) target(%dma_start3A_46 : memref<48x128xf32, #tpu.memory_space<vmem>>) offsets(%dma_start3A_49 : memref<48xi32, #tpu.memory_space<vmem>>) semaphore(%arg20 : memref<!tpu.dma_semaphore, #tpu.memory_space<semaphore_mem>>)
      %dma_start3A_53 = arith.constant 3 : i32
      %dma_start3A_54 = arith.constant 3 : i32
      %dma_start3A_55 = arith.constant 0 : i32
      %dma_start3A_56 = arith.constant 0 : i32
      %dma_start3A_57 = tpu.memref_slice %arg14[%dma_start3A_54, %dma_start3A_55, %dma_start3A_56] : memref<8x48x128xf32, #tpu.memory_space<vmem>> -> memref<1x48x128xf32, #tpu.memory_space<vmem>>
      %dma_start3A_58 = tpu.memref_squeeze %dma_start3A_57 : memref<1x48x128xf32, #tpu.memory_space<vmem>> -> memref<48x128xf32, #tpu.memory_space<vmem>>
      %dma_start3A_59 = arith.constant 0 : i32
      %dma_start3A_60 = tpu.memref_slice %arg13[%dma_start3A_53, %dma_start3A_59] : memref<8x48xi32, #tpu.memory_space<vmem>> -> memref<1x48xi32, #tpu.memory_space<vmem>>
      %dma_start3A_61 = tpu.memref_squeeze %dma_start3A_60 : memref<1x48xi32, #tpu.memory_space<vmem>> -> memref<48xi32, #tpu.memory_space<vmem>>
      %dma_start3A_62 = arith.constant 0 : i32
      %dma_start3A_63 = arith.constant 0 : i32
      %dma_start3A_64 = tpu.memref_slice %arg2[%dma_start3A_62, %dma_start3A_63] : memref<3211264x128xf32, #tpu.memory_space<hbm>> -> memref<3211264x128xf32, #tpu.memory_space<hbm>>
      tpu.enqueue_indirect_dma source(%dma_start3A_64 : memref<3211264x128xf32, #tpu.memory_space<hbm>>) target(%dma_start3A_58 : memref<48x128xf32, #tpu.memory_space<vmem>>) offsets(%dma_start3A_61 : memref<48xi32, #tpu.memory_space<vmem>>) semaphore(%arg20 : memref<!tpu.dma_semaphore, #tpu.memory_space<semaphore_mem>>)
      %dma_start3A_65 = arith.constant 4 : i32
      %dma_start3A_66 = arith.constant 4 : i32
      %dma_start3A_67 = arith.constant 0 : i32
      %dma_start3A_68 = arith.constant 0 : i32
      %dma_start3A_69 = tpu.memref_slice %arg14[%dma_start3A_66, %dma_start3A_67, %dma_start3A_68] : memref<8x48x128xf32, #tpu.memory_space<vmem>> -> memref<1x48x128xf32, #tpu.memory_space<vmem>>
      %dma_start3A_70 = tpu.memref_squeeze %dma_start3A_69 : memref<1x48x128xf32, #tpu.memory_space<vmem>> -> memref<48x128xf32, #tpu.memory_space<vmem>>
      %dma_start3A_71 = arith.constant 0 : i32
      %dma_start3A_72 = tpu.memref_slice %arg13[%dma_start3A_65, %dma_start3A_71] : memref<8x48xi32, #tpu.memory_space<vmem>> -> memref<1x48xi32, #tpu.memory_space<vmem>>
      %dma_start3A_73 = tpu.memref_squeeze %dma_start3A_72 : memref<1x48xi32, #tpu.memory_space<vmem>> -> memref<48xi32, #tpu.memory_space<vmem>>
      %dma_start3A_74 = arith.constant 0 : i32
      %dma_start3A_75 = arith.constant 0 : i32
      %dma_start3A_76 = tpu.memref_slice %arg2[%dma_start3A_74, %dma_start3A_75] : memref<3211264x128xf32, #tpu.memory_space<hbm>> -> memref<3211264x128xf32, #tpu.memory_space<hbm>>
      tpu.enqueue_indirect_dma source(%dma_start3A_76 : memref<3211264x128xf32, #tpu.memory_space<hbm>>) target(%dma_start3A_70 : memref<48x128xf32, #tpu.memory_space<vmem>>) offsets(%dma_start3A_73 : memref<48xi32, #tpu.memory_space<vmem>>) semaphore(%arg20 : memref<!tpu.dma_semaphore, #tpu.memory_space<semaphore_mem>>)
      %dma_start3A_77 = arith.constant 5 : i32
      %dma_start3A_78 = arith.constant 5 : i32
      %dma_start3A_79 = arith.constant 0 : i32
      %dma_start3A_80 = arith.constant 0 : i32
      %dma_start3A_81 = tpu.memref_slice %arg14[%dma_start3A_78, %dma_start3A_79, %dma_start3A_80] : memref<8x48x128xf32, #tpu.memory_space<vmem>> -> memref<1x48x128xf32, #tpu.memory_space<vmem>>
      %dma_start3A_82 = tpu.memref_squeeze %dma_start3A_81 : memref<1x48x128xf32, #tpu.memory_space<vmem>> -> memref<48x128xf32, #tpu.memory_space<vmem>>
      %dma_start3A_83 = arith.constant 0 : i32
      %dma_start3A_84 = tpu.memref_slice %arg13[%dma_start3A_77, %dma_start3A_83] : memref<8x48xi32, #tpu.memory_space<vmem>> -> memref<1x48xi32, #tpu.memory_space<vmem>>
      %dma_start3A_85 = tpu.memref_squeeze %dma_start3A_84 : memref<1x48xi32, #tpu.memory_space<vmem>> -> memref<48xi32, #tpu.memory_space<vmem>>
      %dma_start3A_86 = arith.constant 0 : i32
      %dma_start3A_87 = arith.constant 0 : i32
      %dma_start3A_88 = tpu.memref_slice %arg2[%dma_start3A_86, %dma_start3A_87] : memref<3211264x128xf32, #tpu.memory_space<hbm>> -> memref<3211264x128xf32, #tpu.memory_space<hbm>>
      tpu.enqueue_indirect_dma source(%dma_start3A_88 : memref<3211264x128xf32, #tpu.memory_space<hbm>>) target(%dma_start3A_82 : memref<48x128xf32, #tpu.memory_space<vmem>>) offsets(%dma_start3A_85 : memref<48xi32, #tpu.memory_space<vmem>>) semaphore(%arg20 : memref<!tpu.dma_semaphore, #tpu.memory_space<semaphore_mem>>)
      %dma_start3A_89 = arith.constant 6 : i32
      %dma_start3A_90 = arith.constant 6 : i32
      %dma_start3A_91 = arith.constant 0 : i32
      %dma_start3A_92 = arith.constant 0 : i32
      %dma_start3A_93 = tpu.memref_slice %arg14[%dma_start3A_90, %dma_start3A_91, %dma_start3A_92] : memref<8x48x128xf32, #tpu.memory_space<vmem>> -> memref<1x48x128xf32, #tpu.memory_space<vmem>>
      %dma_start3A_94 = tpu.memref_squeeze %dma_start3A_93 : memref<1x48x128xf32, #tpu.memory_space<vmem>> -> memref<48x128xf32, #tpu.memory_space<vmem>>
      %dma_start3A_95 = arith.constant 0 : i32
      %dma_start3A_96 = tpu.memref_slice %arg13[%dma_start3A_89, %dma_start3A_95] : memref<8x48xi32, #tpu.memory_space<vmem>> -> memref<1x48xi32, #tpu.memory_space<vmem>>
      %dma_start3A_97 = tpu.memref_squeeze %dma_start3A_96 : memref<1x48xi32, #tpu.memory_space<vmem>> -> memref<48xi32, #tpu.memory_space<vmem>>
      %dma_start3A_98 = arith.constant 0 : i32
      %dma_start3A_99 = arith.constant 0 : i32
      %dma_start3A_100 = tpu.memref_slice %arg2[%dma_start3A_98, %dma_start3A_99] : memref<3211264x128xf32, #tpu.memory_space<hbm>> -> memref<3211264x128xf32, #tpu.memory_space<hbm>>
      tpu.enqueue_indirect_dma source(%dma_start3A_100 : memref<3211264x128xf32, #tpu.memory_space<hbm>>) target(%dma_start3A_94 : memref<48x128xf32, #tpu.memory_space<vmem>>) offsets(%dma_start3A_97 : memref<48xi32, #tpu.memory_space<vmem>>) semaphore(%arg20 : memref<!tpu.dma_semaphore, #tpu.memory_space<semaphore_mem>>)
      %dma_start3A_101 = arith.constant 7 : i32
      %dma_start3A_102 = arith.constant 7 : i32
      %dma_start3A_103 = arith.constant 0 : i32
      %dma_start3A_104 = arith.constant 0 : i32
      %dma_start3A_105 = tpu.memref_slice %arg14[%dma_start3A_102, %dma_start3A_103, %dma_start3A_104] : memref<8x48x128xf32, #tpu.memory_space<vmem>> -> memref<1x48x128xf32, #tpu.memory_space<vmem>>
      %dma_start3A_106 = tpu.memref_squeeze %dma_start3A_105 : memref<1x48x128xf32, #tpu.memory_space<vmem>> -> memref<48x128xf32, #tpu.memory_space<vmem>>
      %dma_start3A_107 = arith.constant 0 : i32
      %dma_start3A_108 = tpu.memref_slice %arg13[%dma_start3A_101, %dma_start3A_107] : memref<8x48xi32, #tpu.memory_space<vmem>> -> memref<1x48xi32, #tpu.memory_space<vmem>>
      %dma_start3A_109 = tpu.memref_squeeze %dma_start3A_108 : memref<1x48xi32, #tpu.memory_space<vmem>> -> memref<48xi32, #tpu.memory_space<vmem>>
      %dma_start3A_110 = arith.constant 0 : i32
      %dma_start3A_111 = arith.constant 0 : i32
      %dma_start3A_112 = tpu.memref_slice %arg2[%dma_start3A_110, %dma_start3A_111] : memref<3211264x128xf32, #tpu.memory_space<hbm>> -> memref<3211264x128xf32, #tpu.memory_space<hbm>>
      tpu.enqueue_indirect_dma source(%dma_start3A_112 : memref<3211264x128xf32, #tpu.memory_space<hbm>>) target(%dma_start3A_106 : memref<48x128xf32, #tpu.memory_space<vmem>>) offsets(%dma_start3A_109 : memref<48xi32, #tpu.memory_space<vmem>>) semaphore(%arg20 : memref<!tpu.dma_semaphore, #tpu.memory_space<semaphore_mem>>)
      %dma_wait3A = arith.constant 0 : i32
      %dma_wait3A_113 = arith.constant 0 : i32
      %dma_wait3A_114 = arith.constant 0 : i32
      %dma_wait3A_115 = arith.constant 0 : i32
      %dma_wait3A_116 = tpu.memref_slice %arg14[%dma_wait3A_113, %dma_wait3A_114, %dma_wait3A_115] : memref<8x48x128xf32, #tpu.memory_space<vmem>> -> memref<1x48x128xf32, #tpu.memory_space<vmem>>
      %dma_wait3A_117 = tpu.memref_squeeze %dma_wait3A_116 : memref<1x48x128xf32, #tpu.memory_space<vmem>> -> memref<48x128xf32, #tpu.memory_space<vmem>>
      %dma_wait3A_118 = arith.constant 0 : i32
      %dma_wait3A_119 = tpu.memref_slice %arg13[%dma_wait3A, %dma_wait3A_118] : memref<8x48xi32, #tpu.memory_space<vmem>> -> memref<1x48xi32, #tpu.memory_space<vmem>>
      %dma_wait3A_120 = tpu.memref_squeeze %dma_wait3A_119 : memref<1x48xi32, #tpu.memory_space<vmem>> -> memref<48xi32, #tpu.memory_space<vmem>>
      %dma_wait3A_121 = arith.constant 0 : i32
      %dma_wait3A_122 = arith.constant 0 : i32
      %dma_wait3A_123 = tpu.memref_slice %arg2[%dma_wait3A_121, %dma_wait3A_122] : memref<3211264x128xf32, #tpu.memory_space<hbm>> -> memref<3211264x128xf32, #tpu.memory_space<hbm>>
      tpu.wait_indirect_dma semaphore(%arg20 : memref<!tpu.dma_semaphore, #tpu.memory_space<semaphore_mem>>) src(%dma_wait3A_123 : memref<3211264x128xf32, #tpu.memory_space<hbm>>) dst(%dma_wait3A_117 : memref<48x128xf32, #tpu.memory_space<vmem>>)
      %dma_wait3A_124 = arith.constant 1 : i32
      %dma_wait3A_125 = arith.constant 1 : i32
      %dma_wait3A_126 = arith.constant 0 : i32
      %dma_wait3A_127 = arith.constant 0 : i32
      %dma_wait3A_128 = tpu.memref_slice %arg14[%dma_wait3A_125, %dma_wait3A_126, %dma_wait3A_127] : memref<8x48x128xf32, #tpu.memory_space<vmem>> -> memref<1x48x128xf32, #tpu.memory_space<vmem>>
      %dma_wait3A_129 = tpu.memref_squeeze %dma_wait3A_128 : memref<1x48x128xf32, #tpu.memory_space<vmem>> -> memref<48x128xf32, #tpu.memory_space<vmem>>
      %dma_wait3A_130 = arith.constant 0 : i32
      %dma_wait3A_131 = tpu.memref_slice %arg13[%dma_wait3A_124, %dma_wait3A_130] : memref<8x48xi32, #tpu.memory_space<vmem>> -> memref<1x48xi32, #tpu.memory_space<vmem>>
      %dma_wait3A_132 = tpu.memref_squeeze %dma_wait3A_131 : memref<1x48xi32, #tpu.memory_space<vmem>> -> memref<48xi32, #tpu.memory_space<vmem>>
      %dma_wait3A_133 = arith.constant 0 : i32
      %dma_wait3A_134 = arith.constant 0 : i32
      %dma_wait3A_135 = tpu.memref_slice %arg2[%dma_wait3A_133, %dma_wait3A_134] : memref<3211264x128xf32, #tpu.memory_space<hbm>> -> memref<3211264x128xf32, #tpu.memory_space<hbm>>
      tpu.wait_indirect_dma semaphore(%arg20 : memref<!tpu.dma_semaphore, #tpu.memory_space<semaphore_mem>>) src(%dma_wait3A_135 : memref<3211264x128xf32, #tpu.memory_space<hbm>>) dst(%dma_wait3A_129 : memref<48x128xf32, #tpu.memory_space<vmem>>)
      %dma_wait3A_136 = arith.constant 2 : i32
      %dma_wait3A_137 = arith.constant 2 : i32
      %dma_wait3A_138 = arith.constant 0 : i32
      %dma_wait3A_139 = arith.constant 0 : i32
      %dma_wait3A_140 = tpu.memref_slice %arg14[%dma_wait3A_137, %dma_wait3A_138, %dma_wait3A_139] : memref<8x48x128xf32, #tpu.memory_space<vmem>> -> memref<1x48x128xf32, #tpu.memory_space<vmem>>
      %dma_wait3A_141 = tpu.memref_squeeze %dma_wait3A_140 : memref<1x48x128xf32, #tpu.memory_space<vmem>> -> memref<48x128xf32, #tpu.memory_space<vmem>>
      %dma_wait3A_142 = arith.constant 0 : i32
      %dma_wait3A_143 = tpu.memref_slice %arg13[%dma_wait3A_136, %dma_wait3A_142] : memref<8x48xi32, #tpu.memory_space<vmem>> -> memref<1x48xi32, #tpu.memory_space<vmem>>
      %dma_wait3A_144 = tpu.memref_squeeze %dma_wait3A_143 : memref<1x48xi32, #tpu.memory_space<vmem>> -> memref<48xi32, #tpu.memory_space<vmem>>
      %dma_wait3A_145 = arith.constant 0 : i32
      %dma_wait3A_146 = arith.constant 0 : i32
      %dma_wait3A_147 = tpu.memref_slice %arg2[%dma_wait3A_145, %dma_wait3A_146] : memref<3211264x128xf32, #tpu.memory_space<hbm>> -> memref<3211264x128xf32, #tpu.memory_space<hbm>>
      tpu.wait_indirect_dma semaphore(%arg20 : memref<!tpu.dma_semaphore, #tpu.memory_space<semaphore_mem>>) src(%dma_wait3A_147 : memref<3211264x128xf32, #tpu.memory_space<hbm>>) dst(%dma_wait3A_141 : memref<48x128xf32, #tpu.memory_space<vmem>>)
      %dma_wait3A_148 = arith.constant 3 : i32
      %dma_wait3A_149 = arith.constant 3 : i32
      %dma_wait3A_150 = arith.constant 0 : i32
      %dma_wait3A_151 = arith.constant 0 : i32
      %dma_wait3A_152 = tpu.memref_slice %arg14[%dma_wait3A_149, %dma_wait3A_150, %dma_wait3A_151] : memref<8x48x128xf32, #tpu.memory_space<vmem>> -> memref<1x48x128xf32, #tpu.memory_space<vmem>>
      %dma_wait3A_153 = tpu.memref_squeeze %dma_wait3A_152 : memref<1x48x128xf32, #tpu.memory_space<vmem>> -> memref<48x128xf32, #tpu.memory_space<vmem>>
      %dma_wait3A_154 = arith.constant 0 : i32
      %dma_wait3A_155 = tpu.memref_slice %arg13[%dma_wait3A_148, %dma_wait3A_154] : memref<8x48xi32, #tpu.memory_space<vmem>> -> memref<1x48xi32, #tpu.memory_space<vmem>>
      %dma_wait3A_156 = tpu.memref_squeeze %dma_wait3A_155 : memref<1x48xi32, #tpu.memory_space<vmem>> -> memref<48xi32, #tpu.memory_space<vmem>>
      %dma_wait3A_157 = arith.constant 0 : i32
      %dma_wait3A_158 = arith.constant 0 : i32
      %dma_wait3A_159 = tpu.memref_slice %arg2[%dma_wait3A_157, %dma_wait3A_158] : memref<3211264x128xf32, #tpu.memory_space<hbm>> -> memref<3211264x128xf32, #tpu.memory_space<hbm>>
      tpu.wait_indirect_dma semaphore(%arg20 : memref<!tpu.dma_semaphore, #tpu.memory_space<semaphore_mem>>) src(%dma_wait3A_159 : memref<3211264x128xf32, #tpu.memory_space<hbm>>) dst(%dma_wait3A_153 : memref<48x128xf32, #tpu.memory_space<vmem>>)
      %dma_wait3A_160 = arith.constant 4 : i32
      %dma_wait3A_161 = arith.constant 4 : i32
      %dma_wait3A_162 = arith.constant 0 : i32
      %dma_wait3A_163 = arith.constant 0 : i32
      %dma_wait3A_164 = tpu.memref_slice %arg14[%dma_wait3A_161, %dma_wait3A_162, %dma_wait3A_163] : memref<8x48x128xf32, #tpu.memory_space<vmem>> -> memref<1x48x128xf32, #tpu.memory_space<vmem>>
      %dma_wait3A_165 = tpu.memref_squeeze %dma_wait3A_164 : memref<1x48x128xf32, #tpu.memory_space<vmem>> -> memref<48x128xf32, #tpu.memory_space<vmem>>
      %dma_wait3A_166 = arith.constant 0 : i32
      %dma_wait3A_167 = tpu.memref_slice %arg13[%dma_wait3A_160, %dma_wait3A_166] : memref<8x48xi32, #tpu.memory_space<vmem>> -> memref<1x48xi32, #tpu.memory_space<vmem>>
      %dma_wait3A_168 = tpu.memref_squeeze %dma_wait3A_167 : memref<1x48xi32, #tpu.memory_space<vmem>> -> memref<48xi32, #tpu.memory_space<vmem>>
      %dma_wait3A_169 = arith.constant 0 : i32
      %dma_wait3A_170 = arith.constant 0 : i32
      %dma_wait3A_171 = tpu.memref_slice %arg2[%dma_wait3A_169, %dma_wait3A_170] : memref<3211264x128xf32, #tpu.memory_space<hbm>> -> memref<3211264x128xf32, #tpu.memory_space<hbm>>
      tpu.wait_indirect_dma semaphore(%arg20 : memref<!tpu.dma_semaphore, #tpu.memory_space<semaphore_mem>>) src(%dma_wait3A_171 : memref<3211264x128xf32, #tpu.memory_space<hbm>>) dst(%dma_wait3A_165 : memref<48x128xf32, #tpu.memory_space<vmem>>)
      %dma_wait3A_172 = arith.constant 5 : i32
      %dma_wait3A_173 = arith.constant 5 : i32
      %dma_wait3A_174 = arith.constant 0 : i32
      %dma_wait3A_175 = arith.constant 0 : i32
      %dma_wait3A_176 = tpu.memref_slice %arg14[%dma_wait3A_173, %dma_wait3A_174, %dma_wait3A_175] : memref<8x48x128xf32, #tpu.memory_space<vmem>> -> memref<1x48x128xf32, #tpu.memory_space<vmem>>
      %dma_wait3A_177 = tpu.memref_squeeze %dma_wait3A_176 : memref<1x48x128xf32, #tpu.memory_space<vmem>> -> memref<48x128xf32, #tpu.memory_space<vmem>>
      %dma_wait3A_178 = arith.constant 0 : i32
      %dma_wait3A_179 = tpu.memref_slice %arg13[%dma_wait3A_172, %dma_wait3A_178] : memref<8x48xi32, #tpu.memory_space<vmem>> -> memref<1x48xi32, #tpu.memory_space<vmem>>
      %dma_wait3A_180 = tpu.memref_squeeze %dma_wait3A_179 : memref<1x48xi32, #tpu.memory_space<vmem>> -> memref<48xi32, #tpu.memory_space<vmem>>
      %dma_wait3A_181 = arith.constant 0 : i32
      %dma_wait3A_182 = arith.constant 0 : i32
      %dma_wait3A_183 = tpu.memref_slice %arg2[%dma_wait3A_181, %dma_wait3A_182] : memref<3211264x128xf32, #tpu.memory_space<hbm>> -> memref<3211264x128xf32, #tpu.memory_space<hbm>>
      tpu.wait_indirect_dma semaphore(%arg20 : memref<!tpu.dma_semaphore, #tpu.memory_space<semaphore_mem>>) src(%dma_wait3A_183 : memref<3211264x128xf32, #tpu.memory_space<hbm>>) dst(%dma_wait3A_177 : memref<48x128xf32, #tpu.memory_space<vmem>>)
      %dma_wait3A_184 = arith.constant 6 : i32
      %dma_wait3A_185 = arith.constant 6 : i32
      %dma_wait3A_186 = arith.constant 0 : i32
      %dma_wait3A_187 = arith.constant 0 : i32
      %dma_wait3A_188 = tpu.memref_slice %arg14[%dma_wait3A_185, %dma_wait3A_186, %dma_wait3A_187] : memref<8x48x128xf32, #tpu.memory_space<vmem>> -> memref<1x48x128xf32, #tpu.memory_space<vmem>>
      %dma_wait3A_189 = tpu.memref_squeeze %dma_wait3A_188 : memref<1x48x128xf32, #tpu.memory_space<vmem>> -> memref<48x128xf32, #tpu.memory_space<vmem>>
      %dma_wait3A_190 = arith.constant 0 : i32
      %dma_wait3A_191 = tpu.memref_slice %arg13[%dma_wait3A_184, %dma_wait3A_190] : memref<8x48xi32, #tpu.memory_space<vmem>> -> memref<1x48xi32, #tpu.memory_space<vmem>>
      %dma_wait3A_192 = tpu.memref_squeeze %dma_wait3A_191 : memref<1x48xi32, #tpu.memory_space<vmem>> -> memref<48xi32, #tpu.memory_space<vmem>>
      %dma_wait3A_193 = arith.constant 0 : i32
      %dma_wait3A_194 = arith.constant 0 : i32
      %dma_wait3A_195 = tpu.memref_slice %arg2[%dma_wait3A_193, %dma_wait3A_194] : memref<3211264x128xf32, #tpu.memory_space<hbm>> -> memref<3211264x128xf32, #tpu.memory_space<hbm>>
      tpu.wait_indirect_dma semaphore(%arg20 : memref<!tpu.dma_semaphore, #tpu.memory_space<semaphore_mem>>) src(%dma_wait3A_195 : memref<3211264x128xf32, #tpu.memory_space<hbm>>) dst(%dma_wait3A_189 : memref<48x128xf32, #tpu.memory_space<vmem>>)
      %dma_wait3A_196 = arith.constant 7 : i32
      %dma_wait3A_197 = arith.constant 7 : i32
      %dma_wait3A_198 = arith.constant 0 : i32
      %dma_wait3A_199 = arith.constant 0 : i32
      %dma_wait3A_200 = tpu.memref_slice %arg14[%dma_wait3A_197, %dma_wait3A_198, %dma_wait3A_199] : memref<8x48x128xf32, #tpu.memory_space<vmem>> -> memref<1x48x128xf32, #tpu.memory_space<vmem>>
      %dma_wait3A_201 = tpu.memref_squeeze %dma_wait3A_200 : memref<1x48x128xf32, #tpu.memory_space<vmem>> -> memref<48x128xf32, #tpu.memory_space<vmem>>
      %dma_wait3A_202 = arith.constant 0 : i32
      %dma_wait3A_203 = tpu.memref_slice %arg13[%dma_wait3A_196, %dma_wait3A_202] : memref<8x48xi32, #tpu.memory_space<vmem>> -> memref<1x48xi32, #tpu.memory_space<vmem>>
      %dma_wait3A_204 = tpu.memref_squeeze %dma_wait3A_203 : memref<1x48xi32, #tpu.memory_space<vmem>> -> memref<48xi32, #tpu.memory_space<vmem>>
      %dma_wait3A_205 = arith.constant 0 : i32
      %dma_wait3A_206 = arith.constant 0 : i32
      %dma_wait3A_207 = tpu.memref_slice %arg2[%dma_wait3A_205, %dma_wait3A_206] : memref<3211264x128xf32, #tpu.memory_space<hbm>> -> memref<3211264x128xf32, #tpu.memory_space<hbm>>
      tpu.wait_indirect_dma semaphore(%arg20 : memref<!tpu.dma_semaphore, #tpu.memory_space<semaphore_mem>>) src(%dma_wait3A_207 : memref<3211264x128xf32, #tpu.memory_space<hbm>>) dst(%dma_wait3A_201 : memref<48x128xf32, #tpu.memory_space<vmem>>)
      %scan3A_208 = arith.constant 0 : i32
      %scan3A_209 = arith.constant 0 : i32
      %scan3A_210 = arith.constant 8 : i32
      %scan3A_211 = arith.addi %scan3A_209, %scan3A_210 : i32
      %scan3A_212 = arith.constant 1 : i32
      scf.for %scan3A_406 = %scan3A_209 to %scan3A_211 step %scan3A_212  : i32 {
        %mul3A_407 = arith.constant 8 : i32
        %mul3A_408 = arith.muli %scan3A_8, %mul3A_407 : i32
        %add3A_409 = arith.addi %mul3A_408, %scan3A_406 : i32
        %broadcast_in_dim3A = vector.broadcast %add3A_409 : i32 to vector<16xi32>
        %gather3A = tpu.vector_load_idx %arg9[%broadcast_in_dim3A] : memref<128xf32, #tpu.memory_space<vmem>>[vector<16xi32>], vector<16xf32>,
        %broadcast_in_dim3A_410 = vector.broadcast %scan3A_406 : i32 to vector<16xi32>
        %gather3A_411 = tpu.vector_load_idx %arg12[%broadcast_in_dim3A_410] : memref<16xi32, #tpu.memory_space<vmem>>[vector<16xi32>], vector<16xi32>,
        %reduce_max3A = arith.constant true
        %reduce_max3A_412 = vector.broadcast %reduce_max3A : i1 to vector<16xi1>
        %reduce_max3A_413 = arith.constant -2147483648 : i32
        %reduce_max3A_414 = vector.broadcast %reduce_max3A_413 : i32 to vector<16xi32>
        %reduce_max3A_415 = arith.xori %gather3A_411, %reduce_max3A_414 : vector<16xi32>
        %reduce_max3A_416 = tpu.scan <max>, %reduce_max3A_415 masked %reduce_max3A_412 : vector<16xi32>, vector<16xi1> -> vector<16xi32>
        %reduce_max3A_417 = arith.xori %reduce_max3A_416, %reduce_max3A_414 : vector<16xi32>
        %reduce_max3A_418 = vector.extract %reduce_max3A_417[15] : i32 from vector<16xi32>
        %broadcast_in_dim3A_419 = arith.constant -1.000000e+30 : f32
        %broadcast_in_dim3A_420 = vector.broadcast %broadcast_in_dim3A_419 : f32 to vector<16xf32>
        %swap3A = arith.index_cast %scan3A_406 : i32 to index
        %swap3A_421 = arith.constant 0 : index
        %swap3A_422 = tpu.vector_load %arg15[%swap3A, %swap3A_421] {strides = array<i32>} : memref<8x64xf32, #tpu.memory_space<vmem>>, vector<16xf32>,
        tpu.vector_store %arg15[%swap3A, %swap3A_421], %broadcast_in_dim3A_420 {strides = array<i32>} : memref<8x64xf32, #tpu.memory_space<vmem>>, vector<16xf32>,
        %broadcast_in_dim3A_423 = arith.constant 1073741824 : i32
        %broadcast_in_dim3A_424 = vector.broadcast %broadcast_in_dim3A_423 : i32 to vector<16xi32>
        %swap3A_425 = arith.index_cast %scan3A_406 : i32 to index
        %swap3A_426 = arith.constant 0 : index
        %swap3A_427 = tpu.vector_load %arg16[%swap3A_425, %swap3A_426] {strides = array<i32>} : memref<8x64xi32, #tpu.memory_space<vmem>>, vector<16xi32>,
        tpu.vector_store %arg16[%swap3A_425, %swap3A_426], %broadcast_in_dim3A_424 {strides = array<i32>} : memref<8x64xi32, #tpu.memory_space<vmem>>, vector<16xi32>,
        %broadcast_in_dim3A_428 = arith.constant -1.000000e+30 : f32
        %broadcast_in_dim3A_429 = vector.broadcast %broadcast_in_dim3A_428 : f32 to vector<16xf32>
        %swap3A_430 = arith.index_cast %scan3A_406 : i32 to index
        %swap3A_431 = arith.constant 16 : index
        %swap3A_432 = tpu.vector_load %arg15[%swap3A_430, %swap3A_431] {strides = array<i32>} : memref<8x64xf32, #tpu.memory_space<vmem>>, vector<16xf32>,
        tpu.vector_store %arg15[%swap3A_430, %swap3A_431], %broadcast_in_dim3A_429 {strides = array<i32>} : memref<8x64xf32, #tpu.memory_space<vmem>>, vector<16xf32>,
        %broadcast_in_dim3A_433 = arith.constant 1073741824 : i32
        %broadcast_in_dim3A_434 = vector.broadcast %broadcast_in_dim3A_433 : i32 to vector<16xi32>
        %swap3A_435 = arith.index_cast %scan3A_406 : i32 to index
        %swap3A_436 = arith.constant 16 : index
        %swap3A_437 = tpu.vector_load %arg16[%swap3A_435, %swap3A_436] {strides = array<i32>} : memref<8x64xi32, #tpu.memory_space<vmem>>, vector<16xi32>,
        tpu.vector_store %arg16[%swap3A_435, %swap3A_436], %broadcast_in_dim3A_434 {strides = array<i32>} : memref<8x64xi32, #tpu.memory_space<vmem>>, vector<16xi32>,
        %broadcast_in_dim3A_438 = arith.constant -1.000000e+30 : f32
        %broadcast_in_dim3A_439 = vector.broadcast %broadcast_in_dim3A_438 : f32 to vector<16xf32>
        %swap3A_440 = arith.index_cast %scan3A_406 : i32 to index
        %swap3A_441 = arith.constant 32 : index
        %swap3A_442 = tpu.vector_load %arg15[%swap3A_440, %swap3A_441] {strides = array<i32>} : memref<8x64xf32, #tpu.memory_space<vmem>>, vector<16xf32>,
        tpu.vector_store %arg15[%swap3A_440, %swap3A_441], %broadcast_in_dim3A_439 {strides = array<i32>} : memref<8x64xf32, #tpu.memory_space<vmem>>, vector<16xf32>,
        %broadcast_in_dim3A_443 = arith.constant 1073741824 : i32
        %broadcast_in_dim3A_444 = vector.broadcast %broadcast_in_dim3A_443 : i32 to vector<16xi32>
        %swap3A_445 = arith.index_cast %scan3A_406 : i32 to index
        %swap3A_446 = arith.constant 32 : index
        %swap3A_447 = tpu.vector_load %arg16[%swap3A_445, %swap3A_446] {strides = array<i32>} : memref<8x64xi32, #tpu.memory_space<vmem>>, vector<16xi32>,
        tpu.vector_store %arg16[%swap3A_445, %swap3A_446], %broadcast_in_dim3A_444 {strides = array<i32>} : memref<8x64xi32, #tpu.memory_space<vmem>>, vector<16xi32>,
        %while3A = arith.constant 0 : i32
        %while3A_448 = arith.constant 0 : i32
        %while3A_449 = arith.subi %reduce_max3A_418, %while3A : i32
        %while3A_450 = arith.addi %while3A, %while3A_449 : i32
        %while3A_451 = arith.constant 1 : i32
        %while3A_452 = arith.divsi %while3A_449, %while3A_451 : i32
        %while3A_453 = arith.muli %while3A_452, %while3A_451 : i32
        %while3A_454 = arith.addi %while3A, %while3A_453 : i32
        %while3A_455 = arith.constant 1 : i32
        %while3A_456 = scf.for %while3A_470 = %while3A to %while3A_454 step %while3A_455 iter_args(%while3A_471 = %while3A_448) -> (i32)  : i32 {
          %broadcast_in_dim3A_472 = vector.broadcast %while3A_470 : i32 to vector<16xi32>
          %gather3A_473 = arith.constant 0 : i32
          %gather3A_474 = tpu.memref_slice %arg11[%scan3A_406, %gather3A_473] : memref<8x64xi32, #tpu.memory_space<vmem>> -> memref<1x64xi32, #tpu.memory_space<vmem>>
          %gather3A_475 = tpu.memref_squeeze %gather3A_474 : memref<1x64xi32, #tpu.memory_space<vmem>> -> memref<64xi32, #tpu.memory_space<vmem>>
          %gather3A_476 = tpu.vector_load_idx %gather3A_475[%broadcast_in_dim3A_472] : memref<64xi32, #tpu.memory_space<vmem>>[vector<16xi32>], vector<16xi32>,
          %mul3A_477 = arith.constant 128 : i32
          %mul3A_478 = vector.broadcast %mul3A_477 : i32 to vector<16xi32>
          %mul3A_479 = arith.muli %gather3A_476, %mul3A_478 : vector<16xi32>
          %add3A_480 = arith.addi %mul3A_479, %iota3A : vector<16xi32>
          %get3A = arith.index_cast %scan3A_406 : i32 to index
          %get3A_481 = arith.index_cast %while3A_470 : i32 to index
          %get3A_482 = arith.constant 0 : index
          %get3A_483 = tpu.vector_load %arg14[%get3A, %get3A_481, %get3A_482] {strides = array<i32>} : memref<8x48x128xf32, #tpu.memory_space<vmem>>, vector<16xf32>,
          %ge3A = arith.cmpf oge, %get3A_483, %gather3A : vector<16xf32>
          %min3A_484 = arith.constant 48 : i32
          %min3A_485 = arith.minsi %while3A_471, %min3A_484 : i32
          %swap3A_486 = arith.index_cast %scan3A_406 : i32 to index
          %swap3A_487 = arith.index_cast %min3A_485 : i32 to index
          %swap3A_488 = tpu.vector_load %arg15[%swap3A_486, %swap3A_487] masked %ge3A {strides = array<i32>} : memref<8x64xf32, #tpu.memory_space<vmem>>, vector<16xf32>, vector<16xi1>
          tpu.vector_store %arg15[%swap3A_486, %swap3A_487], %get3A_483 masked %ge3A {strides = array<i32>} : memref<8x64xf32, #tpu.memory_space<vmem>>, vector<16xf32>, vector<16xi1>
          %add3A_489 = arith.constant 0 : i32
          %add3A_490 = vector.broadcast %add3A_489 : i32 to vector<16xi32>
          %add3A_491 = arith.addi %add3A_480, %add3A_490 : vector<16xi32>
          %swap3A_492 = arith.index_cast %scan3A_406 : i32 to index
          %swap3A_493 = arith.index_cast %min3A_485 : i32 to index
          %swap3A_494 = tpu.vector_load %arg16[%swap3A_492, %swap3A_493] masked %ge3A {strides = array<i32>} : memref<8x64xi32, #tpu.memory_space<vmem>>, vector<16xi32>, vector<16xi1>
          tpu.vector_store %arg16[%swap3A_492, %swap3A_493], %add3A_491 masked %ge3A {strides = array<i32>} : memref<8x64xi32, #tpu.memory_space<vmem>>, vector<16xi32>, vector<16xi1>
          %all_reduce_population_count3A = tpu.all_reduce %ge3A {dim = 0 : i64, kind = #tpu.reduction_kind<sum>} : vector<16xi1> -> vector<16xi32>
          %reduce_max3A_495 = arith.constant true
          %reduce_max3A_496 = vector.broadcast %reduce_max3A_495 : i1 to vector<16xi1>
          %reduce_max3A_497 = arith.constant -2147483648 : i32
          %reduce_max3A_498 = vector.broadcast %reduce_max3A_497 : i32 to vector<16xi32>
          %reduce_max3A_499 = arith.xori %all_reduce_population_count3A, %reduce_max3A_498 : vector<16xi32>
          %reduce_max3A_500 = tpu.scan <max>, %reduce_max3A_499 masked %reduce_max3A_496 : vector<16xi32>, vector<16xi1> -> vector<16xi32>
          %reduce_max3A_501 = arith.xori %reduce_max3A_500, %reduce_max3A_498 : vector<16xi32>
          %reduce_max3A_502 = vector.extract %reduce_max3A_501[15] : i32 from vector<16xi32>
          %add3A_503 = arith.addi %while3A_471, %reduce_max3A_502 : i32
          %get3A_504 = arith.index_cast %scan3A_406 : i32 to index
          %get3A_505 = arith.index_cast %while3A_470 : i32 to index
          %get3A_506 = arith.constant 16 : index
          %get3A_507 = tpu.vector_load %arg14[%get3A_504, %get3A_505, %get3A_506] {strides = array<i32>} : memref<8x48x128xf32, #tpu.memory_space<vmem>>, vector<16xf32>,
          %ge3A_508 = arith.cmpf oge, %get3A_507, %gather3A : vector<16xf32>
          %min3A_509 = arith.constant 48 : i32
          %min3A_510 = arith.minsi %add3A_503, %min3A_509 : i32
          %swap3A_511 = arith.index_cast %scan3A_406 : i32 to index
          %swap3A_512 = arith.index_cast %min3A_510 : i32 to index
          %swap3A_513 = tpu.vector_load %arg15[%swap3A_511, %swap3A_512] masked %ge3A_508 {strides = array<i32>} : memref<8x64xf32, #tpu.memory_space<vmem>>, vector<16xf32>, vector<16xi1>
          tpu.vector_store %arg15[%swap3A_511, %swap3A_512], %get3A_507 masked %ge3A_508 {strides = array<i32>} : memref<8x64xf32, #tpu.memory_space<vmem>>, vector<16xf32>, vector<16xi1>
          %add3A_514 = arith.constant 16 : i32
          %add3A_515 = vector.broadcast %add3A_514 : i32 to vector<16xi32>
          %add3A_516 = arith.addi %add3A_480, %add3A_515 : vector<16xi32>
          %swap3A_517 = arith.index_cast %scan3A_406 : i32 to index
          %swap3A_518 = arith.index_cast %min3A_510 : i32 to index
          %swap3A_519 = tpu.vector_load %arg16[%swap3A_517, %swap3A_518] masked %ge3A_508 {strides = array<i32>} : memref<8x64xi32, #tpu.memory_space<vmem>>, vector<16xi32>, vector<16xi1>
          tpu.vector_store %arg16[%swap3A_517, %swap3A_518], %add3A_516 masked %ge3A_508 {strides = array<i32>} : memref<8x64xi32, #tpu.memory_space<vmem>>, vector<16xi32>, vector<16xi1>
          %all_reduce_population_count3A_520 = tpu.all_reduce %ge3A_508 {dim = 0 : i64, kind = #tpu.reduction_kind<sum>} : vector<16xi1> -> vector<16xi32>
          %reduce_max3A_521 = arith.constant true
          %reduce_max3A_522 = vector.broadcast %reduce_max3A_521 : i1 to vector<16xi1>
          %reduce_max3A_523 = arith.constant -2147483648 : i32
          %reduce_max3A_524 = vector.broadcast %reduce_max3A_523 : i32 to vector<16xi32>
          %reduce_max3A_525 = arith.xori %all_reduce_population_count3A_520, %reduce_max3A_524 : vector<16xi32>
          %reduce_max3A_526 = tpu.scan <max>, %reduce_max3A_525 masked %reduce_max3A_522 : vector<16xi32>, vector<16xi1> -> vector<16xi32>
          %reduce_max3A_527 = arith.xori %reduce_max3A_526, %reduce_max3A_524 : vector<16xi32>
          %reduce_max3A_528 = vector.extract %reduce_max3A_527[15] : i32 from vector<16xi32>
          %add3A_529 = arith.addi %add3A_503, %reduce_max3A_528 : i32
          %get3A_530 = arith.index_cast %scan3A_406 : i32 to index
          %get3A_531 = arith.index_cast %while3A_470 : i32 to index
          %get3A_532 = arith.constant 32 : index
          %get3A_533 = tpu.vector_load %arg14[%get3A_530, %get3A_531, %get3A_532] {strides = array<i32>} : memref<8x48x128xf32, #tpu.memory_space<vmem>>, vector<16xf32>,
          %ge3A_534 = arith.cmpf oge, %get3A_533, %gather3A : vector<16xf32>
          %min3A_535 = arith.constant 48 : i32
          %min3A_536 = arith.minsi %add3A_529, %min3A_535 : i32
          %swap3A_537 = arith.index_cast %scan3A_406 : i32 to index
          %swap3A_538 = arith.index_cast %min3A_536 : i32 to index
          %swap3A_539 = tpu.vector_load %arg15[%swap3A_537, %swap3A_538] masked %ge3A_534 {strides = array<i32>} : memref<8x64xf32, #tpu.memory_space<vmem>>, vector<16xf32>, vector<16xi1>
          tpu.vector_store %arg15[%swap3A_537, %swap3A_538], %get3A_533 masked %ge3A_534 {strides = array<i32>} : memref<8x64xf32, #tpu.memory_space<vmem>>, vector<16xf32>, vector<16xi1>
          %add3A_540 = arith.constant 32 : i32
          %add3A_541 = vector.broadcast %add3A_540 : i32 to vector<16xi32>
          %add3A_542 = arith.addi %add3A_480, %add3A_541 : vector<16xi32>
          %swap3A_543 = arith.index_cast %scan3A_406 : i32 to index
          %swap3A_544 = arith.index_cast %min3A_536 : i32 to index
          %swap3A_545 = tpu.vector_load %arg16[%swap3A_543, %swap3A_544] masked %ge3A_534 {strides = array<i32>} : memref<8x64xi32, #tpu.memory_space<vmem>>, vector<16xi32>, vector<16xi1>
          tpu.vector_store %arg16[%swap3A_543, %swap3A_544], %add3A_542 masked %ge3A_534 {strides = array<i32>} : memref<8x64xi32, #tpu.memory_space<vmem>>, vector<16xi32>, vector<16xi1>
          %all_reduce_population_count3A_546 = tpu.all_reduce %ge3A_534 {dim = 0 : i64, kind = #tpu.reduction_kind<sum>} : vector<16xi1> -> vector<16xi32>
          %reduce_max3A_547 = arith.constant true
          %reduce_max3A_548 = vector.broadcast %reduce_max3A_547 : i1 to vector<16xi1>
          %reduce_max3A_549 = arith.constant -2147483648 : i32
          %reduce_max3A_550 = vector.broadcast %reduce_max3A_549 : i32 to vector<16xi32>
          %reduce_max3A_551 = arith.xori %all_reduce_population_count3A_546, %reduce_max3A_550 : vector<16xi32>
          %reduce_max3A_552 = tpu.scan <max>, %reduce_max3A_551 masked %reduce_max3A_548 : vector<16xi32>, vector<16xi1> -> vector<16xi32>
          %reduce_max3A_553 = arith.xori %reduce_max3A_552, %reduce_max3A_550 : vector<16xi32>
          %reduce_max3A_554 = vector.extract %reduce_max3A_553[15] : i32 from vector<16xi32>
          %add3A_555 = arith.addi %add3A_529, %reduce_max3A_554 : i32
          %get3A_556 = arith.index_cast %scan3A_406 : i32 to index
          %get3A_557 = arith.index_cast %while3A_470 : i32 to index
          %get3A_558 = arith.constant 48 : index
          %get3A_559 = tpu.vector_load %arg14[%get3A_556, %get3A_557, %get3A_558] {strides = array<i32>} : memref<8x48x128xf32, #tpu.memory_space<vmem>>, vector<16xf32>,
          %ge3A_560 = arith.cmpf oge, %get3A_559, %gather3A : vector<16xf32>
          %min3A_561 = arith.constant 48 : i32
          %min3A_562 = arith.minsi %add3A_555, %min3A_561 : i32
          %swap3A_563 = arith.index_cast %scan3A_406 : i32 to index
          %swap3A_564 = arith.index_cast %min3A_562 : i32 to index
          %swap3A_565 = tpu.vector_load %arg15[%swap3A_563, %swap3A_564] masked %ge3A_560 {strides = array<i32>} : memref<8x64xf32, #tpu.memory_space<vmem>>, vector<16xf32>, vector<16xi1>
          tpu.vector_store %arg15[%swap3A_563, %swap3A_564], %get3A_559 masked %ge3A_560 {strides = array<i32>} : memref<8x64xf32, #tpu.memory_space<vmem>>, vector<16xf32>, vector<16xi1>
          %add3A_566 = arith.constant 48 : i32
          %add3A_567 = vector.broadcast %add3A_566 : i32 to vector<16xi32>
          %add3A_568 = arith.addi %add3A_480, %add3A_567 : vector<16xi32>
          %swap3A_569 = arith.index_cast %scan3A_406 : i32 to index
          %swap3A_570 = arith.index_cast %min3A_562 : i32 to index
          %swap3A_571 = tpu.vector_load %arg16[%swap3A_569, %swap3A_570] masked %ge3A_560 {strides = array<i32>} : memref<8x64xi32, #tpu.memory_space<vmem>>, vector<16xi32>, vector<16xi1>
          tpu.vector_store %arg16[%swap3A_569, %swap3A_570], %add3A_568 masked %ge3A_560 {strides = array<i32>} : memref<8x64xi32, #tpu.memory_space<vmem>>, vector<16xi32>, vector<16xi1>
          %all_reduce_population_count3A_572 = tpu.all_reduce %ge3A_560 {dim = 0 : i64, kind = #tpu.reduction_kind<sum>} : vector<16xi1> -> vector<16xi32>
          %reduce_max3A_573 = arith.constant true
          %reduce_max3A_574 = vector.broadcast %reduce_max3A_573 : i1 to vector<16xi1>
          %reduce_max3A_575 = arith.constant -2147483648 : i32
          %reduce_max3A_576 = vector.broadcast %reduce_max3A_575 : i32 to vector<16xi32>
          %reduce_max3A_577 = arith.xori %all_reduce_population_count3A_572, %reduce_max3A_576 : vector<16xi32>
          %reduce_max3A_578 = tpu.scan <max>, %reduce_max3A_577 masked %reduce_max3A_574 : vector<16xi32>, vector<16xi1> -> vector<16xi32>
          %reduce_max3A_579 = arith.xori %reduce_max3A_578, %reduce_max3A_576 : vector<16xi32>
          %reduce_max3A_580 = vector.extract %reduce_max3A_579[15] : i32 from vector<16xi32>
          %add3A_581 = arith.addi %add3A_555, %reduce_max3A_580 : i32
          %get3A_582 = arith.index_cast %scan3A_406 : i32 to index
          %get3A_583 = arith.index_cast %while3A_470 : i32 to index
          %get3A_584 = arith.constant 64 : index
          %get3A_585 = tpu.vector_load %arg14[%get3A_582, %get3A_583, %get3A_584] {strides = array<i32>} : memref<8x48x128xf32, #tpu.memory_space<vmem>>, vector<16xf32>,
          %ge3A_586 = arith.cmpf oge, %get3A_585, %gather3A : vector<16xf32>
          %min3A_587 = arith.constant 48 : i32
          %min3A_588 = arith.minsi %add3A_581, %min3A_587 : i32
          %swap3A_589 = arith.index_cast %scan3A_406 : i32 to index
          %swap3A_590 = arith.index_cast %min3A_588 : i32 to index
          %swap3A_591 = tpu.vector_load %arg15[%swap3A_589, %swap3A_590] masked %ge3A_586 {strides = array<i32>} : memref<8x64xf32, #tpu.memory_space<vmem>>, vector<16xf32>, vector<16xi1>
          tpu.vector_store %arg15[%swap3A_589, %swap3A_590], %get3A_585 masked %ge3A_586 {strides = array<i32>} : memref<8x64xf32, #tpu.memory_space<vmem>>, vector<16xf32>, vector<16xi1>
          %add3A_592 = arith.constant 64 : i32
          %add3A_593 = vector.broadcast %add3A_592 : i32 to vector<16xi32>
          %add3A_594 = arith.addi %add3A_480, %add3A_593 : vector<16xi32>
          %swap3A_595 = arith.index_cast %scan3A_406 : i32 to index
          %swap3A_596 = arith.index_cast %min3A_588 : i32 to index
          %swap3A_597 = tpu.vector_load %arg16[%swap3A_595, %swap3A_596] masked %ge3A_586 {strides = array<i32>} : memref<8x64xi32, #tpu.memory_space<vmem>>, vector<16xi32>, vector<16xi1>
          tpu.vector_store %arg16[%swap3A_595, %swap3A_596], %add3A_594 masked %ge3A_586 {strides = array<i32>} : memref<8x64xi32, #tpu.memory_space<vmem>>, vector<16xi32>, vector<16xi1>
          %all_reduce_population_count3A_598 = tpu.all_reduce %ge3A_586 {dim = 0 : i64, kind = #tpu.reduction_kind<sum>} : vector<16xi1> -> vector<16xi32>
          %reduce_max3A_599 = arith.constant true
          %reduce_max3A_600 = vector.broadcast %reduce_max3A_599 : i1 to vector<16xi1>
          %reduce_max3A_601 = arith.constant -2147483648 : i32
          %reduce_max3A_602 = vector.broadcast %reduce_max3A_601 : i32 to vector<16xi32>
          %reduce_max3A_603 = arith.xori %all_reduce_population_count3A_598, %reduce_max3A_602 : vector<16xi32>
          %reduce_max3A_604 = tpu.scan <max>, %reduce_max3A_603 masked %reduce_max3A_600 : vector<16xi32>, vector<16xi1> -> vector<16xi32>
          %reduce_max3A_605 = arith.xori %reduce_max3A_604, %reduce_max3A_602 : vector<16xi32>
          %reduce_max3A_606 = vector.extract %reduce_max3A_605[15] : i32 from vector<16xi32>
          %add3A_607 = arith.addi %add3A_581, %reduce_max3A_606 : i32
          %get3A_608 = arith.index_cast %scan3A_406 : i32 to index
          %get3A_609 = arith.index_cast %while3A_470 : i32 to index
          %get3A_610 = arith.constant 80 : index
          %get3A_611 = tpu.vector_load %arg14[%get3A_608, %get3A_609, %get3A_610] {strides = array<i32>} : memref<8x48x128xf32, #tpu.memory_space<vmem>>, vector<16xf32>,
          %ge3A_612 = arith.cmpf oge, %get3A_611, %gather3A : vector<16xf32>
          %min3A_613 = arith.constant 48 : i32
          %min3A_614 = arith.minsi %add3A_607, %min3A_613 : i32
          %swap3A_615 = arith.index_cast %scan3A_406 : i32 to index
          %swap3A_616 = arith.index_cast %min3A_614 : i32 to index
          %swap3A_617 = tpu.vector_load %arg15[%swap3A_615, %swap3A_616] masked %ge3A_612 {strides = array<i32>} : memref<8x64xf32, #tpu.memory_space<vmem>>, vector<16xf32>, vector<16xi1>
          tpu.vector_store %arg15[%swap3A_615, %swap3A_616], %get3A_611 masked %ge3A_612 {strides = array<i32>} : memref<8x64xf32, #tpu.memory_space<vmem>>, vector<16xf32>, vector<16xi1>
          %add3A_618 = arith.constant 80 : i32
          %add3A_619 = vector.broadcast %add3A_618 : i32 to vector<16xi32>
          %add3A_620 = arith.addi %add3A_480, %add3A_619 : vector<16xi32>
          %swap3A_621 = arith.index_cast %scan3A_406 : i32 to index
          %swap3A_622 = arith.index_cast %min3A_614 : i32 to index
          %swap3A_623 = tpu.vector_load %arg16[%swap3A_621, %swap3A_622] masked %ge3A_612 {strides = array<i32>} : memref<8x64xi32, #tpu.memory_space<vmem>>, vector<16xi32>, vector<16xi1>
          tpu.vector_store %arg16[%swap3A_621, %swap3A_622], %add3A_620 masked %ge3A_612 {strides = array<i32>} : memref<8x64xi32, #tpu.memory_space<vmem>>, vector<16xi32>, vector<16xi1>
          %all_reduce_population_count3A_624 = tpu.all_reduce %ge3A_612 {dim = 0 : i64, kind = #tpu.reduction_kind<sum>} : vector<16xi1> -> vector<16xi32>
          %reduce_max3A_625 = arith.constant true
          %reduce_max3A_626 = vector.broadcast %reduce_max3A_625 : i1 to vector<16xi1>
          %reduce_max3A_627 = arith.constant -2147483648 : i32
          %reduce_max3A_628 = vector.broadcast %reduce_max3A_627 : i32 to vector<16xi32>
          %reduce_max3A_629 = arith.xori %all_reduce_population_count3A_624, %reduce_max3A_628 : vector<16xi32>
          %reduce_max3A_630 = tpu.scan <max>, %reduce_max3A_629 masked %reduce_max3A_626 : vector<16xi32>, vector<16xi1> -> vector<16xi32>
          %reduce_max3A_631 = arith.xori %reduce_max3A_630, %reduce_max3A_628 : vector<16xi32>
          %reduce_max3A_632 = vector.extract %reduce_max3A_631[15] : i32 from vector<16xi32>
          %add3A_633 = arith.addi %add3A_607, %reduce_max3A_632 : i32
          %get3A_634 = arith.index_cast %scan3A_406 : i32 to index
          %get3A_635 = arith.index_cast %while3A_470 : i32 to index
          %get3A_636 = arith.constant 96 : index
          %get3A_637 = tpu.vector_load %arg14[%get3A_634, %get3A_635, %get3A_636] {strides = array<i32>} : memref<8x48x128xf32, #tpu.memory_space<vmem>>, vector<16xf32>,
          %ge3A_638 = arith.cmpf oge, %get3A_637, %gather3A : vector<16xf32>
          %min3A_639 = arith.constant 48 : i32
          %min3A_640 = arith.minsi %add3A_633, %min3A_639 : i32
          %swap3A_641 = arith.index_cast %scan3A_406 : i32 to index
          %swap3A_642 = arith.index_cast %min3A_640 : i32 to index
          %swap3A_643 = tpu.vector_load %arg15[%swap3A_641, %swap3A_642] masked %ge3A_638 {strides = array<i32>} : memref<8x64xf32, #tpu.memory_space<vmem>>, vector<16xf32>, vector<16xi1>
          tpu.vector_store %arg15[%swap3A_641, %swap3A_642], %get3A_637 masked %ge3A_638 {strides = array<i32>} : memref<8x64xf32, #tpu.memory_space<vmem>>, vector<16xf32>, vector<16xi1>
          %add3A_644 = arith.constant 96 : i32
          %add3A_645 = vector.broadcast %add3A_644 : i32 to vector<16xi32>
          %add3A_646 = arith.addi %add3A_480, %add3A_645 : vector<16xi32>
          %swap3A_647 = arith.index_cast %scan3A_406 : i32 to index
          %swap3A_648 = arith.index_cast %min3A_640 : i32 to index
          %swap3A_649 = tpu.vector_load %arg16[%swap3A_647, %swap3A_648] masked %ge3A_638 {strides = array<i32>} : memref<8x64xi32, #tpu.memory_space<vmem>>, vector<16xi32>, vector<16xi1>
          tpu.vector_store %arg16[%swap3A_647, %swap3A_648], %add3A_646 masked %ge3A_638 {strides = array<i32>} : memref<8x64xi32, #tpu.memory_space<vmem>>, vector<16xi32>, vector<16xi1>
          %all_reduce_population_count3A_650 = tpu.all_reduce %ge3A_638 {dim = 0 : i64, kind = #tpu.reduction_kind<sum>} : vector<16xi1> -> vector<16xi32>
          %reduce_max3A_651 = arith.constant true
          %reduce_max3A_652 = vector.broadcast %reduce_max3A_651 : i1 to vector<16xi1>
          %reduce_max3A_653 = arith.constant -2147483648 : i32
          %reduce_max3A_654 = vector.broadcast %reduce_max3A_653 : i32 to vector<16xi32>
          %reduce_max3A_655 = arith.xori %all_reduce_population_count3A_650, %reduce_max3A_654 : vector<16xi32>
          %reduce_max3A_656 = tpu.scan <max>, %reduce_max3A_655 masked %reduce_max3A_652 : vector<16xi32>, vector<16xi1> -> vector<16xi32>
          %reduce_max3A_657 = arith.xori %reduce_max3A_656, %reduce_max3A_654 : vector<16xi32>
          %reduce_max3A_658 = vector.extract %reduce_max3A_657[15] : i32 from vector<16xi32>
          %add3A_659 = arith.addi %add3A_633, %reduce_max3A_658 : i32
          %get3A_660 = arith.index_cast %scan3A_406 : i32 to index
          %get3A_661 = arith.index_cast %while3A_470 : i32 to index
          %get3A_662 = arith.constant 112 : index
          %get3A_663 = tpu.vector_load %arg14[%get3A_660, %get3A_661, %get3A_662] {strides = array<i32>} : memref<8x48x128xf32, #tpu.memory_space<vmem>>, vector<16xf32>,
          %ge3A_664 = arith.cmpf oge, %get3A_663, %gather3A : vector<16xf32>
          %min3A_665 = arith.constant 48 : i32
          %min3A_666 = arith.minsi %add3A_659, %min3A_665 : i32
          %swap3A_667 = arith.index_cast %scan3A_406 : i32 to index
          %swap3A_668 = arith.index_cast %min3A_666 : i32 to index
          %swap3A_669 = tpu.vector_load %arg15[%swap3A_667, %swap3A_668] masked %ge3A_664 {strides = array<i32>} : memref<8x64xf32, #tpu.memory_space<vmem>>, vector<16xf32>, vector<16xi1>
          tpu.vector_store %arg15[%swap3A_667, %swap3A_668], %get3A_663 masked %ge3A_664 {strides = array<i32>} : memref<8x64xf32, #tpu.memory_space<vmem>>, vector<16xf32>, vector<16xi1>
          %add3A_670 = arith.constant 112 : i32
          %add3A_671 = vector.broadcast %add3A_670 : i32 to vector<16xi32>
          %add3A_672 = arith.addi %add3A_480, %add3A_671 : vector<16xi32>
          %swap3A_673 = arith.index_cast %scan3A_406 : i32 to index
          %swap3A_674 = arith.index_cast %min3A_666 : i32 to index
          %swap3A_675 = tpu.vector_load %arg16[%swap3A_673, %swap3A_674] masked %ge3A_664 {strides = array<i32>} : memref<8x64xi32, #tpu.memory_space<vmem>>, vector<16xi32>, vector<16xi1>
          tpu.vector_store %arg16[%swap3A_673, %swap3A_674], %add3A_672 masked %ge3A_664 {strides = array<i32>} : memref<8x64xi32, #tpu.memory_space<vmem>>, vector<16xi32>, vector<16xi1>
          %all_reduce_population_count3A_676 = tpu.all_reduce %ge3A_664 {dim = 0 : i64, kind = #tpu.reduction_kind<sum>} : vector<16xi1> -> vector<16xi32>
          %reduce_max3A_677 = arith.constant true
          %reduce_max3A_678 = vector.broadcast %reduce_max3A_677 : i1 to vector<16xi1>
          %reduce_max3A_679 = arith.constant -2147483648 : i32
          %reduce_max3A_680 = vector.broadcast %reduce_max3A_679 : i32 to vector<16xi32>
          %reduce_max3A_681 = arith.xori %all_reduce_population_count3A_676, %reduce_max3A_680 : vector<16xi32>
          %reduce_max3A_682 = tpu.scan <max>, %reduce_max3A_681 masked %reduce_max3A_678 : vector<16xi32>, vector<16xi1> -> vector<16xi32>
          %reduce_max3A_683 = arith.xori %reduce_max3A_682, %reduce_max3A_680 : vector<16xi32>
          %reduce_max3A_684 = vector.extract %reduce_max3A_683[15] : i32 from vector<16xi32>
          %add3A_685 = arith.addi %add3A_659, %reduce_max3A_684 : i32
          scf.yield %add3A_685 : i32
        }
        %while3A_457 = arith.constant 1 : i32
        %while3A_458 = scf.for %while3A_470 = %while3A_454 to %while3A_450 step %while3A_457 iter_args(%while3A_471 = %while3A_456) -> (i32)  : i32 {
          %broadcast_in_dim3A_472 = vector.broadcast %while3A_470 : i32 to vector<16xi32>
          %gather3A_473 = arith.constant 0 : i32
          %gather3A_474 = tpu.memref_slice %arg11[%scan3A_406, %gather3A_473] : memref<8x64xi32, #tpu.memory_space<vmem>> -> memref<1x64xi32, #tpu.memory_space<vmem>>
          %gather3A_475 = tpu.memref_squeeze %gather3A_474 : memref<1x64xi32, #tpu.memory_space<vmem>> -> memref<64xi32, #tpu.memory_space<vmem>>
          %gather3A_476 = tpu.vector_load_idx %gather3A_475[%broadcast_in_dim3A_472] : memref<64xi32, #tpu.memory_space<vmem>>[vector<16xi32>], vector<16xi32>,
          %mul3A_477 = arith.constant 128 : i32
          %mul3A_478 = vector.broadcast %mul3A_477 : i32 to vector<16xi32>
          %mul3A_479 = arith.muli %gather3A_476, %mul3A_478 : vector<16xi32>
          %add3A_480 = arith.addi %mul3A_479, %iota3A : vector<16xi32>
          %get3A = arith.index_cast %scan3A_406 : i32 to index
          %get3A_481 = arith.index_cast %while3A_470 : i32 to index
          %get3A_482 = arith.constant 0 : index
          %get3A_483 = tpu.vector_load %arg14[%get3A, %get3A_481, %get3A_482] {strides = array<i32>} : memref<8x48x128xf32, #tpu.memory_space<vmem>>, vector<16xf32>,
          %ge3A = arith.cmpf oge, %get3A_483, %gather3A : vector<16xf32>
          %min3A_484 = arith.constant 48 : i32
          %min3A_485 = arith.minsi %while3A_471, %min3A_484 : i32
          %swap3A_486 = arith.index_cast %scan3A_406 : i32 to index
          %swap3A_487 = arith.index_cast %min3A_485 : i32 to index
          %swap3A_488 = tpu.vector_load %arg15[%swap3A_486, %swap3A_487] masked %ge3A {strides = array<i32>} : memref<8x64xf32, #tpu.memory_space<vmem>>, vector<16xf32>, vector<16xi1>
          tpu.vector_store %arg15[%swap3A_486, %swap3A_487], %get3A_483 masked %ge3A {strides = array<i32>} : memref<8x64xf32, #tpu.memory_space<vmem>>, vector<16xf32>, vector<16xi1>
          %add3A_489 = arith.constant 0 : i32
          %add3A_490 = vector.broadcast %add3A_489 : i32 to vector<16xi32>
          %add3A_491 = arith.addi %add3A_480, %add3A_490 : vector<16xi32>
          %swap3A_492 = arith.index_cast %scan3A_406 : i32 to index
          %swap3A_493 = arith.index_cast %min3A_485 : i32 to index
          %swap3A_494 = tpu.vector_load %arg16[%swap3A_492, %swap3A_493] masked %ge3A {strides = array<i32>} : memref<8x64xi32, #tpu.memory_space<vmem>>, vector<16xi32>, vector<16xi1>
          tpu.vector_store %arg16[%swap3A_492, %swap3A_493], %add3A_491 masked %ge3A {strides = array<i32>} : memref<8x64xi32, #tpu.memory_space<vmem>>, vector<16xi32>, vector<16xi1>
          %all_reduce_population_count3A = tpu.all_reduce %ge3A {dim = 0 : i64, kind = #tpu.reduction_kind<sum>} : vector<16xi1> -> vector<16xi32>
          %reduce_max3A_495 = arith.constant true
          %reduce_max3A_496 = vector.broadcast %reduce_max3A_495 : i1 to vector<16xi1>
          %reduce_max3A_497 = arith.constant -2147483648 : i32
          %reduce_max3A_498 = vector.broadcast %reduce_max3A_497 : i32 to vector<16xi32>
          %reduce_max3A_499 = arith.xori %all_reduce_population_count3A, %reduce_max3A_498 : vector<16xi32>
          %reduce_max3A_500 = tpu.scan <max>, %reduce_max3A_499 masked %reduce_max3A_496 : vector<16xi32>, vector<16xi1> -> vector<16xi32>
          %reduce_max3A_501 = arith.xori %reduce_max3A_500, %reduce_max3A_498 : vector<16xi32>
          %reduce_max3A_502 = vector.extract %reduce_max3A_501[15] : i32 from vector<16xi32>
          %add3A_503 = arith.addi %while3A_471, %reduce_max3A_502 : i32
          %get3A_504 = arith.index_cast %scan3A_406 : i32 to index
          %get3A_505 = arith.index_cast %while3A_470 : i32 to index
          %get3A_506 = arith.constant 16 : index
          %get3A_507 = tpu.vector_load %arg14[%get3A_504, %get3A_505, %get3A_506] {strides = array<i32>} : memref<8x48x128xf32, #tpu.memory_space<vmem>>, vector<16xf32>,
          %ge3A_508 = arith.cmpf oge, %get3A_507, %gather3A : vector<16xf32>
          %min3A_509 = arith.constant 48 : i32
          %min3A_510 = arith.minsi %add3A_503, %min3A_509 : i32
          %swap3A_511 = arith.index_cast %scan3A_406 : i32 to index
          %swap3A_512 = arith.index_cast %min3A_510 : i32 to index
          %swap3A_513 = tpu.vector_load %arg15[%swap3A_511, %swap3A_512] masked %ge3A_508 {strides = array<i32>} : memref<8x64xf32, #tpu.memory_space<vmem>>, vector<16xf32>, vector<16xi1>
          tpu.vector_store %arg15[%swap3A_511, %swap3A_512], %get3A_507 masked %ge3A_508 {strides = array<i32>} : memref<8x64xf32, #tpu.memory_space<vmem>>, vector<16xf32>, vector<16xi1>
          %add3A_514 = arith.constant 16 : i32
          %add3A_515 = vector.broadcast %add3A_514 : i32 to vector<16xi32>
          %add3A_516 = arith.addi %add3A_480, %add3A_515 : vector<16xi32>
          %swap3A_517 = arith.index_cast %scan3A_406 : i32 to index
          %swap3A_518 = arith.index_cast %min3A_510 : i32 to index
          %swap3A_519 = tpu.vector_load %arg16[%swap3A_517, %swap3A_518] masked %ge3A_508 {strides = array<i32>} : memref<8x64xi32, #tpu.memory_space<vmem>>, vector<16xi32>, vector<16xi1>
          tpu.vector_store %arg16[%swap3A_517, %swap3A_518], %add3A_516 masked %ge3A_508 {strides = array<i32>} : memref<8x64xi32, #tpu.memory_space<vmem>>, vector<16xi32>, vector<16xi1>
          %all_reduce_population_count3A_520 = tpu.all_reduce %ge3A_508 {dim = 0 : i64, kind = #tpu.reduction_kind<sum>} : vector<16xi1> -> vector<16xi32>
          %reduce_max3A_521 = arith.constant true
          %reduce_max3A_522 = vector.broadcast %reduce_max3A_521 : i1 to vector<16xi1>
          %reduce_max3A_523 = arith.constant -2147483648 : i32
          %reduce_max3A_524 = vector.broadcast %reduce_max3A_523 : i32 to vector<16xi32>
          %reduce_max3A_525 = arith.xori %all_reduce_population_count3A_520, %reduce_max3A_524 : vector<16xi32>
          %reduce_max3A_526 = tpu.scan <max>, %reduce_max3A_525 masked %reduce_max3A_522 : vector<16xi32>, vector<16xi1> -> vector<16xi32>
          %reduce_max3A_527 = arith.xori %reduce_max3A_526, %reduce_max3A_524 : vector<16xi32>
          %reduce_max3A_528 = vector.extract %reduce_max3A_527[15] : i32 from vector<16xi32>
          %add3A_529 = arith.addi %add3A_503, %reduce_max3A_528 : i32
          %get3A_530 = arith.index_cast %scan3A_406 : i32 to index
          %get3A_531 = arith.index_cast %while3A_470 : i32 to index
          %get3A_532 = arith.constant 32 : index
          %get3A_533 = tpu.vector_load %arg14[%get3A_530, %get3A_531, %get3A_532] {strides = array<i32>} : memref<8x48x128xf32, #tpu.memory_space<vmem>>, vector<16xf32>,
          %ge3A_534 = arith.cmpf oge, %get3A_533, %gather3A : vector<16xf32>
          %min3A_535 = arith.constant 48 : i32
          %min3A_536 = arith.minsi %add3A_529, %min3A_535 : i32
          %swap3A_537 = arith.index_cast %scan3A_406 : i32 to index
          %swap3A_538 = arith.index_cast %min3A_536 : i32 to index
          %swap3A_539 = tpu.vector_load %arg15[%swap3A_537, %swap3A_538] masked %ge3A_534 {strides = array<i32>} : memref<8x64xf32, #tpu.memory_space<vmem>>, vector<16xf32>, vector<16xi1>
          tpu.vector_store %arg15[%swap3A_537, %swap3A_538], %get3A_533 masked %ge3A_534 {strides = array<i32>} : memref<8x64xf32, #tpu.memory_space<vmem>>, vector<16xf32>, vector<16xi1>
          %add3A_540 = arith.constant 32 : i32
          %add3A_541 = vector.broadcast %add3A_540 : i32 to vector<16xi32>
          %add3A_542 = arith.addi %add3A_480, %add3A_541 : vector<16xi32>
          %swap3A_543 = arith.index_cast %scan3A_406 : i32 to index
          %swap3A_544 = arith.index_cast %min3A_536 : i32 to index
          %swap3A_545 = tpu.vector_load %arg16[%swap3A_543, %swap3A_544] masked %ge3A_534 {strides = array<i32>} : memref<8x64xi32, #tpu.memory_space<vmem>>, vector<16xi32>, vector<16xi1>
          tpu.vector_store %arg16[%swap3A_543, %swap3A_544], %add3A_542 masked %ge3A_534 {strides = array<i32>} : memref<8x64xi32, #tpu.memory_space<vmem>>, vector<16xi32>, vector<16xi1>
          %all_reduce_population_count3A_546 = tpu.all_reduce %ge3A_534 {dim = 0 : i64, kind = #tpu.reduction_kind<sum>} : vector<16xi1> -> vector<16xi32>
          %reduce_max3A_547 = arith.constant true
          %reduce_max3A_548 = vector.broadcast %reduce_max3A_547 : i1 to vector<16xi1>
          %reduce_max3A_549 = arith.constant -2147483648 : i32
          %reduce_max3A_550 = vector.broadcast %reduce_max3A_549 : i32 to vector<16xi32>
          %reduce_max3A_551 = arith.xori %all_reduce_population_count3A_546, %reduce_max3A_550 : vector<16xi32>
          %reduce_max3A_552 = tpu.scan <max>, %reduce_max3A_551 masked %reduce_max3A_548 : vector<16xi32>, vector<16xi1> -> vector<16xi32>
          %reduce_max3A_553 = arith.xori %reduce_max3A_552, %reduce_max3A_550 : vector<16xi32>
          %reduce_max3A_554 = vector.extract %reduce_max3A_553[15] : i32 from vector<16xi32>
          %add3A_555 = arith.addi %add3A_529, %reduce_max3A_554 : i32
          %get3A_556 = arith.index_cast %scan3A_406 : i32 to index
          %get3A_557 = arith.index_cast %while3A_470 : i32 to index
          %get3A_558 = arith.constant 48 : index
          %get3A_559 = tpu.vector_load %arg14[%get3A_556, %get3A_557, %get3A_558] {strides = array<i32>} : memref<8x48x128xf32, #tpu.memory_space<vmem>>, vector<16xf32>,
          %ge3A_560 = arith.cmpf oge, %get3A_559, %gather3A : vector<16xf32>
          %min3A_561 = arith.constant 48 : i32
          %min3A_562 = arith.minsi %add3A_555, %min3A_561 : i32
          %swap3A_563 = arith.index_cast %scan3A_406 : i32 to index
          %swap3A_564 = arith.index_cast %min3A_562 : i32 to index
          %swap3A_565 = tpu.vector_load %arg15[%swap3A_563, %swap3A_564] masked %ge3A_560 {strides = array<i32>} : memref<8x64xf32, #tpu.memory_space<vmem>>, vector<16xf32>, vector<16xi1>
          tpu.vector_store %arg15[%swap3A_563, %swap3A_564], %get3A_559 masked %ge3A_560 {strides = array<i32>} : memref<8x64xf32, #tpu.memory_space<vmem>>, vector<16xf32>, vector<16xi1>
          %add3A_566 = arith.constant 48 : i32
          %add3A_567 = vector.broadcast %add3A_566 : i32 to vector<16xi32>
          %add3A_568 = arith.addi %add3A_480, %add3A_567 : vector<16xi32>
          %swap3A_569 = arith.index_cast %scan3A_406 : i32 to index
          %swap3A_570 = arith.index_cast %min3A_562 : i32 to index
          %swap3A_571 = tpu.vector_load %arg16[%swap3A_569, %swap3A_570] masked %ge3A_560 {strides = array<i32>} : memref<8x64xi32, #tpu.memory_space<vmem>>, vector<16xi32>, vector<16xi1>
          tpu.vector_store %arg16[%swap3A_569, %swap3A_570], %add3A_568 masked %ge3A_560 {strides = array<i32>} : memref<8x64xi32, #tpu.memory_space<vmem>>, vector<16xi32>, vector<16xi1>
          %all_reduce_population_count3A_572 = tpu.all_reduce %ge3A_560 {dim = 0 : i64, kind = #tpu.reduction_kind<sum>} : vector<16xi1> -> vector<16xi32>
          %reduce_max3A_573 = arith.constant true
          %reduce_max3A_574 = vector.broadcast %reduce_max3A_573 : i1 to vector<16xi1>
          %reduce_max3A_575 = arith.constant -2147483648 : i32
          %reduce_max3A_576 = vector.broadcast %reduce_max3A_575 : i32 to vector<16xi32>
          %reduce_max3A_577 = arith.xori %all_reduce_population_count3A_572, %reduce_max3A_576 : vector<16xi32>
          %reduce_max3A_578 = tpu.scan <max>, %reduce_max3A_577 masked %reduce_max3A_574 : vector<16xi32>, vector<16xi1> -> vector<16xi32>
          %reduce_max3A_579 = arith.xori %reduce_max3A_578, %reduce_max3A_576 : vector<16xi32>
          %reduce_max3A_580 = vector.extract %reduce_max3A_579[15] : i32 from vector<16xi32>
          %add3A_581 = arith.addi %add3A_555, %reduce_max3A_580 : i32
          %get3A_582 = arith.index_cast %scan3A_406 : i32 to index
          %get3A_583 = arith.index_cast %while3A_470 : i32 to index
          %get3A_584 = arith.constant 64 : index
          %get3A_585 = tpu.vector_load %arg14[%get3A_582, %get3A_583, %get3A_584] {strides = array<i32>} : memref<8x48x128xf32, #tpu.memory_space<vmem>>, vector<16xf32>,
          %ge3A_586 = arith.cmpf oge, %get3A_585, %gather3A : vector<16xf32>
          %min3A_587 = arith.constant 48 : i32
          %min3A_588 = arith.minsi %add3A_581, %min3A_587 : i32
          %swap3A_589 = arith.index_cast %scan3A_406 : i32 to index
          %swap3A_590 = arith.index_cast %min3A_588 : i32 to index
          %swap3A_591 = tpu.vector_load %arg15[%swap3A_589, %swap3A_590] masked %ge3A_586 {strides = array<i32>} : memref<8x64xf32, #tpu.memory_space<vmem>>, vector<16xf32>, vector<16xi1>
          tpu.vector_store %arg15[%swap3A_589, %swap3A_590], %get3A_585 masked %ge3A_586 {strides = array<i32>} : memref<8x64xf32, #tpu.memory_space<vmem>>, vector<16xf32>, vector<16xi1>
          %add3A_592 = arith.constant 64 : i32
          %add3A_593 = vector.broadcast %add3A_592 : i32 to vector<16xi32>
          %add3A_594 = arith.addi %add3A_480, %add3A_593 : vector<16xi32>
          %swap3A_595 = arith.index_cast %scan3A_406 : i32 to index
          %swap3A_596 = arith.index_cast %min3A_588 : i32 to index
          %swap3A_597 = tpu.vector_load %arg16[%swap3A_595, %swap3A_596] masked %ge3A_586 {strides = array<i32>} : memref<8x64xi32, #tpu.memory_space<vmem>>, vector<16xi32>, vector<16xi1>
          tpu.vector_store %arg16[%swap3A_595, %swap3A_596], %add3A_594 masked %ge3A_586 {strides = array<i32>} : memref<8x64xi32, #tpu.memory_space<vmem>>, vector<16xi32>, vector<16xi1>
          %all_reduce_population_count3A_598 = tpu.all_reduce %ge3A_586 {dim = 0 : i64, kind = #tpu.reduction_kind<sum>} : vector<16xi1> -> vector<16xi32>
          %reduce_max3A_599 = arith.constant true
          %reduce_max3A_600 = vector.broadcast %reduce_max3A_599 : i1 to vector<16xi1>
          %reduce_max3A_601 = arith.constant -2147483648 : i32
          %reduce_max3A_602 = vector.broadcast %reduce_max3A_601 : i32 to vector<16xi32>
          %reduce_max3A_603 = arith.xori %all_reduce_population_count3A_598, %reduce_max3A_602 : vector<16xi32>
          %reduce_max3A_604 = tpu.scan <max>, %reduce_max3A_603 masked %reduce_max3A_600 : vector<16xi32>, vector<16xi1> -> vector<16xi32>
          %reduce_max3A_605 = arith.xori %reduce_max3A_604, %reduce_max3A_602 : vector<16xi32>
          %reduce_max3A_606 = vector.extract %reduce_max3A_605[15] : i32 from vector<16xi32>
          %add3A_607 = arith.addi %add3A_581, %reduce_max3A_606 : i32
          %get3A_608 = arith.index_cast %scan3A_406 : i32 to index
          %get3A_609 = arith.index_cast %while3A_470 : i32 to index
          %get3A_610 = arith.constant 80 : index
          %get3A_611 = tpu.vector_load %arg14[%get3A_608, %get3A_609, %get3A_610] {strides = array<i32>} : memref<8x48x128xf32, #tpu.memory_space<vmem>>, vector<16xf32>,
          %ge3A_612 = arith.cmpf oge, %get3A_611, %gather3A : vector<16xf32>
          %min3A_613 = arith.constant 48 : i32
          %min3A_614 = arith.minsi %add3A_607, %min3A_613 : i32
          %swap3A_615 = arith.index_cast %scan3A_406 : i32 to index
          %swap3A_616 = arith.index_cast %min3A_614 : i32 to index
          %swap3A_617 = tpu.vector_load %arg15[%swap3A_615, %swap3A_616] masked %ge3A_612 {strides = array<i32>} : memref<8x64xf32, #tpu.memory_space<vmem>>, vector<16xf32>, vector<16xi1>
          tpu.vector_store %arg15[%swap3A_615, %swap3A_616], %get3A_611 masked %ge3A_612 {strides = array<i32>} : memref<8x64xf32, #tpu.memory_space<vmem>>, vector<16xf32>, vector<16xi1>
          %add3A_618 = arith.constant 80 : i32
          %add3A_619 = vector.broadcast %add3A_618 : i32 to vector<16xi32>
          %add3A_620 = arith.addi %add3A_480, %add3A_619 : vector<16xi32>
          %swap3A_621 = arith.index_cast %scan3A_406 : i32 to index
          %swap3A_622 = arith.index_cast %min3A_614 : i32 to index
          %swap3A_623 = tpu.vector_load %arg16[%swap3A_621, %swap3A_622] masked %ge3A_612 {strides = array<i32>} : memref<8x64xi32, #tpu.memory_space<vmem>>, vector<16xi32>, vector<16xi1>
          tpu.vector_store %arg16[%swap3A_621, %swap3A_622], %add3A_620 masked %ge3A_612 {strides = array<i32>} : memref<8x64xi32, #tpu.memory_space<vmem>>, vector<16xi32>, vector<16xi1>
          %all_reduce_population_count3A_624 = tpu.all_reduce %ge3A_612 {dim = 0 : i64, kind = #tpu.reduction_kind<sum>} : vector<16xi1> -> vector<16xi32>
          %reduce_max3A_625 = arith.constant true
          %reduce_max3A_626 = vector.broadcast %reduce_max3A_625 : i1 to vector<16xi1>
          %reduce_max3A_627 = arith.constant -2147483648 : i32
          %reduce_max3A_628 = vector.broadcast %reduce_max3A_627 : i32 to vector<16xi32>
          %reduce_max3A_629 = arith.xori %all_reduce_population_count3A_624, %reduce_max3A_628 : vector<16xi32>
          %reduce_max3A_630 = tpu.scan <max>, %reduce_max3A_629 masked %reduce_max3A_626 : vector<16xi32>, vector<16xi1> -> vector<16xi32>
          %reduce_max3A_631 = arith.xori %reduce_max3A_630, %reduce_max3A_628 : vector<16xi32>
          %reduce_max3A_632 = vector.extract %reduce_max3A_631[15] : i32 from vector<16xi32>
          %add3A_633 = arith.addi %add3A_607, %reduce_max3A_632 : i32
          %get3A_634 = arith.index_cast %scan3A_406 : i32 to index
          %get3A_635 = arith.index_cast %while3A_470 : i32 to index
          %get3A_636 = arith.constant 96 : index
          %get3A_637 = tpu.vector_load %arg14[%get3A_634, %get3A_635, %get3A_636] {strides = array<i32>} : memref<8x48x128xf32, #tpu.memory_space<vmem>>, vector<16xf32>,
          %ge3A_638 = arith.cmpf oge, %get3A_637, %gather3A : vector<16xf32>
          %min3A_639 = arith.constant 48 : i32
          %min3A_640 = arith.minsi %add3A_633, %min3A_639 : i32
          %swap3A_641 = arith.index_cast %scan3A_406 : i32 to index
          %swap3A_642 = arith.index_cast %min3A_640 : i32 to index
          %swap3A_643 = tpu.vector_load %arg15[%swap3A_641, %swap3A_642] masked %ge3A_638 {strides = array<i32>} : memref<8x64xf32, #tpu.memory_space<vmem>>, vector<16xf32>, vector<16xi1>
          tpu.vector_store %arg15[%swap3A_641, %swap3A_642], %get3A_637 masked %ge3A_638 {strides = array<i32>} : memref<8x64xf32, #tpu.memory_space<vmem>>, vector<16xf32>, vector<16xi1>
          %add3A_644 = arith.constant 96 : i32
          %add3A_645 = vector.broadcast %add3A_644 : i32 to vector<16xi32>
          %add3A_646 = arith.addi %add3A_480, %add3A_645 : vector<16xi32>
          %swap3A_647 = arith.index_cast %scan3A_406 : i32 to index
          %swap3A_648 = arith.index_cast %min3A_640 : i32 to index
          %swap3A_649 = tpu.vector_load %arg16[%swap3A_647, %swap3A_648] masked %ge3A_638 {strides = array<i32>} : memref<8x64xi32, #tpu.memory_space<vmem>>, vector<16xi32>, vector<16xi1>
          tpu.vector_store %arg16[%swap3A_647, %swap3A_648], %add3A_646 masked %ge3A_638 {strides = array<i32>} : memref<8x64xi32, #tpu.memory_space<vmem>>, vector<16xi32>, vector<16xi1>
          %all_reduce_population_count3A_650 = tpu.all_reduce %ge3A_638 {dim = 0 : i64, kind = #tpu.reduction_kind<sum>} : vector<16xi1> -> vector<16xi32>
          %reduce_max3A_651 = arith.constant true
          %reduce_max3A_652 = vector.broadcast %reduce_max3A_651 : i1 to vector<16xi1>
          %reduce_max3A_653 = arith.constant -2147483648 : i32
          %reduce_max3A_654 = vector.broadcast %reduce_max3A_653 : i32 to vector<16xi32>
          %reduce_max3A_655 = arith.xori %all_reduce_population_count3A_650, %reduce_max3A_654 : vector<16xi32>
          %reduce_max3A_656 = tpu.scan <max>, %reduce_max3A_655 masked %reduce_max3A_652 : vector<16xi32>, vector<16xi1> -> vector<16xi32>
          %reduce_max3A_657 = arith.xori %reduce_max3A_656, %reduce_max3A_654 : vector<16xi32>
          %reduce_max3A_658 = vector.extract %reduce_max3A_657[15] : i32 from vector<16xi32>
          %add3A_659 = arith.addi %add3A_633, %reduce_max3A_658 : i32
          %get3A_660 = arith.index_cast %scan3A_406 : i32 to index
          %get3A_661 = arith.index_cast %while3A_470 : i32 to index
          %get3A_662 = arith.constant 112 : index
          %get3A_663 = tpu.vector_load %arg14[%get3A_660, %get3A_661, %get3A_662] {strides = array<i32>} : memref<8x48x128xf32, #tpu.memory_space<vmem>>, vector<16xf32>,
          %ge3A_664 = arith.cmpf oge, %get3A_663, %gather3A : vector<16xf32>
          %min3A_665 = arith.constant 48 : i32
          %min3A_666 = arith.minsi %add3A_659, %min3A_665 : i32
          %swap3A_667 = arith.index_cast %scan3A_406 : i32 to index
          %swap3A_668 = arith.index_cast %min3A_666 : i32 to index
          %swap3A_669 = tpu.vector_load %arg15[%swap3A_667, %swap3A_668] masked %ge3A_664 {strides = array<i32>} : memref<8x64xf32, #tpu.memory_space<vmem>>, vector<16xf32>, vector<16xi1>
          tpu.vector_store %arg15[%swap3A_667, %swap3A_668], %get3A_663 masked %ge3A_664 {strides = array<i32>} : memref<8x64xf32, #tpu.memory_space<vmem>>, vector<16xf32>, vector<16xi1>
          %add3A_670 = arith.constant 112 : i32
          %add3A_671 = vector.broadcast %add3A_670 : i32 to vector<16xi32>
          %add3A_672 = arith.addi %add3A_480, %add3A_671 : vector<16xi32>
          %swap3A_673 = arith.index_cast %scan3A_406 : i32 to index
          %swap3A_674 = arith.index_cast %min3A_666 : i32 to index
          %swap3A_675 = tpu.vector_load %arg16[%swap3A_673, %swap3A_674] masked %ge3A_664 {strides = array<i32>} : memref<8x64xi32, #tpu.memory_space<vmem>>, vector<16xi32>, vector<16xi1>
          tpu.vector_store %arg16[%swap3A_673, %swap3A_674], %add3A_672 masked %ge3A_664 {strides = array<i32>} : memref<8x64xi32, #tpu.memory_space<vmem>>, vector<16xi32>, vector<16xi1>
          %all_reduce_population_count3A_676 = tpu.all_reduce %ge3A_664 {dim = 0 : i64, kind = #tpu.reduction_kind<sum>} : vector<16xi1> -> vector<16xi32>
          %reduce_max3A_677 = arith.constant true
          %reduce_max3A_678 = vector.broadcast %reduce_max3A_677 : i1 to vector<16xi1>
          %reduce_max3A_679 = arith.constant -2147483648 : i32
          %reduce_max3A_680 = vector.broadcast %reduce_max3A_679 : i32 to vector<16xi32>
          %reduce_max3A_681 = arith.xori %all_reduce_population_count3A_676, %reduce_max3A_680 : vector<16xi32>
          %reduce_max3A_682 = tpu.scan <max>, %reduce_max3A_681 masked %reduce_max3A_678 : vector<16xi32>, vector<16xi1> -> vector<16xi32>
          %reduce_max3A_683 = arith.xori %reduce_max3A_682, %reduce_max3A_680 : vector<16xi32>
          %reduce_max3A_684 = vector.extract %reduce_max3A_683[15] : i32 from vector<16xi32>
          %add3A_685 = arith.addi %add3A_659, %reduce_max3A_684 : i32
          scf.yield %add3A_685 : i32
        }
        %min3A = arith.constant 48 : i32
        %min3A_459 = arith.minsi %while3A_458, %min3A : i32
        %while3A_460 = arith.constant 0 : i32
        %while3A_461 = arith.constant 0 : i32
        %while3A_462 = arith.subi %min3A_459, %while3A_461 : i32
        %while3A_463 = arith.addi %while3A_461, %while3A_462 : i32
        %while3A_464 = arith.constant 1 : i32
        %while3A_465 = arith.divsi %while3A_462, %while3A_464 : i32
        %while3A_466 = arith.muli %while3A_465, %while3A_464 : i32
        %while3A_467 = arith.addi %while3A_461, %while3A_466 : i32
        %while3A_468 = arith.constant 1 : i32
        scf.for %while3A_470 = %while3A_461 to %while3A_467 step %while3A_468  : i32 {
          %broadcast_in_dim3A_471 = vector.broadcast %while3A_470 : i32 to vector<16xi32>
          %gather3A_472 = arith.constant 0 : i32
          %gather3A_473 = tpu.memref_slice %arg15[%scan3A_406, %gather3A_472] : memref<8x64xf32, #tpu.memory_space<vmem>> -> memref<1x64xf32, #tpu.memory_space<vmem>>
          %gather3A_474 = tpu.memref_squeeze %gather3A_473 : memref<1x64xf32, #tpu.memory_space<vmem>> -> memref<64xf32, #tpu.memory_space<vmem>>
          %gather3A_475 = tpu.vector_load_idx %gather3A_474[%broadcast_in_dim3A_471] : memref<64xf32, #tpu.memory_space<vmem>>[vector<16xi32>], vector<16xf32>,
          %broadcast_in_dim3A_476 = vector.broadcast %while3A_470 : i32 to vector<16xi32>
          %gather3A_477 = arith.constant 0 : i32
          %gather3A_478 = tpu.memref_slice %arg16[%scan3A_406, %gather3A_477] : memref<8x64xi32, #tpu.memory_space<vmem>> -> memref<1x64xi32, #tpu.memory_space<vmem>>
          %gather3A_479 = tpu.memref_squeeze %gather3A_478 : memref<1x64xi32, #tpu.memory_space<vmem>> -> memref<64xi32, #tpu.memory_space<vmem>>
          %gather3A_480 = tpu.vector_load_idx %gather3A_479[%broadcast_in_dim3A_476] : memref<64xi32, #tpu.memory_space<vmem>>[vector<16xi32>], vector<16xi32>,
          %broadcast_in_dim3A_481 = arith.constant 0 : i32
          %broadcast_in_dim3A_482 = vector.broadcast %broadcast_in_dim3A_481 : i32 to vector<16xi32>
          %get3A = arith.index_cast %scan3A_406 : i32 to index
          %get3A_483 = arith.constant 0 : index
          %get3A_484 = tpu.vector_load %arg15[%get3A, %get3A_483] {strides = array<i32>} : memref<8x64xf32, #tpu.memory_space<vmem>>, vector<16xf32>,
          %get3A_485 = arith.index_cast %scan3A_406 : i32 to index
          %get3A_486 = arith.constant 0 : index
          %get3A_487 = tpu.vector_load %arg16[%get3A_485, %get3A_486] {strides = array<i32>} : memref<8x64xi32, #tpu.memory_space<vmem>>, vector<16xi32>,
          %gt3A = arith.cmpf ogt, %get3A_484, %gather3A_475 : vector<16xf32>
          %eq3A = arith.cmpf oeq, %get3A_484, %gather3A_475 : vector<16xf32>
          %lt3A = arith.cmpi slt, %get3A_487, %gather3A_480 : vector<16xi32>
          %and3A = arith.andi %eq3A, %lt3A : vector<16xi1>
          %or3A = arith.ori %gt3A, %and3A : vector<16xi1>
          %all_reduce_population_count3A = tpu.all_reduce %or3A {dim = 0 : i64, kind = #tpu.reduction_kind<sum>} : vector<16xi1> -> vector<16xi32>
          %add3A_488 = arith.addi %broadcast_in_dim3A_482, %all_reduce_population_count3A : vector<16xi32>
          %get3A_489 = arith.index_cast %scan3A_406 : i32 to index
          %get3A_490 = arith.constant 16 : index
          %get3A_491 = tpu.vector_load %arg15[%get3A_489, %get3A_490] {strides = array<i32>} : memref<8x64xf32, #tpu.memory_space<vmem>>, vector<16xf32>,
          %get3A_492 = arith.index_cast %scan3A_406 : i32 to index
          %get3A_493 = arith.constant 16 : index
          %get3A_494 = tpu.vector_load %arg16[%get3A_492, %get3A_493] {strides = array<i32>} : memref<8x64xi32, #tpu.memory_space<vmem>>, vector<16xi32>,
          %gt3A_495 = arith.cmpf ogt, %get3A_491, %gather3A_475 : vector<16xf32>
          %eq3A_496 = arith.cmpf oeq, %get3A_491, %gather3A_475 : vector<16xf32>
          %lt3A_497 = arith.cmpi slt, %get3A_494, %gather3A_480 : vector<16xi32>
          %and3A_498 = arith.andi %eq3A_496, %lt3A_497 : vector<16xi1>
          %or3A_499 = arith.ori %gt3A_495, %and3A_498 : vector<16xi1>
          %all_reduce_population_count3A_500 = tpu.all_reduce %or3A_499 {dim = 0 : i64, kind = #tpu.reduction_kind<sum>} : vector<16xi1> -> vector<16xi32>
          %add3A_501 = arith.addi %add3A_488, %all_reduce_population_count3A_500 : vector<16xi32>
          %get3A_502 = arith.index_cast %scan3A_406 : i32 to index
          %get3A_503 = arith.constant 32 : index
          %get3A_504 = tpu.vector_load %arg15[%get3A_502, %get3A_503] {strides = array<i32>} : memref<8x64xf32, #tpu.memory_space<vmem>>, vector<16xf32>,
          %get3A_505 = arith.index_cast %scan3A_406 : i32 to index
          %get3A_506 = arith.constant 32 : index
          %get3A_507 = tpu.vector_load %arg16[%get3A_505, %get3A_506] {strides = array<i32>} : memref<8x64xi32, #tpu.memory_space<vmem>>, vector<16xi32>,
          %gt3A_508 = arith.cmpf ogt, %get3A_504, %gather3A_475 : vector<16xf32>
          %eq3A_509 = arith.cmpf oeq, %get3A_504, %gather3A_475 : vector<16xf32>
          %lt3A_510 = arith.cmpi slt, %get3A_507, %gather3A_480 : vector<16xi32>
          %and3A_511 = arith.andi %eq3A_509, %lt3A_510 : vector<16xi1>
          %or3A_512 = arith.ori %gt3A_508, %and3A_511 : vector<16xi1>
          %all_reduce_population_count3A_513 = tpu.all_reduce %or3A_512 {dim = 0 : i64, kind = #tpu.reduction_kind<sum>} : vector<16xi1> -> vector<16xi32>
          %add3A_514 = arith.addi %add3A_501, %all_reduce_population_count3A_513 : vector<16xi32>
          %eq3A_515 = arith.constant 0 : i32
          %eq3A_516 = vector.broadcast %eq3A_515 : i32 to vector<16xi32>
          %eq3A_517 = arith.cmpi eq, %iota3A, %eq3A_516 : vector<16xi32>
          %lt3A_518 = arith.constant 32 : i32
          %lt3A_519 = vector.broadcast %lt3A_518 : i32 to vector<16xi32>
          %lt3A_520 = arith.cmpi slt, %add3A_514, %lt3A_519 : vector<16xi32>
          %and3A_521 = arith.andi %eq3A_517, %lt3A_520 : vector<16xi1>
          %broadcast_in_dim3A_522 = vector.broadcast %scan3A_406 : i32 to vector<16xi32>
          tpu.vector_store_idx %arg17[%broadcast_in_dim3A_522, %add3A_514], %gather3A_475 masked %and3A_521 : memref<8x32xf32, #tpu.memory_space<vmem>>[vector<16xi32>, vector<16xi32>], vector<16xf32>, vector<16xi1>
          %broadcast_in_dim3A_523 = vector.broadcast %scan3A_406 : i32 to vector<16xi32>
          tpu.vector_store_idx %arg18[%broadcast_in_dim3A_523, %add3A_514], %gather3A_480 masked %and3A_521 : memref<8x32xi32, #tpu.memory_space<vmem>>[vector<16xi32>, vector<16xi32>], vector<16xi32>, vector<16xi1>
        }
        %while3A_469 = arith.constant 1 : i32
        scf.for %while3A_470 = %while3A_467 to %while3A_463 step %while3A_469  : i32 {
          %broadcast_in_dim3A_471 = vector.broadcast %while3A_470 : i32 to vector<16xi32>
          %gather3A_472 = arith.constant 0 : i32
          %gather3A_473 = tpu.memref_slice %arg15[%scan3A_406, %gather3A_472] : memref<8x64xf32, #tpu.memory_space<vmem>> -> memref<1x64xf32, #tpu.memory_space<vmem>>
          %gather3A_474 = tpu.memref_squeeze %gather3A_473 : memref<1x64xf32, #tpu.memory_space<vmem>> -> memref<64xf32, #tpu.memory_space<vmem>>
          %gather3A_475 = tpu.vector_load_idx %gather3A_474[%broadcast_in_dim3A_471] : memref<64xf32, #tpu.memory_space<vmem>>[vector<16xi32>], vector<16xf32>,
          %broadcast_in_dim3A_476 = vector.broadcast %while3A_470 : i32 to vector<16xi32>
          %gather3A_477 = arith.constant 0 : i32
          %gather3A_478 = tpu.memref_slice %arg16[%scan3A_406, %gather3A_477] : memref<8x64xi32, #tpu.memory_space<vmem>> -> memref<1x64xi32, #tpu.memory_space<vmem>>
          %gather3A_479 = tpu.memref_squeeze %gather3A_478 : memref<1x64xi32, #tpu.memory_space<vmem>> -> memref<64xi32, #tpu.memory_space<vmem>>
          %gather3A_480 = tpu.vector_load_idx %gather3A_479[%broadcast_in_dim3A_476] : memref<64xi32, #tpu.memory_space<vmem>>[vector<16xi32>], vector<16xi32>,
          %broadcast_in_dim3A_481 = arith.constant 0 : i32
          %broadcast_in_dim3A_482 = vector.broadcast %broadcast_in_dim3A_481 : i32 to vector<16xi32>
          %get3A = arith.index_cast %scan3A_406 : i32 to index
          %get3A_483 = arith.constant 0 : index
          %get3A_484 = tpu.vector_load %arg15[%get3A, %get3A_483] {strides = array<i32>} : memref<8x64xf32, #tpu.memory_space<vmem>>, vector<16xf32>,
          %get3A_485 = arith.index_cast %scan3A_406 : i32 to index
          %get3A_486 = arith.constant 0 : index
          %get3A_487 = tpu.vector_load %arg16[%get3A_485, %get3A_486] {strides = array<i32>} : memref<8x64xi32, #tpu.memory_space<vmem>>, vector<16xi32>,
          %gt3A = arith.cmpf ogt, %get3A_484, %gather3A_475 : vector<16xf32>
          %eq3A = arith.cmpf oeq, %get3A_484, %gather3A_475 : vector<16xf32>
          %lt3A = arith.cmpi slt, %get3A_487, %gather3A_480 : vector<16xi32>
          %and3A = arith.andi %eq3A, %lt3A : vector<16xi1>
          %or3A = arith.ori %gt3A, %and3A : vector<16xi1>
          %all_reduce_population_count3A = tpu.all_reduce %or3A {dim = 0 : i64, kind = #tpu.reduction_kind<sum>} : vector<16xi1> -> vector<16xi32>
          %add3A_488 = arith.addi %broadcast_in_dim3A_482, %all_reduce_population_count3A : vector<16xi32>
          %get3A_489 = arith.index_cast %scan3A_406 : i32 to index
          %get3A_490 = arith.constant 16 : index
          %get3A_491 = tpu.vector_load %arg15[%get3A_489, %get3A_490] {strides = array<i32>} : memref<8x64xf32, #tpu.memory_space<vmem>>, vector<16xf32>,
          %get3A_492 = arith.index_cast %scan3A_406 : i32 to index
          %get3A_493 = arith.constant 16 : index
          %get3A_494 = tpu.vector_load %arg16[%get3A_492, %get3A_493] {strides = array<i32>} : memref<8x64xi32, #tpu.memory_space<vmem>>, vector<16xi32>,
          %gt3A_495 = arith.cmpf ogt, %get3A_491, %gather3A_475 : vector<16xf32>
          %eq3A_496 = arith.cmpf oeq, %get3A_491, %gather3A_475 : vector<16xf32>
          %lt3A_497 = arith.cmpi slt, %get3A_494, %gather3A_480 : vector<16xi32>
          %and3A_498 = arith.andi %eq3A_496, %lt3A_497 : vector<16xi1>
          %or3A_499 = arith.ori %gt3A_495, %and3A_498 : vector<16xi1>
          %all_reduce_population_count3A_500 = tpu.all_reduce %or3A_499 {dim = 0 : i64, kind = #tpu.reduction_kind<sum>} : vector<16xi1> -> vector<16xi32>
          %add3A_501 = arith.addi %add3A_488, %all_reduce_population_count3A_500 : vector<16xi32>
          %get3A_502 = arith.index_cast %scan3A_406 : i32 to index
          %get3A_503 = arith.constant 32 : index
          %get3A_504 = tpu.vector_load %arg15[%get3A_502, %get3A_503] {strides = array<i32>} : memref<8x64xf32, #tpu.memory_space<vmem>>, vector<16xf32>,
          %get3A_505 = arith.index_cast %scan3A_406 : i32 to index
          %get3A_506 = arith.constant 32 : index
          %get3A_507 = tpu.vector_load %arg16[%get3A_505, %get3A_506] {strides = array<i32>} : memref<8x64xi32, #tpu.memory_space<vmem>>, vector<16xi32>,
          %gt3A_508 = arith.cmpf ogt, %get3A_504, %gather3A_475 : vector<16xf32>
          %eq3A_509 = arith.cmpf oeq, %get3A_504, %gather3A_475 : vector<16xf32>
          %lt3A_510 = arith.cmpi slt, %get3A_507, %gather3A_480 : vector<16xi32>
          %and3A_511 = arith.andi %eq3A_509, %lt3A_510 : vector<16xi1>
          %or3A_512 = arith.ori %gt3A_508, %and3A_511 : vector<16xi1>
          %all_reduce_population_count3A_513 = tpu.all_reduce %or3A_512 {dim = 0 : i64, kind = #tpu.reduction_kind<sum>} : vector<16xi1> -> vector<16xi32>
          %add3A_514 = arith.addi %add3A_501, %all_reduce_population_count3A_513 : vector<16xi32>
          %eq3A_515 = arith.constant 0 : i32
          %eq3A_516 = vector.broadcast %eq3A_515 : i32 to vector<16xi32>
          %eq3A_517 = arith.cmpi eq, %iota3A, %eq3A_516 : vector<16xi32>
          %lt3A_518 = arith.constant 32 : i32
          %lt3A_519 = vector.broadcast %lt3A_518 : i32 to vector<16xi32>
          %lt3A_520 = arith.cmpi slt, %add3A_514, %lt3A_519 : vector<16xi32>
          %and3A_521 = arith.andi %eq3A_517, %lt3A_520 : vector<16xi1>
          %broadcast_in_dim3A_522 = vector.broadcast %scan3A_406 : i32 to vector<16xi32>
          tpu.vector_store_idx %arg17[%broadcast_in_dim3A_522, %add3A_514], %gather3A_475 masked %and3A_521 : memref<8x32xf32, #tpu.memory_space<vmem>>[vector<16xi32>, vector<16xi32>], vector<16xf32>, vector<16xi1>
          %broadcast_in_dim3A_523 = vector.broadcast %scan3A_406 : i32 to vector<16xi32>
          tpu.vector_store_idx %arg18[%broadcast_in_dim3A_523, %add3A_514], %gather3A_480 masked %and3A_521 : memref<8x32xi32, #tpu.memory_space<vmem>>[vector<16xi32>, vector<16xi32>], vector<16xi32>, vector<16xi1>
        }
      }
      %scan3A_213 = arith.constant 8 : i32
      %dma_start3A_214 = arith.constant 0 : i32
      %dma_start3A_215 = arith.constant 0 : i32
      %dma_start3A_216 = arith.constant 0 : i32
      %dma_start3A_217 = arith.constant 0 : i32
      %dma_start3A_218 = tpu.memref_slice %arg19[%dma_start3A_215, %dma_start3A_216, %dma_start3A_217] : memref<8x32x128xf32, #tpu.memory_space<vmem>> -> memref<1x32x128xf32, #tpu.memory_space<vmem>>
      %dma_start3A_219 = tpu.memref_squeeze %dma_start3A_218 : memref<1x32x128xf32, #tpu.memory_space<vmem>> -> memref<32x128xf32, #tpu.memory_space<vmem>>
      %dma_start3A_220 = arith.constant 0 : i32
      %dma_start3A_221 = tpu.memref_slice %arg18[%dma_start3A_214, %dma_start3A_220] : memref<8x32xi32, #tpu.memory_space<vmem>> -> memref<1x32xi32, #tpu.memory_space<vmem>>
      %dma_start3A_222 = tpu.memref_squeeze %dma_start3A_221 : memref<1x32xi32, #tpu.memory_space<vmem>> -> memref<32xi32, #tpu.memory_space<vmem>>
      %dma_start3A_223 = arith.constant 0 : i32
      %dma_start3A_224 = arith.constant 0 : i32
      %dma_start3A_225 = tpu.memref_slice %arg5[%dma_start3A_223, %dma_start3A_224] : memref<100000x128xf32, #tpu.memory_space<hbm>> -> memref<100000x128xf32, #tpu.memory_space<hbm>>
      tpu.enqueue_indirect_dma source(%dma_start3A_225 : memref<100000x128xf32, #tpu.memory_space<hbm>>) target(%dma_start3A_219 : memref<32x128xf32, #tpu.memory_space<vmem>>) offsets(%dma_start3A_222 : memref<32xi32, #tpu.memory_space<vmem>>) semaphore(%arg20 : memref<!tpu.dma_semaphore, #tpu.memory_space<semaphore_mem>>)
      %dma_start3A_226 = arith.constant 1 : i32
      %dma_start3A_227 = arith.constant 1 : i32
      %dma_start3A_228 = arith.constant 0 : i32
      %dma_start3A_229 = arith.constant 0 : i32
      %dma_start3A_230 = tpu.memref_slice %arg19[%dma_start3A_227, %dma_start3A_228, %dma_start3A_229] : memref<8x32x128xf32, #tpu.memory_space<vmem>> -> memref<1x32x128xf32, #tpu.memory_space<vmem>>
      %dma_start3A_231 = tpu.memref_squeeze %dma_start3A_230 : memref<1x32x128xf32, #tpu.memory_space<vmem>> -> memref<32x128xf32, #tpu.memory_space<vmem>>
      %dma_start3A_232 = arith.constant 0 : i32
      %dma_start3A_233 = tpu.memref_slice %arg18[%dma_start3A_226, %dma_start3A_232] : memref<8x32xi32, #tpu.memory_space<vmem>> -> memref<1x32xi32, #tpu.memory_space<vmem>>
      %dma_start3A_234 = tpu.memref_squeeze %dma_start3A_233 : memref<1x32xi32, #tpu.memory_space<vmem>> -> memref<32xi32, #tpu.memory_space<vmem>>
      %dma_start3A_235 = arith.constant 0 : i32
      %dma_start3A_236 = arith.constant 0 : i32
      %dma_start3A_237 = tpu.memref_slice %arg5[%dma_start3A_235, %dma_start3A_236] : memref<100000x128xf32, #tpu.memory_space<hbm>> -> memref<100000x128xf32, #tpu.memory_space<hbm>>
      tpu.enqueue_indirect_dma source(%dma_start3A_237 : memref<100000x128xf32, #tpu.memory_space<hbm>>) target(%dma_start3A_231 : memref<32x128xf32, #tpu.memory_space<vmem>>) offsets(%dma_start3A_234 : memref<32xi32, #tpu.memory_space<vmem>>) semaphore(%arg20 : memref<!tpu.dma_semaphore, #tpu.memory_space<semaphore_mem>>)
      %dma_start3A_238 = arith.constant 2 : i32
      %dma_start3A_239 = arith.constant 2 : i32
      %dma_start3A_240 = arith.constant 0 : i32
      %dma_start3A_241 = arith.constant 0 : i32
      %dma_start3A_242 = tpu.memref_slice %arg19[%dma_start3A_239, %dma_start3A_240, %dma_start3A_241] : memref<8x32x128xf32, #tpu.memory_space<vmem>> -> memref<1x32x128xf32, #tpu.memory_space<vmem>>
      %dma_start3A_243 = tpu.memref_squeeze %dma_start3A_242 : memref<1x32x128xf32, #tpu.memory_space<vmem>> -> memref<32x128xf32, #tpu.memory_space<vmem>>
      %dma_start3A_244 = arith.constant 0 : i32
      %dma_start3A_245 = tpu.memref_slice %arg18[%dma_start3A_238, %dma_start3A_244] : memref<8x32xi32, #tpu.memory_space<vmem>> -> memref<1x32xi32, #tpu.memory_space<vmem>>
      %dma_start3A_246 = tpu.memref_squeeze %dma_start3A_245 : memref<1x32xi32, #tpu.memory_space<vmem>> -> memref<32xi32, #tpu.memory_space<vmem>>
      %dma_start3A_247 = arith.constant 0 : i32
      %dma_start3A_248 = arith.constant 0 : i32
      %dma_start3A_249 = tpu.memref_slice %arg5[%dma_start3A_247, %dma_start3A_248] : memref<100000x128xf32, #tpu.memory_space<hbm>> -> memref<100000x128xf32, #tpu.memory_space<hbm>>
      tpu.enqueue_indirect_dma source(%dma_start3A_249 : memref<100000x128xf32, #tpu.memory_space<hbm>>) target(%dma_start3A_243 : memref<32x128xf32, #tpu.memory_space<vmem>>) offsets(%dma_start3A_246 : memref<32xi32, #tpu.memory_space<vmem>>) semaphore(%arg20 : memref<!tpu.dma_semaphore, #tpu.memory_space<semaphore_mem>>)
      %dma_start3A_250 = arith.constant 3 : i32
      %dma_start3A_251 = arith.constant 3 : i32
      %dma_start3A_252 = arith.constant 0 : i32
      %dma_start3A_253 = arith.constant 0 : i32
      %dma_start3A_254 = tpu.memref_slice %arg19[%dma_start3A_251, %dma_start3A_252, %dma_start3A_253] : memref<8x32x128xf32, #tpu.memory_space<vmem>> -> memref<1x32x128xf32, #tpu.memory_space<vmem>>
      %dma_start3A_255 = tpu.memref_squeeze %dma_start3A_254 : memref<1x32x128xf32, #tpu.memory_space<vmem>> -> memref<32x128xf32, #tpu.memory_space<vmem>>
      %dma_start3A_256 = arith.constant 0 : i32
      %dma_start3A_257 = tpu.memref_slice %arg18[%dma_start3A_250, %dma_start3A_256] : memref<8x32xi32, #tpu.memory_space<vmem>> -> memref<1x32xi32, #tpu.memory_space<vmem>>
      %dma_start3A_258 = tpu.memref_squeeze %dma_start3A_257 : memref<1x32xi32, #tpu.memory_space<vmem>> -> memref<32xi32, #tpu.memory_space<vmem>>
      %dma_start3A_259 = arith.constant 0 : i32
      %dma_start3A_260 = arith.constant 0 : i32
      %dma_start3A_261 = tpu.memref_slice %arg5[%dma_start3A_259, %dma_start3A_260] : memref<100000x128xf32, #tpu.memory_space<hbm>> -> memref<100000x128xf32, #tpu.memory_space<hbm>>
      tpu.enqueue_indirect_dma source(%dma_start3A_261 : memref<100000x128xf32, #tpu.memory_space<hbm>>) target(%dma_start3A_255 : memref<32x128xf32, #tpu.memory_space<vmem>>) offsets(%dma_start3A_258 : memref<32xi32, #tpu.memory_space<vmem>>) semaphore(%arg20 : memref<!tpu.dma_semaphore, #tpu.memory_space<semaphore_mem>>)
      %dma_start3A_262 = arith.constant 4 : i32
      %dma_start3A_263 = arith.constant 4 : i32
      %dma_start3A_264 = arith.constant 0 : i32
      %dma_start3A_265 = arith.constant 0 : i32
      %dma_start3A_266 = tpu.memref_slice %arg19[%dma_start3A_263, %dma_start3A_264, %dma_start3A_265] : memref<8x32x128xf32, #tpu.memory_space<vmem>> -> memref<1x32x128xf32, #tpu.memory_space<vmem>>
      %dma_start3A_267 = tpu.memref_squeeze %dma_start3A_266 : memref<1x32x128xf32, #tpu.memory_space<vmem>> -> memref<32x128xf32, #tpu.memory_space<vmem>>
      %dma_start3A_268 = arith.constant 0 : i32
      %dma_start3A_269 = tpu.memref_slice %arg18[%dma_start3A_262, %dma_start3A_268] : memref<8x32xi32, #tpu.memory_space<vmem>> -> memref<1x32xi32, #tpu.memory_space<vmem>>
      %dma_start3A_270 = tpu.memref_squeeze %dma_start3A_269 : memref<1x32xi32, #tpu.memory_space<vmem>> -> memref<32xi32, #tpu.memory_space<vmem>>
      %dma_start3A_271 = arith.constant 0 : i32
      %dma_start3A_272 = arith.constant 0 : i32
      %dma_start3A_273 = tpu.memref_slice %arg5[%dma_start3A_271, %dma_start3A_272] : memref<100000x128xf32, #tpu.memory_space<hbm>> -> memref<100000x128xf32, #tpu.memory_space<hbm>>
      tpu.enqueue_indirect_dma source(%dma_start3A_273 : memref<100000x128xf32, #tpu.memory_space<hbm>>) target(%dma_start3A_267 : memref<32x128xf32, #tpu.memory_space<vmem>>) offsets(%dma_start3A_270 : memref<32xi32, #tpu.memory_space<vmem>>) semaphore(%arg20 : memref<!tpu.dma_semaphore, #tpu.memory_space<semaphore_mem>>)
      %dma_start3A_274 = arith.constant 5 : i32
      %dma_start3A_275 = arith.constant 5 : i32
      %dma_start3A_276 = arith.constant 0 : i32
      %dma_start3A_277 = arith.constant 0 : i32
      %dma_start3A_278 = tpu.memref_slice %arg19[%dma_start3A_275, %dma_start3A_276, %dma_start3A_277] : memref<8x32x128xf32, #tpu.memory_space<vmem>> -> memref<1x32x128xf32, #tpu.memory_space<vmem>>
      %dma_start3A_279 = tpu.memref_squeeze %dma_start3A_278 : memref<1x32x128xf32, #tpu.memory_space<vmem>> -> memref<32x128xf32, #tpu.memory_space<vmem>>
      %dma_start3A_280 = arith.constant 0 : i32
      %dma_start3A_281 = tpu.memref_slice %arg18[%dma_start3A_274, %dma_start3A_280] : memref<8x32xi32, #tpu.memory_space<vmem>> -> memref<1x32xi32, #tpu.memory_space<vmem>>
      %dma_start3A_282 = tpu.memref_squeeze %dma_start3A_281 : memref<1x32xi32, #tpu.memory_space<vmem>> -> memref<32xi32, #tpu.memory_space<vmem>>
      %dma_start3A_283 = arith.constant 0 : i32
      %dma_start3A_284 = arith.constant 0 : i32
      %dma_start3A_285 = tpu.memref_slice %arg5[%dma_start3A_283, %dma_start3A_284] : memref<100000x128xf32, #tpu.memory_space<hbm>> -> memref<100000x128xf32, #tpu.memory_space<hbm>>
      tpu.enqueue_indirect_dma source(%dma_start3A_285 : memref<100000x128xf32, #tpu.memory_space<hbm>>) target(%dma_start3A_279 : memref<32x128xf32, #tpu.memory_space<vmem>>) offsets(%dma_start3A_282 : memref<32xi32, #tpu.memory_space<vmem>>) semaphore(%arg20 : memref<!tpu.dma_semaphore, #tpu.memory_space<semaphore_mem>>)
      %dma_start3A_286 = arith.constant 6 : i32
      %dma_start3A_287 = arith.constant 6 : i32
      %dma_start3A_288 = arith.constant 0 : i32
      %dma_start3A_289 = arith.constant 0 : i32
      %dma_start3A_290 = tpu.memref_slice %arg19[%dma_start3A_287, %dma_start3A_288, %dma_start3A_289] : memref<8x32x128xf32, #tpu.memory_space<vmem>> -> memref<1x32x128xf32, #tpu.memory_space<vmem>>
      %dma_start3A_291 = tpu.memref_squeeze %dma_start3A_290 : memref<1x32x128xf32, #tpu.memory_space<vmem>> -> memref<32x128xf32, #tpu.memory_space<vmem>>
      %dma_start3A_292 = arith.constant 0 : i32
      %dma_start3A_293 = tpu.memref_slice %arg18[%dma_start3A_286, %dma_start3A_292] : memref<8x32xi32, #tpu.memory_space<vmem>> -> memref<1x32xi32, #tpu.memory_space<vmem>>
      %dma_start3A_294 = tpu.memref_squeeze %dma_start3A_293 : memref<1x32xi32, #tpu.memory_space<vmem>> -> memref<32xi32, #tpu.memory_space<vmem>>
      %dma_start3A_295 = arith.constant 0 : i32
      %dma_start3A_296 = arith.constant 0 : i32
      %dma_start3A_297 = tpu.memref_slice %arg5[%dma_start3A_295, %dma_start3A_296] : memref<100000x128xf32, #tpu.memory_space<hbm>> -> memref<100000x128xf32, #tpu.memory_space<hbm>>
      tpu.enqueue_indirect_dma source(%dma_start3A_297 : memref<100000x128xf32, #tpu.memory_space<hbm>>) target(%dma_start3A_291 : memref<32x128xf32, #tpu.memory_space<vmem>>) offsets(%dma_start3A_294 : memref<32xi32, #tpu.memory_space<vmem>>) semaphore(%arg20 : memref<!tpu.dma_semaphore, #tpu.memory_space<semaphore_mem>>)
      %dma_start3A_298 = arith.constant 7 : i32
      %dma_start3A_299 = arith.constant 7 : i32
      %dma_start3A_300 = arith.constant 0 : i32
      %dma_start3A_301 = arith.constant 0 : i32
      %dma_start3A_302 = tpu.memref_slice %arg19[%dma_start3A_299, %dma_start3A_300, %dma_start3A_301] : memref<8x32x128xf32, #tpu.memory_space<vmem>> -> memref<1x32x128xf32, #tpu.memory_space<vmem>>
      %dma_start3A_303 = tpu.memref_squeeze %dma_start3A_302 : memref<1x32x128xf32, #tpu.memory_space<vmem>> -> memref<32x128xf32, #tpu.memory_space<vmem>>
      %dma_start3A_304 = arith.constant 0 : i32
      %dma_start3A_305 = tpu.memref_slice %arg18[%dma_start3A_298, %dma_start3A_304] : memref<8x32xi32, #tpu.memory_space<vmem>> -> memref<1x32xi32, #tpu.memory_space<vmem>>
      %dma_start3A_306 = tpu.memref_squeeze %dma_start3A_305 : memref<1x32xi32, #tpu.memory_space<vmem>> -> memref<32xi32, #tpu.memory_space<vmem>>
      %dma_start3A_307 = arith.constant 0 : i32
      %dma_start3A_308 = arith.constant 0 : i32
      %dma_start3A_309 = tpu.memref_slice %arg5[%dma_start3A_307, %dma_start3A_308] : memref<100000x128xf32, #tpu.memory_space<hbm>> -> memref<100000x128xf32, #tpu.memory_space<hbm>>
      tpu.enqueue_indirect_dma source(%dma_start3A_309 : memref<100000x128xf32, #tpu.memory_space<hbm>>) target(%dma_start3A_303 : memref<32x128xf32, #tpu.memory_space<vmem>>) offsets(%dma_start3A_306 : memref<32xi32, #tpu.memory_space<vmem>>) semaphore(%arg20 : memref<!tpu.dma_semaphore, #tpu.memory_space<semaphore_mem>>)
      %dma_wait3A_310 = arith.constant 0 : i32
      %dma_wait3A_311 = arith.constant 0 : i32
      %dma_wait3A_312 = arith.constant 0 : i32
      %dma_wait3A_313 = arith.constant 0 : i32
      %dma_wait3A_314 = tpu.memref_slice %arg19[%dma_wait3A_311, %dma_wait3A_312, %dma_wait3A_313] : memref<8x32x128xf32, #tpu.memory_space<vmem>> -> memref<1x32x128xf32, #tpu.memory_space<vmem>>
      %dma_wait3A_315 = tpu.memref_squeeze %dma_wait3A_314 : memref<1x32x128xf32, #tpu.memory_space<vmem>> -> memref<32x128xf32, #tpu.memory_space<vmem>>
      %dma_wait3A_316 = arith.constant 0 : i32
      %dma_wait3A_317 = tpu.memref_slice %arg18[%dma_wait3A_310, %dma_wait3A_316] : memref<8x32xi32, #tpu.memory_space<vmem>> -> memref<1x32xi32, #tpu.memory_space<vmem>>
      %dma_wait3A_318 = tpu.memref_squeeze %dma_wait3A_317 : memref<1x32xi32, #tpu.memory_space<vmem>> -> memref<32xi32, #tpu.memory_space<vmem>>
      %dma_wait3A_319 = arith.constant 0 : i32
      %dma_wait3A_320 = arith.constant 0 : i32
      %dma_wait3A_321 = tpu.memref_slice %arg5[%dma_wait3A_319, %dma_wait3A_320] : memref<100000x128xf32, #tpu.memory_space<hbm>> -> memref<100000x128xf32, #tpu.memory_space<hbm>>
      tpu.wait_indirect_dma semaphore(%arg20 : memref<!tpu.dma_semaphore, #tpu.memory_space<semaphore_mem>>) src(%dma_wait3A_321 : memref<100000x128xf32, #tpu.memory_space<hbm>>) dst(%dma_wait3A_315 : memref<32x128xf32, #tpu.memory_space<vmem>>)
      %dma_wait3A_322 = arith.constant 1 : i32
      %dma_wait3A_323 = arith.constant 1 : i32
      %dma_wait3A_324 = arith.constant 0 : i32
      %dma_wait3A_325 = arith.constant 0 : i32
      %dma_wait3A_326 = tpu.memref_slice %arg19[%dma_wait3A_323, %dma_wait3A_324, %dma_wait3A_325] : memref<8x32x128xf32, #tpu.memory_space<vmem>> -> memref<1x32x128xf32, #tpu.memory_space<vmem>>
      %dma_wait3A_327 = tpu.memref_squeeze %dma_wait3A_326 : memref<1x32x128xf32, #tpu.memory_space<vmem>> -> memref<32x128xf32, #tpu.memory_space<vmem>>
      %dma_wait3A_328 = arith.constant 0 : i32
      %dma_wait3A_329 = tpu.memref_slice %arg18[%dma_wait3A_322, %dma_wait3A_328] : memref<8x32xi32, #tpu.memory_space<vmem>> -> memref<1x32xi32, #tpu.memory_space<vmem>>
      %dma_wait3A_330 = tpu.memref_squeeze %dma_wait3A_329 : memref<1x32xi32, #tpu.memory_space<vmem>> -> memref<32xi32, #tpu.memory_space<vmem>>
      %dma_wait3A_331 = arith.constant 0 : i32
      %dma_wait3A_332 = arith.constant 0 : i32
      %dma_wait3A_333 = tpu.memref_slice %arg5[%dma_wait3A_331, %dma_wait3A_332] : memref<100000x128xf32, #tpu.memory_space<hbm>> -> memref<100000x128xf32, #tpu.memory_space<hbm>>
      tpu.wait_indirect_dma semaphore(%arg20 : memref<!tpu.dma_semaphore, #tpu.memory_space<semaphore_mem>>) src(%dma_wait3A_333 : memref<100000x128xf32, #tpu.memory_space<hbm>>) dst(%dma_wait3A_327 : memref<32x128xf32, #tpu.memory_space<vmem>>)
      %dma_wait3A_334 = arith.constant 2 : i32
      %dma_wait3A_335 = arith.constant 2 : i32
      %dma_wait3A_336 = arith.constant 0 : i32
      %dma_wait3A_337 = arith.constant 0 : i32
      %dma_wait3A_338 = tpu.memref_slice %arg19[%dma_wait3A_335, %dma_wait3A_336, %dma_wait3A_337] : memref<8x32x128xf32, #tpu.memory_space<vmem>> -> memref<1x32x128xf32, #tpu.memory_space<vmem>>
      %dma_wait3A_339 = tpu.memref_squeeze %dma_wait3A_338 : memref<1x32x128xf32, #tpu.memory_space<vmem>> -> memref<32x128xf32, #tpu.memory_space<vmem>>
      %dma_wait3A_340 = arith.constant 0 : i32
      %dma_wait3A_341 = tpu.memref_slice %arg18[%dma_wait3A_334, %dma_wait3A_340] : memref<8x32xi32, #tpu.memory_space<vmem>> -> memref<1x32xi32, #tpu.memory_space<vmem>>
      %dma_wait3A_342 = tpu.memref_squeeze %dma_wait3A_341 : memref<1x32xi32, #tpu.memory_space<vmem>> -> memref<32xi32, #tpu.memory_space<vmem>>
      %dma_wait3A_343 = arith.constant 0 : i32
      %dma_wait3A_344 = arith.constant 0 : i32
      %dma_wait3A_345 = tpu.memref_slice %arg5[%dma_wait3A_343, %dma_wait3A_344] : memref<100000x128xf32, #tpu.memory_space<hbm>> -> memref<100000x128xf32, #tpu.memory_space<hbm>>
      tpu.wait_indirect_dma semaphore(%arg20 : memref<!tpu.dma_semaphore, #tpu.memory_space<semaphore_mem>>) src(%dma_wait3A_345 : memref<100000x128xf32, #tpu.memory_space<hbm>>) dst(%dma_wait3A_339 : memref<32x128xf32, #tpu.memory_space<vmem>>)
      %dma_wait3A_346 = arith.constant 3 : i32
      %dma_wait3A_347 = arith.constant 3 : i32
      %dma_wait3A_348 = arith.constant 0 : i32
      %dma_wait3A_349 = arith.constant 0 : i32
      %dma_wait3A_350 = tpu.memref_slice %arg19[%dma_wait3A_347, %dma_wait3A_348, %dma_wait3A_349] : memref<8x32x128xf32, #tpu.memory_space<vmem>> -> memref<1x32x128xf32, #tpu.memory_space<vmem>>
      %dma_wait3A_351 = tpu.memref_squeeze %dma_wait3A_350 : memref<1x32x128xf32, #tpu.memory_space<vmem>> -> memref<32x128xf32, #tpu.memory_space<vmem>>
      %dma_wait3A_352 = arith.constant 0 : i32
      %dma_wait3A_353 = tpu.memref_slice %arg18[%dma_wait3A_346, %dma_wait3A_352] : memref<8x32xi32, #tpu.memory_space<vmem>> -> memref<1x32xi32, #tpu.memory_space<vmem>>
      %dma_wait3A_354 = tpu.memref_squeeze %dma_wait3A_353 : memref<1x32xi32, #tpu.memory_space<vmem>> -> memref<32xi32, #tpu.memory_space<vmem>>
      %dma_wait3A_355 = arith.constant 0 : i32
      %dma_wait3A_356 = arith.constant 0 : i32
      %dma_wait3A_357 = tpu.memref_slice %arg5[%dma_wait3A_355, %dma_wait3A_356] : memref<100000x128xf32, #tpu.memory_space<hbm>> -> memref<100000x128xf32, #tpu.memory_space<hbm>>
      tpu.wait_indirect_dma semaphore(%arg20 : memref<!tpu.dma_semaphore, #tpu.memory_space<semaphore_mem>>) src(%dma_wait3A_357 : memref<100000x128xf32, #tpu.memory_space<hbm>>) dst(%dma_wait3A_351 : memref<32x128xf32, #tpu.memory_space<vmem>>)
      %dma_wait3A_358 = arith.constant 4 : i32
      %dma_wait3A_359 = arith.constant 4 : i32
      %dma_wait3A_360 = arith.constant 0 : i32
      %dma_wait3A_361 = arith.constant 0 : i32
      %dma_wait3A_362 = tpu.memref_slice %arg19[%dma_wait3A_359, %dma_wait3A_360, %dma_wait3A_361] : memref<8x32x128xf32, #tpu.memory_space<vmem>> -> memref<1x32x128xf32, #tpu.memory_space<vmem>>
      %dma_wait3A_363 = tpu.memref_squeeze %dma_wait3A_362 : memref<1x32x128xf32, #tpu.memory_space<vmem>> -> memref<32x128xf32, #tpu.memory_space<vmem>>
      %dma_wait3A_364 = arith.constant 0 : i32
      %dma_wait3A_365 = tpu.memref_slice %arg18[%dma_wait3A_358, %dma_wait3A_364] : memref<8x32xi32, #tpu.memory_space<vmem>> -> memref<1x32xi32, #tpu.memory_space<vmem>>
      %dma_wait3A_366 = tpu.memref_squeeze %dma_wait3A_365 : memref<1x32xi32, #tpu.memory_space<vmem>> -> memref<32xi32, #tpu.memory_space<vmem>>
      %dma_wait3A_367 = arith.constant 0 : i32
      %dma_wait3A_368 = arith.constant 0 : i32
      %dma_wait3A_369 = tpu.memref_slice %arg5[%dma_wait3A_367, %dma_wait3A_368] : memref<100000x128xf32, #tpu.memory_space<hbm>> -> memref<100000x128xf32, #tpu.memory_space<hbm>>
      tpu.wait_indirect_dma semaphore(%arg20 : memref<!tpu.dma_semaphore, #tpu.memory_space<semaphore_mem>>) src(%dma_wait3A_369 : memref<100000x128xf32, #tpu.memory_space<hbm>>) dst(%dma_wait3A_363 : memref<32x128xf32, #tpu.memory_space<vmem>>)
      %dma_wait3A_370 = arith.constant 5 : i32
      %dma_wait3A_371 = arith.constant 5 : i32
      %dma_wait3A_372 = arith.constant 0 : i32
      %dma_wait3A_373 = arith.constant 0 : i32
      %dma_wait3A_374 = tpu.memref_slice %arg19[%dma_wait3A_371, %dma_wait3A_372, %dma_wait3A_373] : memref<8x32x128xf32, #tpu.memory_space<vmem>> -> memref<1x32x128xf32, #tpu.memory_space<vmem>>
      %dma_wait3A_375 = tpu.memref_squeeze %dma_wait3A_374 : memref<1x32x128xf32, #tpu.memory_space<vmem>> -> memref<32x128xf32, #tpu.memory_space<vmem>>
      %dma_wait3A_376 = arith.constant 0 : i32
      %dma_wait3A_377 = tpu.memref_slice %arg18[%dma_wait3A_370, %dma_wait3A_376] : memref<8x32xi32, #tpu.memory_space<vmem>> -> memref<1x32xi32, #tpu.memory_space<vmem>>
      %dma_wait3A_378 = tpu.memref_squeeze %dma_wait3A_377 : memref<1x32xi32, #tpu.memory_space<vmem>> -> memref<32xi32, #tpu.memory_space<vmem>>
      %dma_wait3A_379 = arith.constant 0 : i32
      %dma_wait3A_380 = arith.constant 0 : i32
      %dma_wait3A_381 = tpu.memref_slice %arg5[%dma_wait3A_379, %dma_wait3A_380] : memref<100000x128xf32, #tpu.memory_space<hbm>> -> memref<100000x128xf32, #tpu.memory_space<hbm>>
      tpu.wait_indirect_dma semaphore(%arg20 : memref<!tpu.dma_semaphore, #tpu.memory_space<semaphore_mem>>) src(%dma_wait3A_381 : memref<100000x128xf32, #tpu.memory_space<hbm>>) dst(%dma_wait3A_375 : memref<32x128xf32, #tpu.memory_space<vmem>>)
      %dma_wait3A_382 = arith.constant 6 : i32
      %dma_wait3A_383 = arith.constant 6 : i32
      %dma_wait3A_384 = arith.constant 0 : i32
      %dma_wait3A_385 = arith.constant 0 : i32
      %dma_wait3A_386 = tpu.memref_slice %arg19[%dma_wait3A_383, %dma_wait3A_384, %dma_wait3A_385] : memref<8x32x128xf32, #tpu.memory_space<vmem>> -> memref<1x32x128xf32, #tpu.memory_space<vmem>>
      %dma_wait3A_387 = tpu.memref_squeeze %dma_wait3A_386 : memref<1x32x128xf32, #tpu.memory_space<vmem>> -> memref<32x128xf32, #tpu.memory_space<vmem>>
      %dma_wait3A_388 = arith.constant 0 : i32
      %dma_wait3A_389 = tpu.memref_slice %arg18[%dma_wait3A_382, %dma_wait3A_388] : memref<8x32xi32, #tpu.memory_space<vmem>> -> memref<1x32xi32, #tpu.memory_space<vmem>>
      %dma_wait3A_390 = tpu.memref_squeeze %dma_wait3A_389 : memref<1x32xi32, #tpu.memory_space<vmem>> -> memref<32xi32, #tpu.memory_space<vmem>>
      %dma_wait3A_391 = arith.constant 0 : i32
      %dma_wait3A_392 = arith.constant 0 : i32
      %dma_wait3A_393 = tpu.memref_slice %arg5[%dma_wait3A_391, %dma_wait3A_392] : memref<100000x128xf32, #tpu.memory_space<hbm>> -> memref<100000x128xf32, #tpu.memory_space<hbm>>
      tpu.wait_indirect_dma semaphore(%arg20 : memref<!tpu.dma_semaphore, #tpu.memory_space<semaphore_mem>>) src(%dma_wait3A_393 : memref<100000x128xf32, #tpu.memory_space<hbm>>) dst(%dma_wait3A_387 : memref<32x128xf32, #tpu.memory_space<vmem>>)
      %dma_wait3A_394 = arith.constant 7 : i32
      %dma_wait3A_395 = arith.constant 7 : i32
      %dma_wait3A_396 = arith.constant 0 : i32
      %dma_wait3A_397 = arith.constant 0 : i32
      %dma_wait3A_398 = tpu.memref_slice %arg19[%dma_wait3A_395, %dma_wait3A_396, %dma_wait3A_397] : memref<8x32x128xf32, #tpu.memory_space<vmem>> -> memref<1x32x128xf32, #tpu.memory_space<vmem>>
      %dma_wait3A_399 = tpu.memref_squeeze %dma_wait3A_398 : memref<1x32x128xf32, #tpu.memory_space<vmem>> -> memref<32x128xf32, #tpu.memory_space<vmem>>
      %dma_wait3A_400 = arith.constant 0 : i32
      %dma_wait3A_401 = tpu.memref_slice %arg18[%dma_wait3A_394, %dma_wait3A_400] : memref<8x32xi32, #tpu.memory_space<vmem>> -> memref<1x32xi32, #tpu.memory_space<vmem>>
      %dma_wait3A_402 = tpu.memref_squeeze %dma_wait3A_401 : memref<1x32xi32, #tpu.memory_space<vmem>> -> memref<32xi32, #tpu.memory_space<vmem>>
      %dma_wait3A_403 = arith.constant 0 : i32
      %dma_wait3A_404 = arith.constant 0 : i32
      %dma_wait3A_405 = tpu.memref_slice %arg5[%dma_wait3A_403, %dma_wait3A_404] : memref<100000x128xf32, #tpu.memory_space<hbm>> -> memref<100000x128xf32, #tpu.memory_space<hbm>>
      tpu.wait_indirect_dma semaphore(%arg20 : memref<!tpu.dma_semaphore, #tpu.memory_space<semaphore_mem>>) src(%dma_wait3A_405 : memref<100000x128xf32, #tpu.memory_space<hbm>>) dst(%dma_wait3A_399 : memref<32x128xf32, #tpu.memory_space<vmem>>)
      "tpu.region"() ({
        %run_scoped3A = tpu.sem_alloc : memref<!tpu.dma_semaphore, #tpu.memory_space<semaphore_mem>>
        %dma_start3A_406 = arith.constant 0 : i32
        %dma_start3A_407 = tpu.memref_slice %arg6[%add3A_11, %dma_start3A_406] : memref<4096x32xf32, #tpu.memory_space<hbm>> -> memref<8x32xf32, #tpu.memory_space<hbm>>
        %dma_start3A_408 = arith.constant 0 : i32
        %dma_start3A_409 = tpu.memref_slice %arg6[%add3A_11, %dma_start3A_408] : memref<4096x32xf32, #tpu.memory_space<hbm>> -> memref<8x32xf32, #tpu.memory_space<hbm>>
        tpu.enqueue_dma source(%arg17 : memref<8x32xf32, #tpu.memory_space<vmem>>) target(%dma_start3A_409 : memref<8x32xf32, #tpu.memory_space<hbm>>) target_semaphore(%run_scoped3A : memref<!tpu.dma_semaphore, #tpu.memory_space<semaphore_mem>>)
        %dma_wait3A_410 = arith.constant 0 : i32
        %dma_wait3A_411 = tpu.memref_slice %arg6[%add3A_11, %dma_wait3A_410] : memref<4096x32xf32, #tpu.memory_space<hbm>> -> memref<8x32xf32, #tpu.memory_space<hbm>>
        %dma_wait3A_412 = arith.constant 0 : i32
        %dma_wait3A_413 = tpu.memref_slice %arg6[%add3A_11, %dma_wait3A_412] : memref<4096x32xf32, #tpu.memory_space<hbm>> -> memref<8x32xf32, #tpu.memory_space<hbm>>
        tpu.wait_dma2 semaphore(%run_scoped3A : memref<!tpu.dma_semaphore, #tpu.memory_space<semaphore_mem>>) src(%arg17 : memref<8x32xf32, #tpu.memory_space<vmem>>) dst(%dma_wait3A_413 : memref<8x32xf32, #tpu.memory_space<hbm>>)
        tpu.yield
      }) : () -> ()
      "tpu.region"() ({
        %run_scoped3A = tpu.sem_alloc : memref<!tpu.dma_semaphore, #tpu.memory_space<semaphore_mem>>
        %dma_start3A_406 = arith.constant 0 : i32
        %dma_start3A_407 = tpu.memref_slice %arg7[%add3A_11, %dma_start3A_406] : memref<4096x32xi32, #tpu.memory_space<hbm>> -> memref<8x32xi32, #tpu.memory_space<hbm>>
        %dma_start3A_408 = arith.constant 0 : i32
        %dma_start3A_409 = tpu.memref_slice %arg7[%add3A_11, %dma_start3A_408] : memref<4096x32xi32, #tpu.memory_space<hbm>> -> memref<8x32xi32, #tpu.memory_space<hbm>>
        tpu.enqueue_dma source(%arg18 : memref<8x32xi32, #tpu.memory_space<vmem>>) target(%dma_start3A_409 : memref<8x32xi32, #tpu.memory_space<hbm>>) target_semaphore(%run_scoped3A : memref<!tpu.dma_semaphore, #tpu.memory_space<semaphore_mem>>)
        %dma_wait3A_410 = arith.constant 0 : i32
        %dma_wait3A_411 = tpu.memref_slice %arg7[%add3A_11, %dma_wait3A_410] : memref<4096x32xi32, #tpu.memory_space<hbm>> -> memref<8x32xi32, #tpu.memory_space<hbm>>
        %dma_wait3A_412 = arith.constant 0 : i32
        %dma_wait3A_413 = tpu.memref_slice %arg7[%add3A_11, %dma_wait3A_412] : memref<4096x32xi32, #tpu.memory_space<hbm>> -> memref<8x32xi32, #tpu.memory_space<hbm>>
        tpu.wait_dma2 semaphore(%run_scoped3A : memref<!tpu.dma_semaphore, #tpu.memory_space<semaphore_mem>>) src(%arg18 : memref<8x32xi32, #tpu.memory_space<vmem>>) dst(%dma_wait3A_413 : memref<8x32xi32, #tpu.memory_space<hbm>>)
        tpu.yield
      }) : () -> ()
      "tpu.region"() ({
        %run_scoped3A = tpu.sem_alloc : memref<!tpu.dma_semaphore, #tpu.memory_space<semaphore_mem>>
        %dma_start3A_406 = arith.constant 0 : i32
        %dma_start3A_407 = arith.constant 0 : i32
        %dma_start3A_408 = tpu.memref_slice %arg8[%add3A_11, %dma_start3A_406, %dma_start3A_407] : memref<4096x32x128xf32, #tpu.memory_space<hbm>> -> memref<8x32x128xf32, #tpu.memory_space<hbm>>
        %dma_start3A_409 = arith.constant 0 : i32
        %dma_start3A_410 = arith.constant 0 : i32
        %dma_start3A_411 = tpu.memref_slice %arg8[%add3A_11, %dma_start3A_409, %dma_start3A_410] : memref<4096x32x128xf32, #tpu.memory_space<hbm>> -> memref<8x32x128xf32, #tpu.memory_space<hbm>>
        tpu.enqueue_dma source(%arg19 : memref<8x32x128xf32, #tpu.memory_space<vmem>>) target(%dma_start3A_411 : memref<8x32x128xf32, #tpu.memory_space<hbm>>) target_semaphore(%run_scoped3A : memref<!tpu.dma_semaphore, #tpu.memory_space<semaphore_mem>>)
        %dma_wait3A_412 = arith.constant 0 : i32
        %dma_wait3A_413 = arith.constant 0 : i32
        %dma_wait3A_414 = tpu.memref_slice %arg8[%add3A_11, %dma_wait3A_412, %dma_wait3A_413] : memref<4096x32x128xf32, #tpu.memory_space<hbm>> -> memref<8x32x128xf32, #tpu.memory_space<hbm>>
        %dma_wait3A_415 = arith.constant 0 : i32
        %dma_wait3A_416 = arith.constant 0 : i32
        %dma_wait3A_417 = tpu.memref_slice %arg8[%add3A_11, %dma_wait3A_415, %dma_wait3A_416] : memref<4096x32x128xf32, #tpu.memory_space<hbm>> -> memref<8x32x128xf32, #tpu.memory_space<hbm>>
        tpu.wait_dma2 semaphore(%run_scoped3A : memref<!tpu.dma_semaphore, #tpu.memory_space<semaphore_mem>>) src(%arg19 : memref<8x32x128xf32, #tpu.memory_space<vmem>>) dst(%dma_wait3A_417 : memref<8x32x128xf32, #tpu.memory_space<hbm>>)
        tpu.yield
      }) : () -> ()
    }
    %scan3A_7 = arith.constant 16 : i32
    return
  }
}

module attributes {stable_mosaic.version = 14 : i64} {
  func.func @_mm_body(%arg0: i32, %arg1: i32, %arg2: memref<4096x128xf32, #tpu.memory_space<vmem>>, %arg3: memref<512x128xf32, #tpu.memory_space<vmem>>, %arg4: memref<4x4096x128xf32, #tpu.memory_space<vmem>>, %arg5: memref<1x4x4096xf32, #tpu.memory_space<vmem>>) attributes {dimension_semantics = [#tpu.dimension_semantics<arbitrary>, #tpu.dimension_semantics<arbitrary>], iteration_bounds = array<i64: 1, 196>, scalar_prefetch = 0 : i64, scratch_operands = 0 : i64, tpu.core_type = #tpu.core_type<tc>, window_params = [{transform_indices = @transform_0, window_bounds = array<i64: 4096, 128>}, {transform_indices = @transform_1, window_bounds = array<i64: 512, 128>}, {transform_indices = @transform_2, window_bounds = array<i64: 4, 4096, 128>}, {transform_indices = @transform_3, window_bounds = array<i64: 1, 4, 4096>}]} {
    %get3A = arith.constant 0 : index
    %get3A_0 = arith.constant 0 : index
    %get3A_1 = vector.load %arg2[%get3A, %get3A_0] : memref<4096x128xf32, #tpu.memory_space<vmem>>, vector<4096x128xf32>
    %get3A_2 = arith.constant 0 : index
    %get3A_3 = arith.constant 0 : index
    %get3A_4 = vector.load %arg3[%get3A_2, %get3A_3] : memref<512x128xf32, #tpu.memory_space<vmem>>, vector<128x128xf32>
    %dot_general3A = arith.constant dense<0.000000e+00> : vector<4096x128xf32>
    %dot_general3A_5 = tpu.matmul %get3A_1, %get3A_4, %dot_general3A {dimension_numbers = #tpu.dot_dimension_numbers<[1], [1], [0], [0], [0, 0, 1, 0], [], []>, transpose_lhs_hint = false} : vector<4096x128xf32>, vector<128x128xf32>, vector<4096x128xf32> -> vector<4096x128xf32>
    %mul3A = arith.constant 512 : i32
    %mul3A_6 = arith.muli %arg1, %mul3A : i32
    %add3A = arith.constant 0 : i32
    %add3A_7 = arith.addi %mul3A_6, %add3A : i32
    %iota3A = tpu.iota {dimensions = array<i32: 1>} : vector<4096x128xi32>
    %add3A_8 = vector.broadcast %add3A_7 : i32 to vector<4096x128xi32>
    %add3A_9 = arith.addi %add3A_8, %iota3A : vector<4096x128xi32>
    %lt3A = arith.constant 100000 : i32
    %lt3A_10 = vector.broadcast %lt3A : i32 to vector<4096x128xi32>
    %lt3A_11 = arith.cmpi slt, %add3A_9, %lt3A_10 : vector<4096x128xi32>
    %jit3A = arith.constant -1.000000e+30 : f32
    %broadcast_in_dim3A = vector.broadcast %jit3A : f32 to vector<4096x128xf32>
    %select_n3A = arith.select %lt3A_11, %dot_general3A_5, %broadcast_in_dim3A : vector<4096x128xi1>, vector<4096x128xf32>
    %swap3A = arith.constant 0 : index
    %swap3A_12 = arith.constant 0 : index
    %swap3A_13 = arith.constant 0 : index
    %swap3A_14 = vector.load %arg4[%swap3A, %swap3A_12, %swap3A_13] : memref<4x4096x128xf32, #tpu.memory_space<vmem>>, vector<1x4096x128xf32>
    %swap3A_15 = vector.shape_cast %swap3A_14 : vector<1x4096x128xf32> to vector<4096x128xf32>
    %swap3A_16 = vector.shape_cast %select_n3A : vector<4096x128xf32> to vector<1x4096x128xf32>
    tpu.vector_store %arg4[%swap3A, %swap3A_12, %swap3A_13], %swap3A_16 {strides = array<i32>} : memref<4x4096x128xf32, #tpu.memory_space<vmem>>, vector<1x4096x128xf32>,
    %dot_general3A_17 = arith.constant dense<0.000000e+00> : vector<128x4096xf32>
    %dot_general3A_18 = tpu.matmul %get3A_4, %get3A_1, %dot_general3A_17 {dimension_numbers = #tpu.dot_dimension_numbers<[1], [1], [0], [0], [0, 0, 1, 0], [], []>, transpose_lhs_hint = false} : vector<128x128xf32>, vector<4096x128xf32>, vector<128x4096xf32> -> vector<128x4096xf32>
    %mul3A_19 = arith.constant 512 : i32
    %mul3A_20 = arith.muli %arg1, %mul3A_19 : i32
    %add3A_21 = arith.constant 0 : i32
    %add3A_22 = arith.addi %mul3A_20, %add3A_21 : i32
    %iota3A_23 = tpu.iota {dimensions = array<i32: 0>} : vector<128x4096xi32>
    %add3A_24 = vector.broadcast %add3A_22 : i32 to vector<128x4096xi32>
    %add3A_25 = arith.addi %add3A_24, %iota3A_23 : vector<128x4096xi32>
    %lt3A_26 = arith.constant 100000 : i32
    %lt3A_27 = vector.broadcast %lt3A_26 : i32 to vector<128x4096xi32>
    %lt3A_28 = arith.cmpi slt, %add3A_25, %lt3A_27 : vector<128x4096xi32>
    %jit3A_29 = arith.constant -1.000000e+30 : f32
    %broadcast_in_dim3A_30 = vector.broadcast %jit3A_29 : f32 to vector<128x4096xf32>
    %select_n3A_31 = arith.select %lt3A_28, %dot_general3A_18, %broadcast_in_dim3A_30 : vector<128x4096xi1>, vector<128x4096xf32>
    %reduce_max3A = arith.constant dense<0xFF800000> : vector<4096xf32>
    %reduce_max3A_32 = vector.multi_reduction <maximumf>, %select_n3A_31, %reduce_max3A [0] : vector<128x4096xf32> to vector<4096xf32>
    %swap3A_33 = arith.constant 0 : index
    %swap3A_34 = arith.constant 0 : index
    %swap3A_35 = arith.constant 0 : index
    %swap3A_36 = vector.load %arg5[%swap3A_33, %swap3A_34, %swap3A_35] : memref<1x4x4096xf32, #tpu.memory_space<vmem>>, vector<1x1x4096xf32>
    %swap3A_37 = vector.shape_cast %swap3A_36 : vector<1x1x4096xf32> to vector<4096xf32>
    %swap3A_38 = vector.shape_cast %reduce_max3A_32 : vector<4096xf32> to vector<1x1x4096xf32>
    tpu.vector_store %arg5[%swap3A_33, %swap3A_34, %swap3A_35], %swap3A_38 {strides = array<i32>} : memref<1x4x4096xf32, #tpu.memory_space<vmem>>, vector<1x1x4096xf32>,
    %get3A_39 = arith.constant 128 : index
    %get3A_40 = arith.constant 0 : index
    %get3A_41 = vector.load %arg3[%get3A_39, %get3A_40] : memref<512x128xf32, #tpu.memory_space<vmem>>, vector<128x128xf32>
    %dot_general3A_42 = arith.constant dense<0.000000e+00> : vector<4096x128xf32>
    %dot_general3A_43 = tpu.matmul %get3A_1, %get3A_41, %dot_general3A_42 {dimension_numbers = #tpu.dot_dimension_numbers<[1], [1], [0], [0], [0, 0, 1, 0], [], []>, transpose_lhs_hint = false} : vector<4096x128xf32>, vector<128x128xf32>, vector<4096x128xf32> -> vector<4096x128xf32>
    %mul3A_44 = arith.constant 512 : i32
    %mul3A_45 = arith.muli %arg1, %mul3A_44 : i32
    %add3A_46 = arith.constant 128 : i32
    %add3A_47 = arith.addi %mul3A_45, %add3A_46 : i32
    %iota3A_48 = tpu.iota {dimensions = array<i32: 1>} : vector<4096x128xi32>
    %add3A_49 = vector.broadcast %add3A_47 : i32 to vector<4096x128xi32>
    %add3A_50 = arith.addi %add3A_49, %iota3A_48 : vector<4096x128xi32>
    %lt3A_51 = arith.constant 100000 : i32
    %lt3A_52 = vector.broadcast %lt3A_51 : i32 to vector<4096x128xi32>
    %lt3A_53 = arith.cmpi slt, %add3A_50, %lt3A_52 : vector<4096x128xi32>
    %jit3A_54 = arith.constant -1.000000e+30 : f32
    %broadcast_in_dim3A_55 = vector.broadcast %jit3A_54 : f32 to vector<4096x128xf32>
    %select_n3A_56 = arith.select %lt3A_53, %dot_general3A_43, %broadcast_in_dim3A_55 : vector<4096x128xi1>, vector<4096x128xf32>
    %swap3A_57 = arith.constant 1 : index
    %swap3A_58 = arith.constant 0 : index
    %swap3A_59 = arith.constant 0 : index
    %swap3A_60 = vector.load %arg4[%swap3A_57, %swap3A_58, %swap3A_59] : memref<4x4096x128xf32, #tpu.memory_space<vmem>>, vector<1x4096x128xf32>
    %swap3A_61 = vector.shape_cast %swap3A_60 : vector<1x4096x128xf32> to vector<4096x128xf32>
    %swap3A_62 = vector.shape_cast %select_n3A_56 : vector<4096x128xf32> to vector<1x4096x128xf32>
    tpu.vector_store %arg4[%swap3A_57, %swap3A_58, %swap3A_59], %swap3A_62 {strides = array<i32>} : memref<4x4096x128xf32, #tpu.memory_space<vmem>>, vector<1x4096x128xf32>,
    %dot_general3A_63 = arith.constant dense<0.000000e+00> : vector<128x4096xf32>
    %dot_general3A_64 = tpu.matmul %get3A_41, %get3A_1, %dot_general3A_63 {dimension_numbers = #tpu.dot_dimension_numbers<[1], [1], [0], [0], [0, 0, 1, 0], [], []>, transpose_lhs_hint = false} : vector<128x128xf32>, vector<4096x128xf32>, vector<128x4096xf32> -> vector<128x4096xf32>
    %mul3A_65 = arith.constant 512 : i32
    %mul3A_66 = arith.muli %arg1, %mul3A_65 : i32
    %add3A_67 = arith.constant 128 : i32
    %add3A_68 = arith.addi %mul3A_66, %add3A_67 : i32
    %iota3A_69 = tpu.iota {dimensions = array<i32: 0>} : vector<128x4096xi32>
    %add3A_70 = vector.broadcast %add3A_68 : i32 to vector<128x4096xi32>
    %add3A_71 = arith.addi %add3A_70, %iota3A_69 : vector<128x4096xi32>
    %lt3A_72 = arith.constant 100000 : i32
    %lt3A_73 = vector.broadcast %lt3A_72 : i32 to vector<128x4096xi32>
    %lt3A_74 = arith.cmpi slt, %add3A_71, %lt3A_73 : vector<128x4096xi32>
    %jit3A_75 = arith.constant -1.000000e+30 : f32
    %broadcast_in_dim3A_76 = vector.broadcast %jit3A_75 : f32 to vector<128x4096xf32>
    %select_n3A_77 = arith.select %lt3A_74, %dot_general3A_64, %broadcast_in_dim3A_76 : vector<128x4096xi1>, vector<128x4096xf32>
    %reduce_max3A_78 = arith.constant dense<0xFF800000> : vector<4096xf32>
    %reduce_max3A_79 = vector.multi_reduction <maximumf>, %select_n3A_77, %reduce_max3A_78 [0] : vector<128x4096xf32> to vector<4096xf32>
    %swap3A_80 = arith.constant 0 : index
    %swap3A_81 = arith.constant 1 : index
    %swap3A_82 = arith.constant 0 : index
    %swap3A_83 = vector.load %arg5[%swap3A_80, %swap3A_81, %swap3A_82] : memref<1x4x4096xf32, #tpu.memory_space<vmem>>, vector<1x1x4096xf32>
    %swap3A_84 = vector.shape_cast %swap3A_83 : vector<1x1x4096xf32> to vector<4096xf32>
    %swap3A_85 = vector.shape_cast %reduce_max3A_79 : vector<4096xf32> to vector<1x1x4096xf32>
    tpu.vector_store %arg5[%swap3A_80, %swap3A_81, %swap3A_82], %swap3A_85 {strides = array<i32>} : memref<1x4x4096xf32, #tpu.memory_space<vmem>>, vector<1x1x4096xf32>,
    %get3A_86 = arith.constant 256 : index
    %get3A_87 = arith.constant 0 : index
    %get3A_88 = vector.load %arg3[%get3A_86, %get3A_87] : memref<512x128xf32, #tpu.memory_space<vmem>>, vector<128x128xf32>
    %dot_general3A_89 = arith.constant dense<0.000000e+00> : vector<4096x128xf32>
    %dot_general3A_90 = tpu.matmul %get3A_1, %get3A_88, %dot_general3A_89 {dimension_numbers = #tpu.dot_dimension_numbers<[1], [1], [0], [0], [0, 0, 1, 0], [], []>, transpose_lhs_hint = false} : vector<4096x128xf32>, vector<128x128xf32>, vector<4096x128xf32> -> vector<4096x128xf32>
    %mul3A_91 = arith.constant 512 : i32
    %mul3A_92 = arith.muli %arg1, %mul3A_91 : i32
    %add3A_93 = arith.constant 256 : i32
    %add3A_94 = arith.addi %mul3A_92, %add3A_93 : i32
    %iota3A_95 = tpu.iota {dimensions = array<i32: 1>} : vector<4096x128xi32>
    %add3A_96 = vector.broadcast %add3A_94 : i32 to vector<4096x128xi32>
    %add3A_97 = arith.addi %add3A_96, %iota3A_95 : vector<4096x128xi32>
    %lt3A_98 = arith.constant 100000 : i32
    %lt3A_99 = vector.broadcast %lt3A_98 : i32 to vector<4096x128xi32>
    %lt3A_100 = arith.cmpi slt, %add3A_97, %lt3A_99 : vector<4096x128xi32>
    %jit3A_101 = arith.constant -1.000000e+30 : f32
    %broadcast_in_dim3A_102 = vector.broadcast %jit3A_101 : f32 to vector<4096x128xf32>
    %select_n3A_103 = arith.select %lt3A_100, %dot_general3A_90, %broadcast_in_dim3A_102 : vector<4096x128xi1>, vector<4096x128xf32>
    %swap3A_104 = arith.constant 2 : index
    %swap3A_105 = arith.constant 0 : index
    %swap3A_106 = arith.constant 0 : index
    %swap3A_107 = vector.load %arg4[%swap3A_104, %swap3A_105, %swap3A_106] : memref<4x4096x128xf32, #tpu.memory_space<vmem>>, vector<1x4096x128xf32>
    %swap3A_108 = vector.shape_cast %swap3A_107 : vector<1x4096x128xf32> to vector<4096x128xf32>
    %swap3A_109 = vector.shape_cast %select_n3A_103 : vector<4096x128xf32> to vector<1x4096x128xf32>
    tpu.vector_store %arg4[%swap3A_104, %swap3A_105, %swap3A_106], %swap3A_109 {strides = array<i32>} : memref<4x4096x128xf32, #tpu.memory_space<vmem>>, vector<1x4096x128xf32>,
    %dot_general3A_110 = arith.constant dense<0.000000e+00> : vector<128x4096xf32>
    %dot_general3A_111 = tpu.matmul %get3A_88, %get3A_1, %dot_general3A_110 {dimension_numbers = #tpu.dot_dimension_numbers<[1], [1], [0], [0], [0, 0, 1, 0], [], []>, transpose_lhs_hint = false} : vector<128x128xf32>, vector<4096x128xf32>, vector<128x4096xf32> -> vector<128x4096xf32>
    %mul3A_112 = arith.constant 512 : i32
    %mul3A_113 = arith.muli %arg1, %mul3A_112 : i32
    %add3A_114 = arith.constant 256 : i32
    %add3A_115 = arith.addi %mul3A_113, %add3A_114 : i32
    %iota3A_116 = tpu.iota {dimensions = array<i32: 0>} : vector<128x4096xi32>
    %add3A_117 = vector.broadcast %add3A_115 : i32 to vector<128x4096xi32>
    %add3A_118 = arith.addi %add3A_117, %iota3A_116 : vector<128x4096xi32>
    %lt3A_119 = arith.constant 100000 : i32
    %lt3A_120 = vector.broadcast %lt3A_119 : i32 to vector<128x4096xi32>
    %lt3A_121 = arith.cmpi slt, %add3A_118, %lt3A_120 : vector<128x4096xi32>
    %jit3A_122 = arith.constant -1.000000e+30 : f32
    %broadcast_in_dim3A_123 = vector.broadcast %jit3A_122 : f32 to vector<128x4096xf32>
    %select_n3A_124 = arith.select %lt3A_121, %dot_general3A_111, %broadcast_in_dim3A_123 : vector<128x4096xi1>, vector<128x4096xf32>
    %reduce_max3A_125 = arith.constant dense<0xFF800000> : vector<4096xf32>
    %reduce_max3A_126 = vector.multi_reduction <maximumf>, %select_n3A_124, %reduce_max3A_125 [0] : vector<128x4096xf32> to vector<4096xf32>
    %swap3A_127 = arith.constant 0 : index
    %swap3A_128 = arith.constant 2 : index
    %swap3A_129 = arith.constant 0 : index
    %swap3A_130 = vector.load %arg5[%swap3A_127, %swap3A_128, %swap3A_129] : memref<1x4x4096xf32, #tpu.memory_space<vmem>>, vector<1x1x4096xf32>
    %swap3A_131 = vector.shape_cast %swap3A_130 : vector<1x1x4096xf32> to vector<4096xf32>
    %swap3A_132 = vector.shape_cast %reduce_max3A_126 : vector<4096xf32> to vector<1x1x4096xf32>
    tpu.vector_store %arg5[%swap3A_127, %swap3A_128, %swap3A_129], %swap3A_132 {strides = array<i32>} : memref<1x4x4096xf32, #tpu.memory_space<vmem>>, vector<1x1x4096xf32>,
    %get3A_133 = arith.constant 384 : index
    %get3A_134 = arith.constant 0 : index
    %get3A_135 = vector.load %arg3[%get3A_133, %get3A_134] : memref<512x128xf32, #tpu.memory_space<vmem>>, vector<128x128xf32>
    %dot_general3A_136 = arith.constant dense<0.000000e+00> : vector<4096x128xf32>
    %dot_general3A_137 = tpu.matmul %get3A_1, %get3A_135, %dot_general3A_136 {dimension_numbers = #tpu.dot_dimension_numbers<[1], [1], [0], [0], [0, 0, 1, 0], [], []>, transpose_lhs_hint = false} : vector<4096x128xf32>, vector<128x128xf32>, vector<4096x128xf32> -> vector<4096x128xf32>
    %mul3A_138 = arith.constant 512 : i32
    %mul3A_139 = arith.muli %arg1, %mul3A_138 : i32
    %add3A_140 = arith.constant 384 : i32
    %add3A_141 = arith.addi %mul3A_139, %add3A_140 : i32
    %iota3A_142 = tpu.iota {dimensions = array<i32: 1>} : vector<4096x128xi32>
    %add3A_143 = vector.broadcast %add3A_141 : i32 to vector<4096x128xi32>
    %add3A_144 = arith.addi %add3A_143, %iota3A_142 : vector<4096x128xi32>
    %lt3A_145 = arith.constant 100000 : i32
    %lt3A_146 = vector.broadcast %lt3A_145 : i32 to vector<4096x128xi32>
    %lt3A_147 = arith.cmpi slt, %add3A_144, %lt3A_146 : vector<4096x128xi32>
    %jit3A_148 = arith.constant -1.000000e+30 : f32
    %broadcast_in_dim3A_149 = vector.broadcast %jit3A_148 : f32 to vector<4096x128xf32>
    %select_n3A_150 = arith.select %lt3A_147, %dot_general3A_137, %broadcast_in_dim3A_149 : vector<4096x128xi1>, vector<4096x128xf32>
    %swap3A_151 = arith.constant 3 : index
    %swap3A_152 = arith.constant 0 : index
    %swap3A_153 = arith.constant 0 : index
    %swap3A_154 = vector.load %arg4[%swap3A_151, %swap3A_152, %swap3A_153] : memref<4x4096x128xf32, #tpu.memory_space<vmem>>, vector<1x4096x128xf32>
    %swap3A_155 = vector.shape_cast %swap3A_154 : vector<1x4096x128xf32> to vector<4096x128xf32>
    %swap3A_156 = vector.shape_cast %select_n3A_150 : vector<4096x128xf32> to vector<1x4096x128xf32>
    tpu.vector_store %arg4[%swap3A_151, %swap3A_152, %swap3A_153], %swap3A_156 {strides = array<i32>} : memref<4x4096x128xf32, #tpu.memory_space<vmem>>, vector<1x4096x128xf32>,
    %dot_general3A_157 = arith.constant dense<0.000000e+00> : vector<128x4096xf32>
    %dot_general3A_158 = tpu.matmul %get3A_135, %get3A_1, %dot_general3A_157 {dimension_numbers = #tpu.dot_dimension_numbers<[1], [1], [0], [0], [0, 0, 1, 0], [], []>, transpose_lhs_hint = false} : vector<128x128xf32>, vector<4096x128xf32>, vector<128x4096xf32> -> vector<128x4096xf32>
    %mul3A_159 = arith.constant 512 : i32
    %mul3A_160 = arith.muli %arg1, %mul3A_159 : i32
    %add3A_161 = arith.constant 384 : i32
    %add3A_162 = arith.addi %mul3A_160, %add3A_161 : i32
    %iota3A_163 = tpu.iota {dimensions = array<i32: 0>} : vector<128x4096xi32>
    %add3A_164 = vector.broadcast %add3A_162 : i32 to vector<128x4096xi32>
    %add3A_165 = arith.addi %add3A_164, %iota3A_163 : vector<128x4096xi32>
    %lt3A_166 = arith.constant 100000 : i32
    %lt3A_167 = vector.broadcast %lt3A_166 : i32 to vector<128x4096xi32>
    %lt3A_168 = arith.cmpi slt, %add3A_165, %lt3A_167 : vector<128x4096xi32>
    %jit3A_169 = arith.constant -1.000000e+30 : f32
    %broadcast_in_dim3A_170 = vector.broadcast %jit3A_169 : f32 to vector<128x4096xf32>
    %select_n3A_171 = arith.select %lt3A_168, %dot_general3A_158, %broadcast_in_dim3A_170 : vector<128x4096xi1>, vector<128x4096xf32>
    %reduce_max3A_172 = arith.constant dense<0xFF800000> : vector<4096xf32>
    %reduce_max3A_173 = vector.multi_reduction <maximumf>, %select_n3A_171, %reduce_max3A_172 [0] : vector<128x4096xf32> to vector<4096xf32>
    %swap3A_174 = arith.constant 0 : index
    %swap3A_175 = arith.constant 3 : index
    %swap3A_176 = arith.constant 0 : index
    %swap3A_177 = vector.load %arg5[%swap3A_174, %swap3A_175, %swap3A_176] : memref<1x4x4096xf32, #tpu.memory_space<vmem>>, vector<1x1x4096xf32>
    %swap3A_178 = vector.shape_cast %swap3A_177 : vector<1x1x4096xf32> to vector<4096xf32>
    %swap3A_179 = vector.shape_cast %reduce_max3A_173 : vector<4096xf32> to vector<1x1x4096xf32>
    tpu.vector_store %arg5[%swap3A_174, %swap3A_175, %swap3A_176], %swap3A_179 {strides = array<i32>} : memref<1x4x4096xf32, #tpu.memory_space<vmem>>, vector<1x1x4096xf32>,
    return
  }
  func.func @transform_0(%arg0: i32, %arg1: i32) -> (i32, i32) {
    %c0_i32 = arith.constant 0 : i32
    %c0_i32_0 = arith.constant 0 : i32
    return %arg0, %c0_i32 : i32, i32
  }
  func.func @transform_1(%arg0: i32, %arg1: i32) -> (i32, i32) {
    %c0_i32 = arith.constant 0 : i32
    %c0_i32_0 = arith.constant 0 : i32
    return %arg1, %c0_i32 : i32, i32
  }
  func.func @transform_2(%arg0: i32, %arg1: i32) -> (i32, i32, i32) {
    %c0_i32 = arith.constant 0 : i32
    %c0_i32_0 = arith.constant 0 : i32
    return %arg1, %arg0, %c0_i32 : i32, i32, i32
  }
  func.func @transform_3(%arg0: i32, %arg1: i32) -> (i32, i32, i32) {
    %c0_i32 = arith.constant 0 : i32
    %c0_i32_0 = arith.constant 0 : i32
    return %arg1, %c0_i32, %arg0 : i32, i32, i32
  }
}

module attributes {stable_mosaic.version = 14 : i64} {
  func.func @_thr_body(%arg0: i32, %arg1: memref<784x256xf32, #tpu.memory_space<vmem>>, %arg2: memref<1x256xf32, #tpu.memory_space<vmem>>, %arg3: memref<784x256xf32, #tpu.memory_space<vmem>>) attributes {dimension_semantics = [#tpu.dimension_semantics<arbitrary>], iteration_bounds = array<i64: 16>, scalar_prefetch = 0 : i64, scratch_operands = 1 : i64, tpu.core_type = #tpu.core_type<tc>, window_params = [{transform_indices = @transform_0, window_bounds = array<i64: 784, 256>}, {transform_indices = @transform_1, window_bounds = array<i64: 1, 256>}]} {
    %get3A = arith.constant 0 : index
    %get3A_0 = arith.constant 0 : index
    %get3A_1 = vector.load %arg1[%get3A, %get3A_0] : memref<784x256xf32, #tpu.memory_space<vmem>>, vector<784x256xf32>
    %swap3A = arith.constant 0 : index
    %swap3A_2 = arith.constant 0 : index
    %swap3A_3 = vector.load %arg3[%swap3A, %swap3A_2] : memref<784x256xf32, #tpu.memory_space<vmem>>, vector<784x256xf32>
    tpu.vector_store %arg3[%swap3A, %swap3A_2], %get3A_1 {strides = array<i32>} : memref<784x256xf32, #tpu.memory_space<vmem>>, vector<784x256xf32>,
    %scan3A = arith.constant 0 : i32
    %scan3A_4 = arith.constant 31 : i32
    %scan3A_5 = arith.addi %scan3A, %scan3A_4 : i32
    %scan3A_6 = arith.constant 1 : i32
    scf.for %scan3A_18 = %scan3A to %scan3A_5 step %scan3A_6  : i32 {
      %get3A_19 = arith.constant 0 : index
      %get3A_20 = arith.constant 0 : index
      %get3A_21 = vector.load %arg3[%get3A_19, %get3A_20] : memref<784x256xf32, #tpu.memory_space<vmem>>, vector<784x256xf32>
      %reduce_max3A_22 = arith.constant dense<0xFF800000> : vector<256xf32>
      %reduce_max3A_23 = vector.multi_reduction <maximumf>, %get3A_21, %reduce_max3A_22 [0] : vector<784x256xf32> to vector<256xf32>
      %broadcast_in_dim3A_24 = vector.shape_cast %reduce_max3A_23 : vector<256xf32> to vector<1x256xf32>
      %eq3A = vector.broadcast %broadcast_in_dim3A_24 : vector<1x256xf32> to vector<784x256xf32>
      %eq3A_25 = arith.cmpf oeq, %get3A_21, %eq3A : vector<784x256xf32>
      %jit3A = arith.constant 0xFF800000 : f32
      %broadcast_in_dim3A_26 = vector.broadcast %jit3A : f32 to vector<784x256xf32>
      %select_n3A = arith.select %eq3A_25, %broadcast_in_dim3A_26, %get3A_21 : vector<784x256xi1>, vector<784x256xf32>
      %swap3A_27 = arith.constant 0 : index
      %swap3A_28 = arith.constant 0 : index
      %swap3A_29 = vector.load %arg3[%swap3A_27, %swap3A_28] : memref<784x256xf32, #tpu.memory_space<vmem>>, vector<784x256xf32>
      tpu.vector_store %arg3[%swap3A_27, %swap3A_28], %select_n3A {strides = array<i32>} : memref<784x256xf32, #tpu.memory_space<vmem>>, vector<784x256xf32>,
    }
    %get3A_7 = arith.constant 0 : index
    %get3A_8 = arith.constant 0 : index
    %get3A_9 = vector.load %arg3[%get3A_7, %get3A_8] : memref<784x256xf32, #tpu.memory_space<vmem>>, vector<784x256xf32>
    %reduce_max3A = arith.constant dense<0xFF800000> : vector<256xf32>
    %reduce_max3A_10 = vector.multi_reduction <maximumf>, %get3A_9, %reduce_max3A [0] : vector<784x256xf32> to vector<256xf32>
    %broadcast_in_dim3A = vector.shape_cast %reduce_max3A_10 : vector<256xf32> to vector<1x256xf32>
    %abs3A = math.absf %broadcast_in_dim3A : vector<1x256xf32>
    %mul3A = arith.constant 2.000000e-06 : f32
    %mul3A_11 = vector.broadcast %mul3A : f32 to vector<1x256xf32>
    %mul3A_12 = arith.mulf %abs3A, %mul3A_11 : vector<1x256xf32>
    %add3A = arith.constant 1.000000e-30 : f32
    %add3A_13 = vector.broadcast %add3A : f32 to vector<1x256xf32>
    %add3A_14 = arith.addf %mul3A_12, %add3A_13 : vector<1x256xf32>
    %sub3A = arith.subf %broadcast_in_dim3A, %add3A_14 : vector<1x256xf32>
    %swap3A_15 = arith.constant 0 : index
    %swap3A_16 = arith.constant 0 : index
    %swap3A_17 = vector.load %arg2[%swap3A_15, %swap3A_16] : memref<1x256xf32, #tpu.memory_space<vmem>>, vector<1x256xf32>
    tpu.vector_store %arg2[%swap3A_15, %swap3A_16], %sub3A {strides = array<i32>} : memref<1x256xf32, #tpu.memory_space<vmem>>, vector<1x256xf32>,
    return
  }
  func.func @transform_0(%arg0: i32) -> (i32, i32) {
    %c0_i32 = arith.constant 0 : i32
    %c0_i32_0 = arith.constant 0 : i32
    return %c0_i32, %arg0 : i32, i32
  }
  func.func @transform_1(%arg0: i32) -> (i32, i32) {
    %c0_i32 = arith.constant 0 : i32
    %c0_i32_0 = arith.constant 0 : i32
    return %c0_i32, %arg0 : i32, i32
  }
}

</mosaic_0001>

<sc_bundles>
// kernel: kernel.5.cloned.1.call-start
scs
__scs_entry_jumppad:
0x0: {  	(pc) =	sbr.rel $0x88, $3  }
0x1: {  	(tag) =	ssettag $0x0;
	lr =	simm.s32 $0x1  }
0x2: {  	[smem:$0x3F9E] =	sst lr;
	_ =	strace $0xD0000000  }
0x3: {  	_ = 	snop  }
0x4: {  	_ = 	snop  }
0x5: {  	_ = 	snop  }
0x6: {  	_ = 	snop  }
0x7: {  	_ = 	snop  }
__scs_overlays_trampoline_lowered:
0x8: {  	[smem:$0x3FAD] =	sst s0  }
0x9: {  	[smem:$0x3FAE] =	sst s1  }
0xa: {  	[smem:$0x3FAF] =	sst s2  }
0xb: {  	[smem:$0x3FB0] =	sst s3  }
0xc: {  	[smem:$0x3FB1] =	sst s4  }
0xd: {  	[smem:$0x3FB2] =	sst s5  }
0xe: {  	[smem:$0x3FB3] =	sst s6  }
0xf: {  	[smem:$0x3FB4] =	sst s7  }
0x10: {  	[smem:$0x3FB5] =	sst s8  }
0x11: {  	[smem:$0x3FB6] =	sst s9;
	s0 =	simm.s32 @!p0 $0x0  }
0x12: {  	s1 =	sld [smem:$0x3F9C];
	s0 =	simm.s32 @p0 $0x1  }
0x13: {  	[smem:$0x3FB7] =	sst s0;
	s0 =	simm.s32 @!p1 $0x0  }
0x14: {  	s2 =	sld [smem:$0x3F9B];
	s0 =	simm.s32 @p1 $0x1  }
0x15: {  	[smem:$0x3FB8] =	sst s0;
	s0 =	simm.s32 @!p2 $0x0  }
0x16: {  	s3 =	sld [smem:$0x3FDB];
	s0 =	simm.s32 @p2 $0x1  }
0x17: {  	s4 =	simm.s32 $0x1BF5;
	[smem:$0x3FBA] =	sst s0  }
0x18: {  	s0 =	sld [smem:$0x3F9D];
	_ =	swait.ge [sflag:s4], $0x0  }
0x19: {  	s7 =	sld [smem:$0x3F9E]  }
0x1a: {  	s8 =	sadd.s32 $0xFFFFE003, lr  }
0x1b: {  	s9 =	sadd.s32 $0xFFFFFEF7, lr;
	s5 =	simm.s32 $0xFFFFFFFF;
	p2 =	slt.u32 s8, $0xFFFFF086  }
0x1c: {  	p1 =	slt.u32 s9, $0xF7A;
	s5 =	simm.s32 @!p2 $0x0  }
0x1d: {  	s5 =	simm.s32 @p1 $0x1;
	p0 =	seq.s32 s7, s2  }
0x1e: {  	s7 =	smul.u32 @!p0 $0xF7A, s2;
	p2 =	seq.s32 @!p0 s5, $0x0  }
0x1f: {  	s9 =	smul.u32 $0xF7A, s1;
	s8 =	simm.s32 @!p0 $0x1BF5;
	p2 =	por !p2, p0  }
0x20: {  	[sflag:s8] =	ssyncset.s32 @!p0 $0xFFFFF086;
	s6 =	sadd.s32 @!p0 s3, s7;
	s7 =	simm.s32 @!p0 $0x108  }
0x21: {  	s3 =	sadd.s32 s3, s9;
	s6 =	sadd.s32 @!p0 $0x88, s6;
	s7 =	simm.s32 @p2 $0x1082  }
0x22: {  	[simem:s7], [sflag:s8] =	dma.local @!p0 [hbm:s6], $0xF7A  }
0x23: {  	s9 =	sor.u32 $0xD0000000, s2;
	s6 =	simm.s32 $0x108;
	_ =	swait.ge @!p0 [sflag:s8], $0x0  }
0x24: {  	s3 =	sadd.s32 $0x88, s3;
	s6 =	simm.s32 @!p1 $0x1082;
	[sflag:s4] =	ssyncset.s32 $0xFFFFF086  }
0x25: {  	[simem:s6], [sflag:s4] =	dma.local [hbm:s3], $0xF7A  }
0x26: {  	[smem:$0x3F9E] =	sst s1;
	(tag) =	ssettag s2;
	_ =	strace s9  }
0x27: {  	s1 =	sld [smem:$0x3FAE]  }
0x28: {  	s2 =	sld [smem:$0x3FAF]  }
0x29: {  	s4 =	sld [smem:$0x3FB1]  }
0x2a: {  	p0 =	seq.s32 s5, $0x0;
	s5 =	sld [smem:$0x3FB2]  }
0x2b: {  	s6 =	sld [smem:$0x3FB3]  }
0x2c: {  	s7 =	sld [smem:$0x3FB4]  }
0x2d: {  	s3 =	simm.s32 $0x108;
	s8 =	sld [smem:$0x3FB5]  }
0x2e: {  	s3 =	simm.s32 @!p0 $0x1082;
	s9 =	sld [smem:$0x3FB6]  }
0x2f: {  	lr =	sadd.s32 s0, s3;
	s0 =	sld [smem:$0x3FAD]  }
0x30: {  	s3 =	sld [smem:$0x3FB0]  }
0x31: {  	[smem:$0x3FB9] =	sst s10  }
0x32: {  	s10 =	sld [smem:$0x3FB7];
	_ =	sdelay $0x3  }
0x33: {  	p0 =	seq.s32 s10, $0x1;
	s10 =	sld [smem:$0x3FB9];
	_ =	sdelay $0x3  }
0x34: {  	[smem:$0x3FB9] =	sst s10  }
0x35: {  	s10 =	sld [smem:$0x3FB8];
	_ =	sdelay $0x3  }
0x36: {  	p1 =	seq.s32 s10, $0x1;
	s10 =	sld [smem:$0x3FB9];
	_ =	sdelay $0x3  }
0x37: {  	[smem:$0x3FB9] =	sst s10  }
0x38: {  	s10 =	sld [smem:$0x3FBA]  }
0x39: {  	_ = 	snop;
	(pc) =	sbr.ind lr, $3  }
0x3a: {  	_ = 	snop  }
0x3b: {  	_ = 	snop  }
0x3c: {  	p2 =	seq.s32 s10, $0x1;
	s10 =	sld [smem:$0x3FB9]  }
0x3d: {  	_ =	shalt  }
0x3e: {  	_ =	shalt  }
0x3f: {  	_ =	shalt  }
0x40: {  	_ =	shalt  }
0x41: {  	_ =	shalt  }
0x42: {  	_ =	shalt  }
0x43: {  	_ =	shalt  }
0x44: {  	_ =	shalt  }
0x45: {  	_ =	shalt  }
0x46: {  	_ =	shalt  }
0x47: {  	_ =	shalt  }
0x48: {  	_ =	shalt  }
0x49: {  	_ =	shalt  }
0x4a: {  	_ =	shalt  }
0x4b: {  	_ =	shalt  }
0x4c: {  	_ =	shalt  }
0x4d: {  	_ =	shalt  }
0x4e: {  	_ =	shalt  }
0x4f: {  	_ =	shalt  }
0x50: {  	_ =	shalt  }
0x51: {  	_ =	shalt  }
0x52: {  	_ =	shalt  }
0x53: {  	_ =	shalt  }
0x54: {  	_ =	shalt  }
0x55: {  	_ =	shalt  }
0x56: {  	_ =	shalt  }
0x57: {  	_ =	shalt  }
0x58: {  	_ =	shalt  }
0x59: {  	_ =	shalt  }
0x5a: {  	_ =	shalt  }
0x5b: {  	_ =	shalt  }
0x5c: {  	_ =	shalt  }
0x5d: {  	_ =	shalt  }
0x5e: {  	_ =	shalt  }
0x5f: {  	_ =	shalt  }
0x60: {  	_ =	shalt  }
0x61: {  	_ =	shalt  }
0x62: {  	_ =	shalt  }
0x63: {  	_ =	shalt  }
0x64: {  	_ =	shalt  }
0x65: {  	_ =	shalt  }
0x66: {  	_ =	shalt  }
0x67: {  	_ =	shalt  }
0x68: {  	_ =	shalt  }
0x69: {  	_ =	shalt  }
0x6a: {  	_ =	shalt  }
0x6b: {  	_ =	shalt  }
0x6c: {  	_ =	shalt  }
0x6d: {  	_ =	shalt  }
0x6e: {  	_ =	shalt  }
0x6f: {  	_ =	shalt  }
0x70: {  	_ =	shalt  }
0x71: {  	_ =	shalt  }
0x72: {  	_ =	shalt  }
0x73: {  	_ =	shalt  }
0x74: {  	_ =	shalt  }
0x75: {  	_ =	shalt  }
0x76: {  	_ =	shalt  }
0x77: {  	_ =	shalt  }
0x78: {  	_ =	shalt  }
0x79: {  	_ =	shalt  }
0x7a: {  	_ =	shalt  }
0x7b: {  	_ =	shalt  }
0x7c: {  	_ =	shalt  }
0x7d: {  	_ =	shalt  }
0x7e: {  	_ =	shalt  }
0x7f: {  	_ =	shalt  }
0x80: {  	_ =	shalt  }
0x81: {  	_ =	shalt  }
0x82: {  	_ =	shalt  }
0x83: {  	_ =	shalt  }
0x84: {  	_ =	shalt  }
0x85: {  	_ =	shalt  }
0x86: {  	_ =	shalt  }
0x87: {  	_ =	shalt  }
.Lfunc_end0:
.L_simem_size_0:
called_computation_lowered:
.L_overlay_start_0:
0x88: {  	s2 =	sld [smem:$0x3FD9]  }
0x89: {  	s3 =	sld [smem:$0x3FFE];
	_ =	sdelay $0x1  }
0x8a: {  	s1 =	srdreg.scid  }
0x8b: {  	s0 =	sand.u32 $0x1, s1  }
0x8c: {  	s14 =	sshll.u32 s0, $0xA;
	s2 =	sadd.s32 s3, s2  }
0x8d: {  	s2 =	sadd.s32 s2, s14  }
0x8e: {  	[smem:$0x3FC5] =	sst s2  }
0x8f: {  	_ = 	snop  }
0x90: {  	s2 =	sld [smem:$0x3FD0];
	_ =	sdelay $0x2  }
0x91: {  	s4 =	simm.s32 $0xA;
	s5 =	simm.s32 $0x10;
	s15 =	sld [smem:$0x3FC7]  }
0x92: {  	[smem:s5], [sflag:s4] =	dma.local [hbm:s2], $0x1  }
0x93: {  	_ =	swait.eq [sflag:s4], $0x1  }
0x94: {  	[sflag:s4] =	ssyncset.done $0x0  }
0x95: {  	s16 =	sld [smem:$0x11];
	[sflag:s4] =	ssyncadd.s32 $0xFFFFFFFF  }
0x96: {  	s17 =	sld [smem:$0x12];
	(tm) =	ssettm $0x1  }
0x97: {  	s18 =	sld [smem:$0x3FFB];
	_ =	sdelay $0x3  }
0x98: {  	_ =	strace s18  }
0x99: {  	s5 =	sld [smem:$0x3FFC];
	_ =	sdelay $0x3  }
0x9a: {  	_ =	strace s5  }
0x9b: {  	s5 =	sld [smem:$0x3FFD];
	_ =	sdelay $0x3  }
0x9c: {  	_ =	strace s5  }
0x9d: {  	_ =	strace $0x8FFFFFFF  }
0x9e: {  	s19 =	sld [smem:$0x3FDB];
	_ =	sdelay $0x1  }
0x9f: {  	s6 =	simm.s32 $_scs_section_size  }
0xa0: {  	s7 =	simm.s32 $_size__tile_overlayer_lowered;
	s8 =	simm.s32 $_tile_overlayer_lowered  }
0xa1: {  	s22 =	simm.s32 $0x1BFF;
	s21 =	sshll.u32 s8, $0x1;
	s5 =	sadd.s32 s6, s19  }
0xa2: {  	s9 =	simm.s32 $0x0;
	s20 =	sshll.u32 s7, $0x1;
	s7 =	sadd.s32 s21, s5  }
0xa3: {  	[timem:s9], [sflag:s22] =	dma.local [hbm:s7], s20  }
0xa4: {  	_ =	swait.ge [sflag:s22], s20  }
0xa5: {  	s6 =	ssub.s32 $0x0, s20;
	[sflag:s22] =	ssyncset.done $0x0  }
0xa6: {  	[sflag:s22] =	ssyncadd.s32 s6;
	_ =	sdelay $0x1  }
0xa7: {  	s23 =	simm.s32 $0x1B8B  }
0xa8: {  	_ =	swait.ge [sflag:s23], $0x1  }
0xa9: {  	[sflag:s23] =	ssyncset.done $0x0  }
0xaa: {  	s25 =	simm.s32 $0x1B8E;
	s24 =	sld [smem:$0x3FFE];
	[sflag:s23] =	ssyncadd.s32 $0xFFFFFFFF  }
0xab: {  	s26 =	simm.s32 $execute0_lowered;
	[smem:$0x3FD2] =	sst s25  }
0xac: {  	s7 =	sshll.u32 s26, $0x1;
	_ =	strace $0x80000046;
	[dreg:$0x1] =	wrdreg $0xFFFFFFFF  }
0xad: {  	s28 =	simm.s32 $_size_execute0_lowered;
	s5 =	sadd.s32 s5, s7;
	[dreg:$0x0] =	wrdreg $0x0  }
0xae: {  	s7 =	sshll.u32 s28, $0x1;
	[dreg:$0x2] =	wrdreg s5  }
0xaf: {  	[dreg:$0x3] =	wrdreg s7  }
0xb0: {  	[dreg:$0x4] =	wrdreg $0xC0  }
0xb1: {  	_ =	task [dreg:s9], $0x5FFFF  }
0xb2: {  	[dreg:$0x1] =	wrdreg $0xFFFFFFFF  }
0xb3: {  	[dreg:$0x0] =	wrdreg $0x60  }
0xb4: {  	[dreg:$0x2] =	wrdreg s24  }
0xb5: {  	[dreg:$0x3] =	wrdreg s16  }
0xb6: {  	[dreg:$0x4] =	wrdreg s15  }
0xb7: {  	[dreg:$0x5] =	wrdreg s17  }
0xb8: {  	[dreg:$0x6] =	wrdreg $0x9  }
0xb9: {  	_ =	task.clear_ibuf [dreg:s9], $0x7FFFF;
	_ =	strace $0x90000046  }
0xba: {  	s29 =	simm.s32 $0x9;
	_ =	strace $0x80000048  }
0xbb: {  	_ =	swait.ge [sflag:s29], $0x1  }
0xbc: {  	[sflag:s29] =	ssyncadd.s32 $0xFFFFFFFF  }
0xbd: {  	_ =	strace $0x90000048  }
0xbe: {  	_ =	sfence  }
0xbf: {  	s30 =	sld [smem:$0x0];
	_ =	sdelay $0x2  }
0xc0: {  	s31 =	sshll.u32 s1, $0xD;
	s1 =	sshrl.u32 s1, $0x2  }
0xc1: {  	s3 =	sand.u32 $0x4000, s31;
	s1 =	sadd.s32 s1, s30  }
0xc2: {  	s0 =	sor.u32 s3, s0;
	s1 =	sshll.u32 s1, $0x11  }
0xc3: {  	s0 =	sor.u32 s1, s0  }
0xc4: {  	s0 =	sadd.s32 $0x8F2B, s0  }
0xc5: {  	[sflag:s0] =	ssyncadd.remote.s32 $0x1  }
0xc6: {  	_ =	sfence.sel $0xFFFF  }
0xc7: {  	[dreg:$0x0] =	wrdreg $0xFFFFFFFF;
	(pc) =	sbr.abs _section_cstart, $3  }
0xc8: {  	[dreg:$0x1] =	wrdreg $0xFFFFFFFF  }
0xc9: {  	_ =	task.clear_ibuf [dreg:s9], $0x2FFFF;
	_ =	strace $0x9FFFFFFF  }
0xca: {  	(tm) =	ssettm $0x7FFFFFFF  }
0xcb: {  	_ =	shalt  }
tec
execute0_lowered:
.L_overlay_start_1:
0x0: {  	(tag) =	ssettag $0x1  }
0x1: {  	s0 =	rddreg [dreg:$0x0]  }
0x2: {  	s2 =	rddreg [dreg:$0x1]  }
0x3: {  	s1 =	rddreg [dreg:$0x2];
	s3 =	simm.s32 $0x0;
	s4 =	srdreg.scid  }
0x4: {  	s7 =	stileid.u32;
	s12 =	simm.s32 $0x2;
	s14 =	simm.s32 $0x2080  }
0x5: {  	s15 =	simm.s32 $0x30;
	s10 =	simm.s32 $0xED00;
	s11 =	simm.s32 $0xF100  }
0x6: {  	s13 =	simm.s32 $0xF500;
	[smem:$0x7FF] =	sst s3;
	s5 =	sadd.s32 $0x400, s0  }
0x7: {  	s6 =	sadd.s32 $0x3100400, s0;
	s4 =	sand.u32 $0x1, s4;
	s8 =	sadd.s32 $0x3170400, s0  }
0x8: {  	s7 =	sshll.u32 s7, $0x8;
	s0 =	sadd.s32 $0x3180400, s0;
	_ =	strace $0x80000047  }
0x9: {  	[dreg:$0x6] =	wrdreg s6;
	s30 =	ssub.s32 $0x2, s4;
	s4 =	sshll.u32 s4, $0x7  }
.Ltmp0:
0xa: {  	[dreg:$0x7] =	wrdreg s8;
	s4 =	sor.u32 s4, s7;
	(pc) =	sbr.rel .LBB2_1-.Ltmp0, $4  }
0xb: {  	v0 =	vimm.s32 $0x30F;
	v1 =	vlaneseq.u32;
	v2 =	vimm.f32 $-1.000000020e+30;
	s9 =	sshrl.u32 s30, $0x1;
	[dreg:$0x8] =	wrdreg s4;
	s4 =	sshrl.u32 s4, $0x3  }
0xc: {  	v3 =	vimm.s32 $0x40000000;
	vm0 =	vmmov $0x1;
	v4 =	vor.u32 $0x10, v1;
	[dreg:$0x9] =	wrdreg s0;
	s31 =	ssub.s32 s30, s9;
	s2 =	sadd.s32 s2, s4  }
0xd: {  	v5 =	vor.u32 $0x20, v1;
	v6 =	vor.u32 $0x30, v1;
	v7 =	vor.u32 $0x40, v1;
	s6 =	simm.s32 $0x0;
	s0 =	smax.u32 s31, $0x1;
	[dreg:$0xa] =	wrdreg s2  }
0xe: {  	v8 =	vor.u32 $0x50, v1;
	v9 =	vor.u32 $0x60, v1;
	v10 =	vor.u32 $0x70, v1;
	s4 =	simm.s32 $0x1;
	[dreg:$0xb] =	wrdreg s0;
	s2 =	simm.s32 $0x20  }
.LBB2_18:
0xf: {  	s6 =	rddreg [dreg:$0xc]  }
0x10: {  	s0 =	rddreg [dreg:$0xb];
	s6 =	sadd.s32 $0x1, s6  }
0x11: {  	p0 =	sne.s32 s6, s0  }
.Ltmp1:
0x12: {  	_ = 	snop;
	(pc) =	sbr.rel @!p0 .LBB2_19-.Ltmp1, $1  }
0x13: {  	_ =	sdelay $0x3  }
.LBB2_1:
0x14: {  	[dreg:$0xc] =	wrdreg s6  }
.Ltmp2:
0x15: {  	s0 =	rddreg [dreg:$0xa];
	(pc) =	sbr.rel .LBB2_2-.Ltmp2, $4  }
0x16: {  	[tilespmem:s3], [sflag:$0x2] =	stream.linear.gather [hbm4b:s0+s3], $0x80, $0x38;
	[tilespmem:$0x17500] =	vst v63  }
0x17: {  	_ =	swait.ge [sflag:s12], $0x80  }
0x18: {  	[sflag:s12] =	ssyncset.done $0x0  }
0x19: {  	s31 =	simm.s32 $0x0;
	[sflag:s12] =	ssyncadd.s32 $0xFFFFFF80  }
.LBB2_17:
0x1a: {  	[tilespmem:s13], [sflag:$0x1] =	stream.indirect.gather [hbm4b:s1+s2], $0x80, s11, s2, $0xb8;
	[tilespmem:$0x17500] =	vst v63  }
0x1b: {  	s6 =	simm.s32 $0xF180;
	s7 =	simm.s32 $0x10500  }
0x1c: {  	[tilespmem:s7], [sflag:$0x1] =	stream.indirect.gather [hbm4b:s1+s2], $0x80, s6, s2, $0xb8;
	[tilespmem:$0x17500] =	vst v63  }
0x1d: {  	s8 =	simm.s32 $0x11500;
	s7 =	simm.s32 $0xF200  }
0x1e: {  	[tilespmem:s8], [sflag:$0x1] =	stream.indirect.gather [hbm4b:s1+s2], $0x80, s7, s2, $0xb8;
	[tilespmem:$0x17500] =	vst v63  }
0x1f: {  	s9 =	simm.s32 $0xF280;
	s16 =	simm.s32 $0x12500  }
0x20: {  	[tilespmem:s16], [sflag:$0x1] =	stream.indirect.gather [hbm4b:s1+s2], $0x80, s9, s2, $0xb8;
	[tilespmem:$0x17500] =	vst v63  }
0x21: {  	s17 =	simm.s32 $0xF300;
	s18 =	simm.s32 $0x13500  }
0x22: {  	[tilespmem:s18], [sflag:$0x1] =	stream.indirect.gather [hbm4b:s1+s2], $0x80, s17, s2, $0xb8;
	[tilespmem:$0x17500] =	vst v63  }
0x23: {  	s19 =	simm.s32 $0xF380;
	s20 =	simm.s32 $0x14500  }
0x24: {  	[tilespmem:s20], [sflag:$0x1] =	stream.indirect.gather [hbm4b:s1+s2], $0x80, s19, s2, $0xb8;
	[tilespmem:$0x17500] =	vst v63  }
0x25: {  	s21 =	simm.s32 $0xF400;
	s22 =	simm.s32 $0x15500  }
0x26: {  	[tilespmem:s22], [sflag:$0x1] =	stream.indirect.gather [hbm4b:s1+s2], $0x80, s21, s2, $0xb8;
	[tilespmem:$0x17500] =	vst v63  }
0x27: {  	s23 =	simm.s32 $0xF480;
	s24 =	simm.s32 $0x16500  }
0x28: {  	[tilespmem:s24], [sflag:$0x1] =	stream.indirect.gather [hbm4b:s1+s2], $0x80, s23, s2, $0xb8;
	[tilespmem:$0x17500] =	vst v63  }
0x29: {  	_ =	swait.ge [sflag:s4], $0x1000  }
0x2a: {  	[sflag:s4] =	ssyncset.done $0x0  }
0x2b: {  	[sflag:s4] =	ssyncadd.s32 $0xFFFFF000  }
0x2c: {  	_ =	swait.ge [sflag:s4], $0x1000  }
0x2d: {  	[sflag:s4] =	ssyncset.done $0x0  }
0x2e: {  	[sflag:s4] =	ssyncadd.s32 $0xFFFFF000  }
0x2f: {  	_ =	swait.ge [sflag:s4], $0x1000  }
0x30: {  	[sflag:s4] =	ssyncset.done $0x0  }
0x31: {  	[sflag:s4] =	ssyncadd.s32 $0xFFFFF000  }
0x32: {  	_ =	swait.ge [sflag:s4], $0x1000  }
0x33: {  	[sflag:s4] =	ssyncset.done $0x0  }
0x34: {  	[sflag:s4] =	ssyncadd.s32 $0xFFFFF000  }
0x35: {  	_ =	swait.ge [sflag:s4], $0x1000  }
0x36: {  	[sflag:s4] =	ssyncset.done $0x0  }
0x37: {  	[sflag:s4] =	ssyncadd.s32 $0xFFFFF000  }
0x38: {  	_ =	swait.ge [sflag:s4], $0x1000  }
0x39: {  	[sflag:s4] =	ssyncset.done $0x0  }
0x3a: {  	[sflag:s4] =	ssyncadd.s32 $0xFFFFF000  }
0x3b: {  	_ =	swait.ge [sflag:s4], $0x1000  }
0x3c: {  	[sflag:s4] =	ssyncset.done $0x0  }
0x3d: {  	[sflag:s4] =	ssyncadd.s32 $0xFFFFF000  }
0x3e: {  	_ =	swait.ge [sflag:s4], $0x1000  }
0x3f: {  	s25 =	sshll.u32 s0, $0x4;
	[sflag:s4] =	ssyncset.done $0x0;
	s26 =	rddreg [dreg:$0x7]  }
0x40: {  	[sflag:s4] =	ssyncadd.s32 $0xFFFFF000;
	s7 =	sadd.s32 s26, s25  }
0x41: {  	[hbm4b:s7+s3] =	stream.linear.scatter [tilespmem:s10], [sflag:$0x2], $0x400, $0x38;
	[tilespmem:$0x17500] =	vst v63  }
0x42: {  	_ =	swait.ge [sflag:s12], $0x400  }
0x43: {  	[sflag:s12] =	ssyncset.done $0x0;
	s28 =	rddreg [dreg:$0x9]  }
0x44: {  	[sflag:s12] =	ssyncadd.s32 $0xFFFFFC00;
	s6 =	sadd.s32 s28, s25  }
0x45: {  	[hbm4b:s6+s3] =	stream.linear.scatter [tilespmem:s11], [sflag:$0x2], $0x400, $0x38;
	[tilespmem:$0x17500] =	vst v63  }
0x46: {  	_ =	swait.ge [sflag:s12], $0x400  }
0x47: {  	[sflag:s12] =	ssyncset.done $0x0  }
0x48: {  	s31 =	sadd.s32 $0x1, s31;
	[sflag:s12] =	ssyncadd.s32 $0xFFFFFC00  }
0x49: {  	s29 =	sshll.u32 s0, $0x9;
	p0 =	sne.s32 s31, $0x10;
	s30 =	rddreg [dreg:$0x3]  }
.Ltmp3:
0x4a: {  	s0 =	sadd.s32 s30, s29;
	(pc) =	sbr.rel @!p0 .LBB2_18-.Ltmp3, $4  }
0x4b: {  	[hbm4b:s0+s3] =	stream.linear.scatter [tilespmem:s13], [sflag:$0x2], $0x8000, $0x38;
	[tilespmem:$0x17500] =	vst v63  }
0x4c: {  	_ =	swait.ge [sflag:s12], $0x8000  }
0x4d: {  	[sflag:s12] =	ssyncset.done $0x0  }
0x4e: {  	[sflag:s12] =	ssyncadd.s32 $0xFFFF8000  }
.LBB2_2:
0x4f: {  	s16 =	sshll.u32 s31, $0x3;
	s0 =	rddreg [dreg:$0x8]  }
0x50: {  	s0 =	sor.u32 s0, s16  }
0x51: {  	s6 =	sshrl.u32 s0, $0x3  }
0x52: {  	s6 =	smul.u32 $0x380, s6  }
0x53: {  	s7 =	rddreg [dreg:$0x6]  }
0x54: {  	s17 =	simm.s32 $0x0;
	s30 =	simm.s32 $0x80;
	s6 =	sadd.s32 s7, s6  }
0x55: {  	[tilespmem:s30], [sflag:$0x2] =	stream.linear.gather [hbm4b:s6+s17], $0x1C00, $0x38;
	[tilespmem:$0x17500] =	vst v63  }
0x56: {  	_ =	swait.ge [sflag:s12], $0x1C00  }
0x57: {  	[sflag:s12] =	ssyncset.done $0x0  }
0x58: {  	s18 =	simm.s32 $0x0;
	[sflag:s12] =	ssyncadd.s32 $0xFFFFE400  }
.LBB2_3:
0x59: {  	s6 =	sor.u32 s16, s18  }
0x5a: {  	v11 =	vmov s6;
	_ =	sdelay $0x2  }
0x5b: {  	s19 =	sshll.u32 s18, $0x7  }
0x5c: {  	s25 =	sand.u32 $0x3FFFFF80, s19  }
0x5d: {  	s26 =	sand.u32 $0x1C00, s17;
	s24 =	sadd.s32 $0x80, s25;
	v11 =	vld.idx.msk [tilespmem:v11+s17+$0x0], $0xffff;
	[tilespmem:s19+$0x1C80] =	vst v0  }
0x5e: {  	s7 =	sand.u32 $0x70, s17;
	s6 =	sadd.s32 s26, s24;
	[tilespmem:s19+$0x1C90] =	vst v0  }
0x5f: {  	s6 =	sadd.s32 s7, s6;
	[tilespmem:s19+$0x1CA0] =	vst v0  }
0x60: {  	v12 =	vld [tilespmem:s6+$0x0];
	_ =	sdelay $0x4  }
0x61: {  	vm1 =	vge.f32 v12, v11  }
0x62: {  	v12 =	vmpcnt.ones.xlane vm1;
	_ =	sdelay $0x1  }
0x63: {  	v12 =	vxor.u32 $0x80000000, v12  }
0x64: {  	(xrf0) =	vmax.scan.msk.u32 $0xffff, v12;
	_ =	sdelay $0x2  }
0x65: {  	p0 =	por $0x1, $0x1  }
0x66: {  	s23 =	simm.s32 $0x10;
	s28 =	simm.s32 $0x20;
	s29 =	simm.s32 $0x0  }
0x67: {  	s22 =	sadd.s32 $0x1C80, s19;
	s21 =	sor.u32 $0x10, s19;
	s6 =	simm.s32 $0x0  }
0x68: {  	s20 =	sor.u32 $0x20, s19;
	s30 =	sand.u32 $0x70, s23;
	s6 =	simm.s32 @!p0 $0x30;
	v12, _, _ =	vpop (xrf0)  }
0x69: {  	s25 =	simm.s32 $0x0;
	s26 =	simm.s32 $0x80;
	s9 =	sand.u32 $0xFFFFFF80, s6;
	(v2sf) =	vpush v12, $0xF  }
0x6a: {  	s7 =	sand.u32 $0x1C00, s26;
	s6 =	sand.u32 $0x7F, s6;
	s9 =	sadd.s32 s9, s22  }
.LBB2_4:
0x6b: {  	p0 =	sne.s32 s28, $0x300;
	s7 =	sadd.s32 s7, s24;
	v12 =	vor.u32 s29, v1;
	s6 =	sadd.s32 s6, s9  }
0x6c: {  	s29 =	smov.u32 s23;
	s23 =	smov.u32 s28;
	s7 =	sadd.s32 s30, s7;
	[tilespmem:s6+$0x0] =	vst.msk vm1, v12  }
0x6d: {  	v12 =	vld [tilespmem:s7+$0x0];
	_ =	sdelay $0x4  }
0x6e: {  	vm1 =	vge.f32 v12, v11  }
0x6f: {  	v12 =	vmpcnt.ones.xlane vm1;
	_ =	sdelay $0x1  }
0x70: {  	v12 =	vxor.u32 $0x80000000, v12  }
0x71: {  	(xrf0) =	vmax.scan.msk.u32 $0xffff, v12;
	_ =	sdelay $0x1  }
0x72: {  	s6 =	spop (v2sf)  }
0x73: {  	s6 =	sadd.s32 s6, s25  }
.Ltmp4:
0x74: {  	s25 =	sadd.s32 $0x80000000, s6;
	(pc) =	sbr.rel @p0 .LBB2_4-.Ltmp4, $4  }
0x75: {  	p1 =	slt.s32 s25, $0x30;
	s6 =	smov.u32 s25  }
0x76: {  	s26 =	sadd.s32 $0x80, s26;
	s6 =	simm.s32 @!p1 $0x30;
	v12, _, _ =	vpop (xrf0)  }
0x77: {  	s30 =	sand.u32 $0x70, s28;
	s9 =	sand.u32 $0xFFFFFF80, s6;
	s6 =	sand.u32 $0x7F, s6;
	(v2sf) =	vpush v12, $0xF  }
0x78: {  	s28 =	sadd.s32 $0x10, s28;
	s7 =	sand.u32 $0x1C00, s26;
	s9 =	sadd.s32 s9, s22  }
0x79: {  	s7 =	sadd.s32 s7, s24;
	v12 =	vor.u32 s29, v1;
	s6 =	sadd.s32 s6, s9  }
0x7a: {  	s7 =	sadd.s32 s30, s7;
	[tilespmem:s6+$0x0] =	vst.msk vm1, v12  }
0x7b: {  	v12 =	vld [tilespmem:s7+$0x0];
	_ =	sdelay $0x4  }
0x7c: {  	vm1 =	vge.f32 v12, v11  }
0x7d: {  	v11 =	vmpcnt.ones.xlane vm1;
	_ =	sdelay $0x1  }
0x7e: {  	v11 =	vxor.u32 $0x80000000, v11  }
0x7f: {  	(xrf0) =	vmax.scan.msk.u32 $0xffff, v11;
	_ =	sdelay $0x5  }
0x80: {  	v11, _, _ =	vpop (xrf0)  }
0x81: {  	(v2sf) =	vpush v11, $0xF;
	_ =	sdelay $0xc  }
0x82: {  	s26 =	spop (v2sf)  }
0x83: {  	s6 =	sadd.s32 s26, s25  }
0x84: {  	s6 =	sadd.s32 $0x80000000, s6;
	s28 =	spop (v2sf)  }
0x85: {  	s7 =	sadd.s32 s28, s6  }
0x86: {  	p0 =	slt.s32 s6, $0x30;
	s7 =	sadd.s32 $0x80000000, s7  }
0x87: {  	v11 =	vmov s18;
	s6 =	simm.s32 @!p0 $0x30;
	v63 =	vmov s7  }
0x88: {  	s29 =	sand.u32 $0xFFFFFF80, s6;
	vm2 =	vlt.s32 v63, $0x30  }
0x89: {  	s6 =	sand.u32 $0x7F, s6;
	s7 =	sadd.s32 s29, s22;
	v12 =	vnsel vm2, $0x30, v63  }
0x8a: {  	v13 =	vor.u32 s23, v1;
	s6 =	sadd.s32 s6, s7;
	v12 =	vbroadcast v12, $0x0  }
0x8b: {  	[tilespmem:s6+$0x0] =	vst.msk vm1, v13  }
0x8c: {  	[tilespmem:v11+s14+$0x0] =	vst.idx.msk $0x1, v12  }
0x8d: {  	v11 =	vld [tilespmem:s19+$0x1C80];
	_ =	sdelay $0x4  }
0x8e: {  	s30 =	sor.u32 s0, s18;
	v11 =	vshll.u32 v11, $0xC  }
0x8f: {  	v11 =	vadd.s32 s30, v11  }
0x90: {  	[tilespmem:s19+$0x2100] =	vst v11  }
0x91: {  	v11 =	vld [tilespmem:s21+$0x1C80];
	_ =	sdelay $0x4  }
0x92: {  	v11 =	vshll.u32 v11, $0xC  }
0x93: {  	v11 =	vadd.s32 s30, v11  }
0x94: {  	[tilespmem:s21+$0x2100] =	vst v11  }
0x95: {  	v11 =	vld [tilespmem:s20+$0x1C80]  }
0x96: {  	s18 =	sadd.s32 $0x1, s18  }
0x97: {  	p0 =	sne.s32 s18, $0x8  }
.Ltmp5:
0x98: {  	_ = 	snop;
	(pc) =	sbr.rel @p0 .LBB2_3-.Ltmp5, $4  }
0x99: {  	_ = 	snop  }
0x9a: {  	v11 =	vshll.u32 v11, $0xC  }
0x9b: {  	v11 =	vadd.s32 s30, v11  }
0x9c: {  	[tilespmem:s20+$0x2100] =	vst v11  }
0x9d: {  	s6 =	simm.s32 $0x2100;
	s7 =	simm.s32 $0x2500  }
0x9e: {  	[tilespmem:s7], [sflag:$0x1] =	stream.indirect.gather [hbm4b:s5+s15], $0x80, s6, s15, $0xb8;
	[tilespmem:$0x17500] =	vst v63  }
0x9f: {  	s9 =	simm.s32 $0x2180;
	s17 =	simm.s32 $0x3D00  }
0xa0: {  	[tilespmem:s17], [sflag:$0x1] =	stream.indirect.gather [hbm4b:s5+s15], $0x80, s9, s15, $0xb8;
	[tilespmem:$0x17500] =	vst v63  }
0xa1: {  	s18 =	simm.s32 $0x2200;
	s19 =	simm.s32 $0x5500  }
0xa2: {  	[tilespmem:s19], [sflag:$0x1] =	stream.indirect.gather [hbm4b:s5+s15], $0x80, s18, s15, $0xb8;
	[tilespmem:$0x17500] =	vst v63  }
0xa3: {  	s20 =	simm.s32 $0x2280;
	s21 =	simm.s32 $0x6D00  }
0xa4: {  	[tilespmem:s21], [sflag:$0x1] =	stream.indirect.gather [hbm4b:s5+s15], $0x80, s20, s15, $0xb8;
	[tilespmem:$0x17500] =	vst v63  }
0xa5: {  	s22 =	simm.s32 $0x2300;
	s23 =	simm.s32 $0x8500  }
0xa6: {  	[tilespmem:s23], [sflag:$0x1] =	stream.indirect.gather [hbm4b:s5+s15], $0x80, s22, s15, $0xb8;
	[tilespmem:$0x17500] =	vst v63  }
0xa7: {  	s24 =	simm.s32 $0x2380;
	s25 =	simm.s32 $0x9D00  }
0xa8: {  	[tilespmem:s25], [sflag:$0x1] =	stream.indirect.gather [hbm4b:s5+s15], $0x80, s24, s15, $0xb8;
	[tilespmem:$0x17500] =	vst v63  }
0xa9: {  	s26 =	simm.s32 $0x2400;
	s28 =	simm.s32 $0xB500  }
0xaa: {  	[tilespmem:s28], [sflag:$0x1] =	stream.indirect.gather [hbm4b:s5+s15], $0x80, s26, s15, $0xb8;
	[tilespmem:$0x17500] =	vst v63  }
0xab: {  	s29 =	simm.s32 $0x2480;
	s30 =	simm.s32 $0xCD00  }
0xac: {  	[tilespmem:s30], [sflag:$0x1] =	stream.indirect.gather [hbm4b:s5+s15], $0x80, s29, s15, $0xb8;
	[tilespmem:$0x17500] =	vst v63  }
0xad: {  	_ =	swait.ge [sflag:s4], $0x1800  }
0xae: {  	[sflag:s4] =	ssyncset.done $0x0  }
0xaf: {  	[sflag:s4] =	ssyncadd.s32 $0xFFFFE800  }
0xb0: {  	_ =	swait.ge [sflag:s4], $0x1800  }
0xb1: {  	[sflag:s4] =	ssyncset.done $0x0  }
0xb2: {  	[sflag:s4] =	ssyncadd.s32 $0xFFFFE800  }
0xb3: {  	_ =	swait.ge [sflag:s4], $0x1800  }
0xb4: {  	[sflag:s4] =	ssyncset.done $0x0  }
0xb5: {  	[sflag:s4] =	ssyncadd.s32 $0xFFFFE800  }
0xb6: {  	_ =	swait.ge [sflag:s4], $0x1800  }
0xb7: {  	[sflag:s4] =	ssyncset.done $0x0  }
0xb8: {  	[sflag:s4] =	ssyncadd.s32 $0xFFFFE800  }
0xb9: {  	_ =	swait.ge [sflag:s4], $0x1800  }
0xba: {  	[sflag:s4] =	ssyncset.done $0x0  }
0xbb: {  	[sflag:s4] =	ssyncadd.s32 $0xFFFFE800  }
0xbc: {  	_ =	swait.ge [sflag:s4], $0x1800  }
0xbd: {  	[sflag:s4] =	ssyncset.done $0x0  }
0xbe: {  	[sflag:s4] =	ssyncadd.s32 $0xFFFFE800  }
0xbf: {  	_ =	swait.ge [sflag:s4], $0x1800  }
.Ltmp6:
0xc0: {  	[sflag:s4] =	ssyncset.done $0x0;
	(pc) =	sbr.rel .LBB2_7-.Ltmp6, $4  }
0xc1: {  	[sflag:s4] =	ssyncadd.s32 $0xFFFFE800  }
0xc2: {  	_ =	swait.ge [sflag:s4], $0x1800  }
0xc3: {  	[sflag:s4] =	ssyncset.done $0x0  }
0xc4: {  	s17 =	simm.s32 $0x0;
	s24 =	simm.s32 $0x2540;
	[sflag:s4] =	ssyncadd.s32 $0xFFFFE800  }
.LBB2_15:
0xc5: {  	vm4 =	vgt.f32 v15, v12;
	vm5 =	vgt.f32 v18, v12  }
0xc6: {  	vm6 =	veq.f32 v18, v12;
	vm7 =	vlt.s32 v17, v13;
	vm8 =	vlt.s32 v14, v13  }
0xc7: {  	vm15 =	vlt.s32 v16, v13;
	vm2 =	vmand vm2, vm7;
	vm3 =	vmand vm3, vm8  }
0xc8: {  	vm1 =	vmor vm1, vm2;
	vm2 =	vmor vm4, vm3;
	vm3 =	vmand vm6, vm15  }
0xc9: {  	v60 =	vmpcnt.ones.xlane vm1;
	v61 =	vmpcnt.ones.xlane vm2;
	vm1 =	vmor vm5, vm3  }
0xca: {  	v62 =	vmpcnt.ones.xlane vm1  }
0xcb: {  	v14 =	vadd.s32 v60, v61  }
0xcc: {  	v14 =	vadd.s32 v62, v14  }
0xcd: {  	vm1 =	vlt.s32 v14, $0x20;
	v63 =	vand.u32 $0xFFFFFF80, v14  }
0xce: {  	v14 =	vand.u32 $0x7F, v14;
	vm1 =	vmand vm1, vm0;
	v11 =	vadd.s32 v11, v63  }
0xcf: {  	v11 =	vor.u32 v14, v11;
	_ =	sdelay $0x4  }
0xd0: {  	[tilespmem:v11+s10+$0x0] =	vst.idx.msk vm1, v12  }
0xd1: {  	[tilespmem:v11+s11+$0x0] =	vst.idx.msk vm1, v13  }
.LBB2_16:
0xd2: {  	s17 =	sadd.s32 $0x1, s17  }
0xd3: {  	p0 =	sne.s32 s17, $0x8  }
.Ltmp7:
0xd4: {  	_ = 	snop;
	(pc) =	sbr.rel @!p0 .LBB2_17-.Ltmp7, $2  }
0xd5: {  	_ =	sdelay $0x2  }
0xd6: {  	s24 =	sadd.s32 $0x1800, s24  }
.LBB2_7:
0xd7: {  	v11 =	vmov s17;
	_ =	sdelay $0x4  }
0xd8: {  	v12 =	vld.idx.msk [tilespmem:v11+s14+$0x0], $0xffff;
	_ =	sdelay $0x4  }
0xd9: {  	v12 =	vxor.u32 $0x80000000, v12  }
0xda: {  	(xrf0) =	vmax.scan.msk.u32 $0xffff, v12;
	_ =	sdelay $0x5  }
0xdb: {  	v12, _, _ =	vpop (xrf0)  }
0xdc: {  	(v2sf) =	vpush v12, $0xF;
	_ =	sdelay $0xa  }
0xdd: {  	s6 =	sor.u32 s16, s17  }
0xde: {  	v12 =	vmov s6;
	_ =	sdelay $0x2  }
0xdf: {  	s30 =	spop (v2sf)  }
0xe0: {  	s19 =	sshll.u32 s17, $0x7;
	s23 =	sxor.u32 $0x80000000, s30  }
0xe1: {  	v12 =	vld.idx.msk [tilespmem:v12+s3+$0x0], $0xffff;
	[tilespmem:s19+$0xE500] =	vst v2;
	p0 =	slt.s32 s23, $0x1  }
.Ltmp8:
0xe2: {  	[tilespmem:s19+$0xE900] =	vst v3;
	(pc) =	sbr.rel @p0 .LBB2_16-.Ltmp8, $4  }
0xe3: {  	[tilespmem:s19+$0xE510] =	vst v2  }
0xe4: {  	[tilespmem:s19+$0xE910] =	vst v3  }
0xe5: {  	[tilespmem:s19+$0xE520] =	vst v2  }
0xe6: {  	[tilespmem:s19+$0xE920] =	vst v3  }
0xe7: {  	s22 =	simm.s32 $0x0  }
0xe8: {  	p1 =	sne.s32 s23, $0x1;
	v13 =	vmov s22  }
.Ltmp9:
0xe9: {  	_ = 	snop;
	(pc) =	sbr.rel @!p1 .LBB2_9-.Ltmp9, $4  }
0xea: {  	s6 =	sadd.s32 $0x1C80, s19  }
0xeb: {  	[dreg:$0x5] =	wrdreg s6  }
0xec: {  	s20 =	sadd.s32 $0xE500, s19;
	v14 =	vld [tilespmem:s24+$0xFFFFFFC0];
	s6 =	rddreg [dreg:$0x5]  }
0xed: {  	s21 =	sadd.s32 $0xE900, s19;
	s18 =	simm.s32 $0x1;
	p0 =	por $0x0, $0x0;
	v13 =	vld.idx.msk [tilespmem:v13+s6+$0x0], $0xffff  }
0xee: {  	_ = 	snop  }
0xef: {  	p0 =	por $0x1, $0x1;
	s6 =	simm.s32 $0x0  }
0xf0: {  	s6 =	simm.s32 @!p0 $0x30  }
0xf1: {  	s7 =	sand.u32 $0xFFFFFF80, s6;
	vm1 =	vge.f32 v14, v12  }
0xf2: {  	s6 =	sand.u32 $0x7F, s6;
	s7 =	sadd.s32 s19, s7;
	v15 =	vmpcnt.ones.xlane vm1  }
0xf3: {  	v13 =	vshll.u32 v13, $0x7;
	s6 =	sor.u32 s6, s7  }
0xf4: {  	v16 =	vor.u32 v1, v13;
	[tilespmem:s6+$0xE500] =	vst.msk vm1, v14;
	v14 =	vxor.u32 $0x80000000, v15  }
0xf5: {  	[tilespmem:s6+$0xE900] =	vst.msk vm1, v16;
	(xrf0) =	vmax.scan.msk.u32 $0xffff, v14  }
0xf6: {  	v14 =	vld [tilespmem:s24+$0xFFFFFFD0];
	_ =	sdelay $0x4  }
0xf7: {  	vm1 =	vge.f32 v14, v12;
	v15, _, _ =	vpop (xrf0)  }
0xf8: {  	v60 =	vmpcnt.ones.xlane vm1;
	(v2sf) =	vpush v15, $0xF;
	_ =	sdelay $0x1  }
0xf9: {  	v15 =	vxor.u32 $0x80000000, v60  }
0xfa: {  	(xrf0) =	vmax.scan.msk.u32 $0xffff, v15;
	_ =	sdelay $0x5  }
0xfb: {  	v15, _, _ =	vpop (xrf0)  }
0xfc: {  	(v2sf) =	vpush v15, $0xF;
	_ =	sdelay $0x4  }
0xfd: {  	s29 =	spop (v2sf)  }
0xfe: {  	s6 =	sadd.s32 $0x0, s29  }
0xff: {  	s6 =	sadd.s32 $0x80000000, s6  }
0x100: {  	p0 =	slt.s32 s6, $0x30;
	s7 =	smov.u32 s6  }
0x101: {  	s7 =	simm.s32 @!p0 $0x30  }
0x102: {  	s9 =	sand.u32 $0xFFFFFF80, s7  }
0x103: {  	s7 =	sand.u32 $0x7F, s7;
	s9 =	sadd.s32 s19, s9  }
0x104: {  	s7 =	sor.u32 s7, s9  }
0x105: {  	[tilespmem:s7+$0xE500] =	vst.msk vm1, v14;
	v14 =	vor.u32 v4, v13  }
0x106: {  	[tilespmem:s7+$0xE900] =	vst.msk vm1, v14  }
0x107: {  	s30 =	spop (v2sf);
	v14 =	vld [tilespmem:s24+$0xFFFFFFE0]  }
0x108: {  	s6 =	sadd.s32 s30, s6  }
0x109: {  	s6 =	sadd.s32 $0x80000000, s6  }
0x10a: {  	p0 =	slt.s32 s6, $0x30;
	s7 =	smov.u32 s6  }
0x10b: {  	s7 =	simm.s32 @!p0 $0x30  }
0x10c: {  	s8 =	sand.u32 $0xFFFFFF80, s7;
	vm1 =	vge.f32 v14, v12  }
0x10d: {  	s7 =	sand.u32 $0x7F, s7;
	s9 =	sadd.s32 s19, s8;
	v15 =	vmpcnt.ones.xlane vm1  }
0x10e: {  	s7 =	sor.u32 s7, s9  }
0x10f: {  	[tilespmem:s7+$0xE500] =	vst.msk vm1, v14;
	v14 =	vor.u32 v5, v13;
	v15 =	vxor.u32 $0x80000000, v15  }
0x110: {  	[tilespmem:s7+$0xE900] =	vst.msk vm1, v14;
	(xrf0) =	vmax.scan.msk.u32 $0xffff, v15  }
0x111: {  	v14 =	vld [tilespmem:s24+$0xFFFFFFF0];
	_ =	sdelay $0x4  }
0x112: {  	vm1 =	vge.f32 v14, v12;
	v15, _, _ =	vpop (xrf0)  }
0x113: {  	v61 =	vmpcnt.ones.xlane vm1;
	(v2sf) =	vpush v15, $0xF;
	_ =	sdelay $0x1  }
0x114: {  	v15 =	vxor.u32 $0x80000000, v61  }
0x115: {  	(xrf0) =	vmax.scan.msk.u32 $0xffff, v15;
	_ =	sdelay $0x5  }
0x116: {  	v15, _, _ =	vpop (xrf0)  }
0x117: {  	(v2sf) =	vpush v15, $0xF;
	_ =	sdelay $0x4  }
0x118: {  	s25 =	spop (v2sf)  }
0x119: {  	s6 =	sadd.s32 s25, s6  }
0x11a: {  	s6 =	sadd.s32 $0x80000000, s6  }
0x11b: {  	p0 =	slt.s32 s6, $0x30;
	s7 =	smov.u32 s6  }
0x11c: {  	s7 =	simm.s32 @!p0 $0x30  }
0x11d: {  	s26 =	sand.u32 $0xFFFFFF80, s7  }
0x11e: {  	s7 =	sand.u32 $0x7F, s7;
	s9 =	sadd.s32 s19, s26  }
0x11f: {  	s7 =	sor.u32 s7, s9  }
0x120: {  	[tilespmem:s7+$0xE500] =	vst.msk vm1, v14;
	v14 =	vor.u32 v6, v13  }
0x121: {  	[tilespmem:s7+$0xE900] =	vst.msk vm1, v14  }
0x122: {  	s28 =	spop (v2sf);
	v14 =	vld [tilespmem:s24+$0x0]  }
0x123: {  	s6 =	sadd.s32 s28, s6  }
0x124: {  	s6 =	sadd.s32 $0x80000000, s6  }
0x125: {  	p0 =	slt.s32 s6, $0x30;
	s7 =	smov.u32 s6  }
0x126: {  	s7 =	simm.s32 @!p0 $0x30  }
0x127: {  	s29 =	sand.u32 $0xFFFFFF80, s7;
	vm1 =	vge.f32 v14, v12  }
0x128: {  	s7 =	sand.u32 $0x7F, s7;
	s9 =	sadd.s32 s19, s29;
	v15 =	vmpcnt.ones.xlane vm1  }
0x129: {  	s7 =	sor.u32 s7, s9  }
0x12a: {  	[tilespmem:s7+$0xE500] =	vst.msk vm1, v14;
	v14 =	vor.u32 v7, v13;
	v15 =	vxor.u32 $0x80000000, v15  }
0x12b: {  	[tilespmem:s7+$0xE900] =	vst.msk vm1, v14;
	(xrf0) =	vmax.scan.msk.u32 $0xffff, v15  }
0x12c: {  	v14 =	vld [tilespmem:s24+$0x10];
	_ =	sdelay $0x4  }
0x12d: {  	vm1 =	vge.f32 v14, v12;
	v15, _, _ =	vpop (xrf0)  }
0x12e: {  	v62 =	vmpcnt.ones.xlane vm1;
	(v2sf) =	vpush v15, $0xF;
	_ =	sdelay $0x1  }
0x12f: {  	v15 =	vxor.u32 $0x80000000, v62  }
0x130: {  	(xrf0) =	vmax.scan.msk.u32 $0xffff, v15;
	_ =	sdelay $0x5  }
0x131: {  	v15, _, _ =	vpop (xrf0)  }
0x132: {  	(v2sf) =	vpush v15, $0xF;
	_ =	sdelay $0x4  }
0x133: {  	s30 =	spop (v2sf)  }
0x134: {  	s6 =	sadd.s32 s30, s6  }
0x135: {  	s6 =	sadd.s32 $0x80000000, s6  }
0x136: {  	p0 =	slt.s32 s6, $0x30;
	s7 =	smov.u32 s6  }
0x137: {  	s7 =	simm.s32 @!p0 $0x30  }
0x138: {  	s8 =	sand.u32 $0xFFFFFF80, s7  }
0x139: {  	s7 =	sand.u32 $0x7F, s7;
	s9 =	sadd.s32 s19, s8  }
0x13a: {  	s7 =	sor.u32 s7, s9  }
0x13b: {  	[tilespmem:s7+$0xE500] =	vst.msk vm1, v14;
	v14 =	vor.u32 v8, v13  }
0x13c: {  	[tilespmem:s7+$0xE900] =	vst.msk vm1, v14  }
0x13d: {  	s9 =	spop (v2sf);
	v14 =	vld [tilespmem:s24+$0x20]  }
0x13e: {  	s6 =	sadd.s32 s9, s6  }
0x13f: {  	s6 =	sadd.s32 $0x80000000, s6  }
0x140: {  	p0 =	slt.s32 s6, $0x30;
	s7 =	smov.u32 s6  }
0x141: {  	s7 =	simm.s32 @!p0 $0x30  }
0x142: {  	s25 =	sand.u32 $0xFFFFFF80, s7;
	vm1 =	vge.f32 v14, v12  }
0x143: {  	s7 =	sand.u32 $0x7F, s7;
	s9 =	sadd.s32 s19, s25;
	v15 =	vmpcnt.ones.xlane vm1  }
0x144: {  	s7 =	sor.u32 s7, s9  }
0x145: {  	[tilespmem:s7+$0xE500] =	vst.msk vm1, v14;
	v14 =	vor.u32 v9, v13;
	v15 =	vxor.u32 $0x80000000, v15  }
0x146: {  	[tilespmem:s7+$0xE900] =	vst.msk vm1, v14;
	(xrf0) =	vmax.scan.msk.u32 $0xffff, v15  }
0x147: {  	v14 =	vld [tilespmem:s24+$0x30];
	_ =	sdelay $0x4  }
0x148: {  	vm1 =	vge.f32 v14, v12;
	v15, _, _ =	vpop (xrf0)  }
0x149: {  	v63 =	vmpcnt.ones.xlane vm1;
	(v2sf) =	vpush v15, $0xF;
	_ =	sdelay $0x1  }
0x14a: {  	v15 =	vxor.u32 $0x80000000, v63  }
0x14b: {  	(xrf0) =	vmax.scan.msk.u32 $0xffff, v15;
	_ =	sdelay $0x5  }
0x14c: {  	v15, _, _ =	vpop (xrf0)  }
0x14d: {  	(v2sf) =	vpush v15, $0xF;
	_ =	sdelay $0x4  }
0x14e: {  	s26 =	spop (v2sf)  }
0x14f: {  	s6 =	sadd.s32 s26, s6  }
0x150: {  	s6 =	sadd.s32 $0x80000000, s6  }
0x151: {  	p0 =	slt.s32 s6, $0x30;
	s7 =	smov.u32 s6  }
0x152: {  	s7 =	simm.s32 @!p0 $0x30  }
0x153: {  	s28 =	sand.u32 $0xFFFFFF80, s7  }
0x154: {  	p1 =	sne.s32 s23, $0x2;
	v15 =	vmov s18;
	s7 =	sand.u32 $0x7F, s7;
	s9 =	sadd.s32 s19, s28  }
.Ltmp10:
0x155: {  	s7 =	sor.u32 s7, s9;
	(pc) =	sbr.rel @!p1 .LBB2_12-.Ltmp10, $4  }
0x156: {  	v13 =	vor.u32 v10, v13;
	[tilespmem:s7+$0xE500] =	vst.msk vm1, v14  }
0x157: {  	s18 =	sadd.s32 $0x80, s24;
	[tilespmem:s7+$0xE900] =	vst.msk vm1, v13  }
0x158: {  	s29 =	rddreg [dreg:$0x5];
	s30 =	spop (v2sf);
	v14 =	vld [tilespmem:s18+$0xFFFFFFC0]  }
0x159: {  	s25 =	simm.s32 $0x2;
	p0 =	por $0x1, $0x1;
	v13 =	vld.idx.msk [tilespmem:v15+s29+$0x0], $0xffff;
	s6 =	sadd.s32 s30, s6  }
.LBB2_11:
0x15a: {  	s6 =	sadd.s32 $0x80000000, s6  }
0x15b: {  	p2 =	slt.s32 s6, $0x30;
	s7 =	smov.u32 s6  }
0x15c: {  	s7 =	simm.s32 @!p2 $0x30  }
0x15d: {  	s9 =	sand.u32 $0xFFFFFF80, s7;
	vm1 =	vge.f32 v14, v12  }
0x15e: {  	s7 =	sand.u32 $0x7F, s7;
	s9 =	sadd.s32 s19, s9;
	v15 =	vmpcnt.ones.xlane vm1  }
0x15f: {  	v13 =	vshll.u32 v13, $0x7;
	s7 =	sor.u32 s7, s9  }
0x160: {  	v16 =	vor.u32 v1, v13;
	[tilespmem:s7+$0xE500] =	vst.msk vm1, v14;
	v14 =	vxor.u32 $0x80000000, v15  }
0x161: {  	[tilespmem:s7+$0xE900] =	vst.msk vm1, v16;
	(xrf0) =	vmax.scan.msk.u32 $0xffff, v14  }
0x162: {  	v14 =	vld [tilespmem:s18+$0xFFFFFFD0];
	_ =	sdelay $0x4  }
0x163: {  	vm1 =	vge.f32 v14, v12;
	v15, _, _ =	vpop (xrf0)  }
0x164: {  	v60 =	vmpcnt.ones.xlane vm1;
	(v2sf) =	vpush v15, $0xF;
	_ =	sdelay $0x1  }
0x165: {  	v15 =	vxor.u32 $0x80000000, v60  }
0x166: {  	(xrf0) =	vmax.scan.msk.u32 $0xffff, v15;
	_ =	sdelay $0x5  }
0x167: {  	v15, _, _ =	vpop (xrf0)  }
0x168: {  	(v2sf) =	vpush v15, $0xF;
	_ =	sdelay $0x4  }
0x169: {  	s28 =	spop (v2sf)  }
0x16a: {  	s6 =	sadd.s32 s28, s6  }
0x16b: {  	s6 =	sadd.s32 $0x80000000, s6  }
0x16c: {  	p2 =	slt.s32 s6, $0x30;
	s7 =	smov.u32 s6  }
0x16d: {  	s7 =	simm.s32 @!p2 $0x30  }
0x16e: {  	s29 =	sand.u32 $0xFFFFFF80, s7  }
0x16f: {  	s7 =	sand.u32 $0x7F, s7;
	s9 =	sadd.s32 s19, s29  }
0x170: {  	s7 =	sor.u32 s7, s9  }
0x171: {  	[tilespmem:s7+$0xE500] =	vst.msk vm1, v14;
	v14 =	vor.u32 v4, v13  }
0x172: {  	[tilespmem:s7+$0xE900] =	vst.msk vm1, v14  }
0x173: {  	s30 =	spop (v2sf);
	v14 =	vld [tilespmem:s18+$0xFFFFFFE0]  }
0x174: {  	s6 =	sadd.s32 s30, s6  }
0x175: {  	s6 =	sadd.s32 $0x80000000, s6  }
0x176: {  	p2 =	slt.s32 s6, $0x30;
	s7 =	smov.u32 s6  }
0x177: {  	s7 =	simm.s32 @!p2 $0x30  }
0x178: {  	s8 =	sand.u32 $0xFFFFFF80, s7;
	vm1 =	vge.f32 v14, v12  }
0x179: {  	s7 =	sand.u32 $0x7F, s7;
	s9 =	sadd.s32 s19, s8;
	v15 =	vmpcnt.ones.xlane vm1  }
0x17a: {  	s7 =	sor.u32 s7, s9  }
0x17b: {  	[tilespmem:s7+$0xE500] =	vst.msk vm1, v14;
	v14 =	vor.u32 v5, v13;
	v15 =	vxor.u32 $0x80000000, v15  }
0x17c: {  	[tilespmem:s7+$0xE900] =	vst.msk vm1, v14;
	(xrf0) =	vmax.scan.msk.u32 $0xffff, v15  }
0x17d: {  	v14 =	vld [tilespmem:s18+$0xFFFFFFF0];
	_ =	sdelay $0x4  }
0x17e: {  	vm1 =	vge.f32 v14, v12;
	v15, _, _ =	vpop (xrf0)  }
0x17f: {  	v61 =	vmpcnt.ones.xlane vm1;
	(v2sf) =	vpush v15, $0xF;
	_ =	sdelay $0x1  }
0x180: {  	v15 =	vxor.u32 $0x80000000, v61  }
0x181: {  	(xrf0) =	vmax.scan.msk.u32 $0xffff, v15;
	_ =	sdelay $0x5  }
0x182: {  	v15, _, _ =	vpop (xrf0)  }
0x183: {  	(v2sf) =	vpush v15, $0xF;
	_ =	sdelay $0x4  }
0x184: {  	s28 =	spop (v2sf)  }
0x185: {  	s6 =	sadd.s32 s28, s6  }
0x186: {  	s6 =	sadd.s32 $0x80000000, s6  }
0x187: {  	p2 =	slt.s32 s6, $0x30;
	s7 =	smov.u32 s6  }
0x188: {  	s7 =	simm.s32 @!p2 $0x30  }
0x189: {  	s29 =	sand.u32 $0xFFFFFF80, s7  }
0x18a: {  	s7 =	sand.u32 $0x7F, s7;
	s9 =	sadd.s32 s19, s29  }
0x18b: {  	s7 =	sor.u32 s7, s9  }
0x18c: {  	[tilespmem:s7+$0xE500] =	vst.msk vm1, v14;
	v14 =	vor.u32 v6, v13  }
0x18d: {  	[tilespmem:s7+$0xE900] =	vst.msk vm1, v14  }
0x18e: {  	s30 =	spop (v2sf);
	v14 =	vld [tilespmem:s18+$0x0]  }
0x18f: {  	s6 =	sadd.s32 s30, s6  }
0x190: {  	s6 =	sadd.s32 $0x80000000, s6  }
0x191: {  	p2 =	slt.s32 s6, $0x30;
	s7 =	smov.u32 s6  }
0x192: {  	s7 =	simm.s32 @!p2 $0x30  }
0x193: {  	s8 =	sand.u32 $0xFFFFFF80, s7;
	vm1 =	vge.f32 v14, v12  }
0x194: {  	s7 =	sand.u32 $0x7F, s7;
	s9 =	sadd.s32 s19, s8;
	v15 =	vmpcnt.ones.xlane vm1  }
0x195: {  	s7 =	sor.u32 s7, s9  }
0x196: {  	[tilespmem:s7+$0xE500] =	vst.msk vm1, v14;
	v14 =	vor.u32 v7, v13;
	v15 =	vxor.u32 $0x80000000, v15  }
0x197: {  	[tilespmem:s7+$0xE900] =	vst.msk vm1, v14;
	(xrf0) =	vmax.scan.msk.u32 $0xffff, v15  }
0x198: {  	v14 =	vld [tilespmem:s18+$0x10];
	_ =	sdelay $0x4  }
0x199: {  	vm1 =	vge.f32 v14, v12;
	v15, _, _ =	vpop (xrf0)  }
0x19a: {  	v62 =	vmpcnt.ones.xlane vm1;
	(v2sf) =	vpush v15, $0xF;
	_ =	sdelay $0x1  }
0x19b: {  	v15 =	vxor.u32 $0x80000000, v62  }
0x19c: {  	(xrf0) =	vmax.scan.msk.u32 $0xffff, v15;
	_ =	sdelay $0x5  }
0x19d: {  	v15, _, _ =	vpop (xrf0)  }
0x19e: {  	(v2sf) =	vpush v15, $0xF;
	_ =	sdelay $0x4  }
0x19f: {  	s28 =	spop (v2sf)  }
0x1a0: {  	s6 =	sadd.s32 s28, s6  }
0x1a1: {  	s6 =	sadd.s32 $0x80000000, s6  }
0x1a2: {  	p2 =	slt.s32 s6, $0x30;
	s7 =	smov.u32 s6  }
0x1a3: {  	s7 =	simm.s32 @!p2 $0x30  }
0x1a4: {  	s29 =	sand.u32 $0xFFFFFF80, s7  }
0x1a5: {  	s7 =	sand.u32 $0x7F, s7;
	s9 =	sadd.s32 s19, s29  }
0x1a6: {  	s7 =	sor.u32 s7, s9  }
0x1a7: {  	[tilespmem:s7+$0xE500] =	vst.msk vm1, v14;
	v14 =	vor.u32 v8, v13  }
0x1a8: {  	[tilespmem:s7+$0xE900] =	vst.msk vm1, v14  }
0x1a9: {  	s30 =	spop (v2sf);
	v14 =	vld [tilespmem:s18+$0x20]  }
0x1aa: {  	s6 =	sadd.s32 s30, s6  }
0x1ab: {  	s6 =	sadd.s32 $0x80000000, s6  }
0x1ac: {  	p2 =	slt.s32 s6, $0x30;
	s7 =	smov.u32 s6  }
0x1ad: {  	s7 =	simm.s32 @!p2 $0x30  }
0x1ae: {  	s8 =	sand.u32 $0xFFFFFF80, s7;
	vm1 =	vge.f32 v14, v12  }
0x1af: {  	s7 =	sand.u32 $0x7F, s7;
	s9 =	sadd.s32 s19, s8;
	v15 =	vmpcnt.ones.xlane vm1  }
0x1b0: {  	s7 =	sor.u32 s7, s9  }
0x1b1: {  	[tilespmem:s7+$0xE500] =	vst.msk vm1, v14;
	v14 =	vor.u32 v9, v13;
	v15 =	vxor.u32 $0x80000000, v15  }
0x1b2: {  	[tilespmem:s7+$0xE900] =	vst.msk vm1, v14;
	(xrf0) =	vmax.scan.msk.u32 $0xffff, v15  }
0x1b3: {  	v14 =	vld [tilespmem:s18+$0x30];
	_ =	sdelay $0x4  }
0x1b4: {  	vm1 =	vge.f32 v14, v12;
	v15, _, _ =	vpop (xrf0)  }
0x1b5: {  	v63 =	vmpcnt.ones.xlane vm1;
	(v2sf) =	vpush v15, $0xF;
	_ =	sdelay $0x1  }
0x1b6: {  	v15 =	vxor.u32 $0x80000000, v63  }
0x1b7: {  	(xrf0) =	vmax.scan.msk.u32 $0xffff, v15;
	_ =	sdelay $0x5  }
0x1b8: {  	v15, _, _ =	vpop (xrf0)  }
0x1b9: {  	(v2sf) =	vpush v15, $0xF;
	_ =	sdelay $0x4  }
0x1ba: {  	s9 =	spop (v2sf)  }
0x1bb: {  	s6 =	sadd.s32 s9, s6  }
0x1bc: {  	s6 =	sadd.s32 $0x80000000, s6  }
0x1bd: {  	p2 =	slt.s32 s6, $0x30;
	s7 =	smov.u32 s6  }
0x1be: {  	s7 =	simm.s32 @!p2 $0x30  }
0x1bf: {  	s26 =	smov.u32 s25;
	s25 =	sadd.s32 $0x1, s25;
	s28 =	sand.u32 $0xFFFFFF80, s7  }
0x1c0: {  	p1 =	sne.s32 s23, s25;
	v15 =	vmov s26;
	s7 =	sand.u32 $0x7F, s7;
	s9 =	sadd.s32 s19, s28  }
.Ltmp11:
0x1c1: {  	s7 =	sor.u32 s7, s9;
	(pc) =	sbr.rel @p1 .LBB2_11-.Ltmp11, $4  }
0x1c2: {  	v13 =	vor.u32 v10, v13;
	[tilespmem:s7+$0xE500] =	vst.msk vm1, v14  }
0x1c3: {  	s18 =	sadd.s32 $0x80, s18;
	[tilespmem:s7+$0xE900] =	vst.msk vm1, v13  }
0x1c4: {  	s29 =	rddreg [dreg:$0x5];
	s30 =	spop (v2sf);
	v14 =	vld [tilespmem:s18+$0xFFFFFFC0]  }
0x1c5: {  	v13 =	vld.idx.msk [tilespmem:v15+s29+$0x0], $0xffff;
	s6 =	sadd.s32 s30, s6  }
.LBB2_12:
0x1c6: {  	s6 =	sadd.s32 @p0 $0x80000000, s6  }
0x1c7: {  	s22 =	smov.u32 @p0 s6  }
0x1c8: {  	p0 =	slt.s32 s22, $0x30;
	s6 =	smov.u32 s22  }
0x1c9: {  	s6 =	simm.s32 @!p0 $0x30  }
0x1ca: {  	s7 =	sand.u32 $0xFFFFFF80, s6  }
0x1cb: {  	s6 =	sand.u32 $0x7F, s6;
	s7 =	sadd.s32 s19, s7  }
0x1cc: {  	vm1 =	vge.f32 v14, v12;
	v13 =	vshll.u32 v13, $0x7;
	s6 =	sor.u32 s6, s7  }
0x1cd: {  	v15 =	vmpcnt.ones.xlane vm1;
	v16 =	vor.u32 v1, v13;
	[tilespmem:s6+$0xE500] =	vst.msk vm1, v14  }
0x1ce: {  	[tilespmem:s6+$0xE900] =	vst.msk vm1, v16  }
0x1cf: {  	v40 =	vxor.u32 $0x80000000, v15;
	v41 =	vld [tilespmem:s18+$0xFFFFFFD0]  }
0x1d0: {  	(xrf0) =	vmax.scan.msk.u32 $0xffff, v40;
	_ =	sdelay $0x3  }
0x1d1: {  	vm1 =	vge.f32 v41, v12  }
0x1d2: {  	v42 =	vmpcnt.ones.xlane vm1  }
0x1d3: {  	v43, _, _ =	vpop (xrf0)  }
0x1d4: {  	(v2sf) =	vpush v43, $0xF;
	v14 =	vxor.u32 $0x80000000, v42  }
0x1d5: {  	(xrf0) =	vmax.scan.msk.u32 $0xffff, v14;
	_ =	sdelay $0x5  }
0x1d6: {  	v14, _, _ =	vpop (xrf0)  }
0x1d7: {  	(v2sf) =	vpush v14, $0xF;
	_ =	sdelay $0x6  }
0x1d8: {  	s23 =	spop (v2sf)  }
0x1d9: {  	s25 =	sadd.s32 s23, s22  }
0x1da: {  	s6 =	sadd.s32 $0x80000000, s25  }
0x1db: {  	p0 =	slt.s32 s6, $0x30;
	s7 =	smov.u32 s6  }
0x1dc: {  	s7 =	simm.s32 @!p0 $0x30  }
0x1dd: {  	s9 =	sand.u32 $0xFFFFFF80, s7  }
0x1de: {  	s7 =	sand.u32 $0x7F, s7;
	s9 =	sadd.s32 s19, s9  }
0x1df: {  	s7 =	sor.u32 s7, s9  }
0x1e0: {  	v44 =	vor.u32 v4, v13;
	[tilespmem:s7+$0xE500] =	vst.msk vm1, v41;
	s25 =	spop (v2sf)  }
0x1e1: {  	[tilespmem:s7+$0xE900] =	vst.msk vm1, v44;
	s6 =	sadd.s32 s25, s6  }
0x1e2: {  	v14 =	vld [tilespmem:s18+$0xFFFFFFE0];
	s6 =	sadd.s32 $0x80000000, s6  }
0x1e3: {  	p0 =	slt.s32 s6, $0x30;
	s7 =	smov.u32 s6  }
0x1e4: {  	s7 =	simm.s32 @!p0 $0x30  }
0x1e5: {  	s26 =	sand.u32 $0xFFFFFF80, s7  }
0x1e6: {  	s7 =	sand.u32 $0x7F, s7;
	s9 =	sadd.s32 s19, s26  }
0x1e7: {  	vm1 =	vge.f32 v14, v12;
	s7 =	sor.u32 s7, s9  }
0x1e8: {  	v46 =	vor.u32 v5, v13;
	v45 =	vmpcnt.ones.xlane vm1;
	[tilespmem:s7+$0xE500] =	vst.msk vm1, v14  }
0x1e9: {  	[tilespmem:s7+$0xE900] =	vst.msk vm1, v46  }
0x1ea: {  	v47 =	vxor.u32 $0x80000000, v45;
	v48 =	vld [tilespmem:s18+$0xFFFFFFF0]  }
0x1eb: {  	(xrf0) =	vmax.scan.msk.u32 $0xffff, v47;
	_ =	sdelay $0x3  }
0x1ec: {  	vm1 =	vge.f32 v48, v12  }
0x1ed: {  	v49 =	vmpcnt.ones.xlane vm1  }
0x1ee: {  	v50, _, _ =	vpop (xrf0)  }
0x1ef: {  	(v2sf) =	vpush v50, $0xF;
	v14 =	vxor.u32 $0x80000000, v49  }
0x1f0: {  	(xrf0) =	vmax.scan.msk.u32 $0xffff, v14;
	_ =	sdelay $0x5  }
0x1f1: {  	v14, _, _ =	vpop (xrf0)  }
0x1f2: {  	(v2sf) =	vpush v14, $0xF;
	_ =	sdelay $0x6  }
0x1f3: {  	s26 =	spop (v2sf)  }
0x1f4: {  	s6 =	sadd.s32 s26, s6  }
0x1f5: {  	s6 =	sadd.s32 $0x80000000, s6  }
0x1f6: {  	p0 =	slt.s32 s6, $0x30;
	s7 =	smov.u32 s6  }
0x1f7: {  	s7 =	simm.s32 @!p0 $0x30  }
0x1f8: {  	s8 =	sand.u32 $0xFFFFFF80, s7  }
0x1f9: {  	s7 =	sand.u32 $0x7F, s7;
	s9 =	sadd.s32 s19, s8  }
0x1fa: {  	s7 =	sor.u32 s7, s9  }
0x1fb: {  	v51 =	vor.u32 v6, v13;
	[tilespmem:s7+$0xE500] =	vst.msk vm1, v48;
	s28 =	spop (v2sf)  }
0x1fc: {  	[tilespmem:s7+$0xE900] =	vst.msk vm1, v51;
	s6 =	sadd.s32 s28, s6  }
0x1fd: {  	v14 =	vld [tilespmem:s18+$0x0];
	s6 =	sadd.s32 $0x80000000, s6  }
0x1fe: {  	p0 =	slt.s32 s6, $0x30;
	s7 =	smov.u32 s6  }
0x1ff: {  	s7 =	simm.s32 @!p0 $0x30  }
0x200: {  	s8 =	sand.u32 $0xFFFFFF80, s7  }
0x201: {  	s7 =	sand.u32 $0x7F, s7;
	s9 =	sadd.s32 s19, s8  }
0x202: {  	vm1 =	vge.f32 v14, v12;
	s7 =	sor.u32 s7, s9  }
0x203: {  	v53 =	vor.u32 v7, v13;
	v52 =	vmpcnt.ones.xlane vm1;
	[tilespmem:s7+$0xE500] =	vst.msk vm1, v14  }
0x204: {  	[tilespmem:s7+$0xE900] =	vst.msk vm1, v53  }
0x205: {  	v54 =	vxor.u32 $0x80000000, v52;
	v55 =	vld [tilespmem:s18+$0x10]  }
0x206: {  	(xrf0) =	vmax.scan.msk.u32 $0xffff, v54;
	_ =	sdelay $0x3  }
0x207: {  	vm1 =	vge.f32 v55, v12  }
0x208: {  	v56 =	vmpcnt.ones.xlane vm1  }
0x209: {  	v57, _, _ =	vpop (xrf0)  }
0x20a: {  	(v2sf) =	vpush v57, $0xF;
	v14 =	vxor.u32 $0x80000000, v56  }
0x20b: {  	(xrf0) =	vmax.scan.msk.u32 $0xffff, v14;
	_ =	sdelay $0x5  }
0x20c: {  	v14, _, _ =	vpop (xrf0)  }
0x20d: {  	(v2sf) =	vpush v14, $0xF;
	_ =	sdelay $0x6  }
0x20e: {  	s29 =	spop (v2sf)  }
0x20f: {  	s6 =	sadd.s32 s29, s6  }
0x210: {  	s6 =	sadd.s32 $0x80000000, s6  }
0x211: {  	p0 =	slt.s32 s6, $0x30;
	s7 =	smov.u32 s6  }
0x212: {  	s7 =	simm.s32 @!p0 $0x30  }
0x213: {  	s8 =	sand.u32 $0xFFFFFF80, s7  }
0x214: {  	s7 =	sand.u32 $0x7F, s7;
	s9 =	sadd.s32 s19, s8  }
0x215: {  	s7 =	sor.u32 s7, s9  }
0x216: {  	v58 =	vor.u32 v8, v13;
	[tilespmem:s7+$0xE500] =	vst.msk vm1, v55;
	s30 =	spop (v2sf)  }
0x217: {  	[tilespmem:s7+$0xE900] =	vst.msk vm1, v58;
	s6 =	sadd.s32 s30, s6  }
0x218: {  	v14 =	vld [tilespmem:s18+$0x20];
	s6 =	sadd.s32 $0x80000000, s6  }
0x219: {  	p0 =	slt.s32 s6, $0x30;
	s7 =	smov.u32 s6  }
0x21a: {  	s7 =	simm.s32 @!p0 $0x30  }
0x21b: {  	s8 =	sand.u32 $0xFFFFFF80, s7  }
0x21c: {  	s7 =	sand.u32 $0x7F, s7;
	s9 =	sadd.s32 s19, s8  }
0x21d: {  	vm1 =	vge.f32 v14, v12;
	s7 =	sor.u32 s7, s9  }
0x21e: {  	v59 =	vor.u32 v9, v13;
	[tilespmem:s7+$0xE500] =	vst.msk vm1, v14  }
0x21f: {  	[tilespmem:s7+$0xE900] =	vst.msk vm1, v59  }
0x220: {  	v14 =	vld [tilespmem:s18+$0x30];
	_ =	sdelay $0x3  }
0x221: {  	v60 =	vmpcnt.ones.xlane vm1  }
0x222: {  	vm1 =	vge.f32 v14, v12  }
0x223: {  	v15 =	vxor.u32 $0x80000000, v60;
	v12 =	vmpcnt.ones.xlane vm1  }
0x224: {  	(xrf0) =	vmax.scan.msk.u32 $0xffff, v15  }
0x225: {  	v12 =	vxor.u32 $0x80000000, v12  }
0x226: {  	(xrf0) =	vmax.scan.msk.u32 $0xffff, v12;
	_ =	sdelay $0x3  }
0x227: {  	v61, _, _ =	vpop (xrf0)  }
0x228: {  	(v2sf) =	vpush v61, $0xF  }
0x229: {  	v62, _, _ =	vpop (xrf0)  }
0x22a: {  	(v2sf) =	vpush v62, $0xF;
	_ =	sdelay $0xc  }
0x22b: {  	s18 =	spop (v2sf)  }
0x22c: {  	s6 =	sadd.s32 s18, s6  }
0x22d: {  	s7 =	sadd.s32 $0x80000000, s6;
	s6 =	spop (v2sf)  }
0x22e: {  	p0 =	slt.s32 s7, $0x30;
	s9 =	smov.u32 s7;
	s7 =	sadd.s32 s6, s7  }
0x22f: {  	s7 =	sadd.s32 $0x80000000, s7  }
0x230: {  	s9 =	simm.s32 @!p0 $0x30;
	p0 =	slt.s32 s7, $0x1  }
.Ltmp12:
0x231: {  	s8 =	sand.u32 $0xFFFFFF80, s9;
	(pc) =	sbr.rel @p0 .LBB2_16-.Ltmp12, $4  }
0x232: {  	s9 =	sand.u32 $0x7F, s9;
	s8 =	sadd.s32 s19, s8  }
0x233: {  	s8 =	sor.u32 s9, s8  }
0x234: {  	v63 =	vor.u32 v10, v13;
	[tilespmem:s8+$0xE500] =	vst.msk vm1, v14  }
0x235: {  	[tilespmem:s8+$0xE900] =	vst.msk vm1, v63  }
0x236: {  	s7 =	sadd.s32 s25, s23  }
0x237: {  	s7 =	sadd.s32 s26, s7  }
0x238: {  	s7 =	sadd.s32 s28, s7  }
0x239: {  	s7 =	sadd.s32 s29, s7  }
0x23a: {  	s8 =	simm.s32 $0x0;
	s7 =	sadd.s32 s30, s7  }
0x23b: {  	v13 =	vmov s8;
	s7 =	sadd.s32 s18, s7  }
0x23c: {  	v15 =	vld [tilespmem:s19+$0xE510];
	s6 =	sadd.s32 s6, s7  }
0x23d: {  	v19 =	vld [tilespmem:s19+$0xE500];
	s18 =	sadd.s32 s22, s6  }
0x23e: {  	v14 =	vld [tilespmem:s19+$0xE910];
	p0 =	slt.s32 s18, $0x30  }
0x23f: {  	v18 =	vld [tilespmem:s19+$0xE520];
	s18 =	simm.s32 @!p0 $0x30  }
0x240: {  	v12 =	vld.idx.msk [tilespmem:v13+s20+$0x0], $0xffff;
	p0 =	sne.s32 s18, $0x1  }
.Ltmp13:
0x241: {  	v17 =	vld [tilespmem:s19+$0xE900];
	(pc) =	sbr.rel @!p0 .LBB2_15-.Ltmp13, $4  }
0x242: {  	v13 =	vld.idx.msk [tilespmem:v13+s21+$0x0], $0xffff  }
0x243: {  	v16 =	vld [tilespmem:s19+$0xE920]  }
0x244: {  	v11 =	vshll.u32 v11, $0x7  }
0x245: {  	s22 =	simm.s32 $0x1;
	vm1 =	vgt.f32 v19, v12;
	vm2 =	veq.f32 v19, v12;
	vm3 =	veq.f32 v15, v12  }
.LBB2_14:
0x246: {  	vm4 =	vgt.f32 v15, v12;
	vm5 =	vgt.f32 v18, v12;
	vm6 =	veq.f32 v18, v12;
	s6 =	smov.u32 s22;
	s22 =	sadd.s32 $0x1, s22  }
0x247: {  	vm7 =	vlt.s32 v17, v13;
	vm8 =	vlt.s32 v14, v13;
	v18 =	vmov s6;
	p0 =	sne.s32 s18, s22  }
0x248: {  	vm2 =	vmand vm2, vm7;
	vm3 =	vmand vm3, vm8;
	vm7 =	vlt.s32 v16, v13  }
0x249: {  	vm1 =	vmor vm1, vm2;
	vm2 =	vmor vm4, vm3;
	vm3 =	vmand vm6, vm7  }
0x24a: {  	v14 =	vmpcnt.ones.xlane vm1;
	v15 =	vmpcnt.ones.xlane vm2;
	vm1 =	vmor vm5, vm3  }
0x24b: {  	v16 =	vmpcnt.ones.xlane vm1  }
0x24c: {  	v14 =	vadd.s32 v14, v15  }
0x24d: {  	v14 =	vadd.s32 v16, v14  }
0x24e: {  	vm1 =	vlt.s32 v14, $0x20;
	v15 =	vand.u32 $0xFFFFFF80, v14  }
0x24f: {  	v14 =	vand.u32 $0x7F, v14;
	vm1 =	vmand vm1, vm0;
	v15 =	vadd.s32 v11, v15  }
0x250: {  	v14 =	vor.u32 v14, v15;
	_ =	sdelay $0x4  }
0x251: {  	[tilespmem:v14+s10+$0x0] =	vst.idx.msk vm1, v12  }
0x252: {  	[tilespmem:v14+s11+$0x0] =	vst.idx.msk vm1, v13  }
0x253: {  	v14 =	vld [tilespmem:s19+$0xE910]  }
0x254: {  	v15 =	vld [tilespmem:s19+$0xE510]  }
0x255: {  	v19 =	vld [tilespmem:s19+$0xE500]  }
0x256: {  	v12 =	vld.idx.msk [tilespmem:v18+s20+$0x0], $0xffff  }
0x257: {  	v13 =	vld.idx.msk [tilespmem:v18+s21+$0x0], $0xffff  }
.Ltmp14:
0x258: {  	v18 =	vld [tilespmem:s19+$0xE520];
	(pc) =	sbr.rel @p0 .LBB2_14-.Ltmp14, $3  }
0x259: {  	v17 =	vld [tilespmem:s19+$0xE900]  }
0x25a: {  	v16 =	vld [tilespmem:s19+$0xE920];
	_ =	sdelay $0x1  }
0x25b: {  	vm1 =	vgt.f32 v19, v12;
	vm2 =	veq.f32 v19, v12;
	vm3 =	veq.f32 v15, v12  }
.Ltmp15:
0x25c: {  	_ = 	snop;
	(pc) =	sbr.rel .LBB2_15-.Ltmp15, $1  }
0x25d: {  	_ =	sdelay $0x3  }
.LBB2_9:
.Ltmp16:
0x25e: {  	(pc) =	sbr.rel .LBB2_12-.Ltmp16, $2  }
0x25f: {  	_ =	sdelay $0x2  }
0x260: {  	s18 =	smov.u32 s24  }
.LBB2_19:
0x261: {  	_ =	sfence.sel $0x180000  }
0x262: {  	[bflag:$0x0] =	sbarrier.arrive $0xFFFF  }
0x263: {  	_ =	strace $0x90000047  }
0x264: {  	s0 =	stileid.u32;
	[bflag:$0x2] =	sbarrier.arrive $0xFFFF  }
0x265: {  	p0 =	sne.s32 s0, $0x0;
	s0 =	rddreg [dreg:$0x4]  }
0x266: {  	s0 =	sadd.s32 @!p0 $0x100000, s0  }
0x267: {  	[sflag:s0] =	ssyncadd.tile.s32 @!p0 $0x1;
	_ =	shalt  }
.Lfunc_end2:
_tile_overlayer_lowered:
.L_overlay_start_2:
0x268: {  	(tag) =	ssettag $0x2  }
0x269: {  	s0 =	rddreg [dreg:$0x0];
	s2 =	stileid.u32  }
0x26a: {  	s1 =	rddreg [dreg:$0x1];
	p0 =	sne.s32 s2, $0x0  }
0x26b: {  	s3 =	rddreg [dreg:$0x2];
	[bflag:$0x3] =	sbarrier.arrive $0xFFFF;
	s2 =	simm.s32 @!p0 $0x1C02  }
0x26c: {  	[timem:s3], [sflag:s2] =	dma.local @!p0 [hbm:s0], s1  }
0x26d: {  	s0 =	simm.s32 @!p0 $0x2  }
0x26e: {  	_ =	swait.ge @!p0 [sflag:s0], s1  }
0x26f: {  	s1 =	ssub.s32 @!p0 $0x0, s1;
	[sflag:s0] =	ssyncset.done @!p0 $0x0  }
0x270: {  	[sflag:s0] =	ssyncadd.s32 @!p0 s1  }
0x271: {  	[bflag:$0x3] =	sbarrier.arrive $0xFFFF  }
0x272: {  	_ =	shalt  }

</sc_bundles>
